<compile_context>
chip_gen: v7x
topology: tpu7x:2x2x1
jax: 0.10.2.dev20260603
libtpu: 0.0.44.dev20260713+nightly
codegen_flags: <defaults>
</compile_context>

<pallas_src>
import functools

import jax
import jax.numpy as jnp
from jax import lax
from jax.experimental import pallas as pl
from jax.experimental.pallas import tpu as pltpu
from jax.experimental.pallas import tpu_sc as plsc

NW = 32
LANES = 16


def _mesh():
    return plsc.VectorSubcoreMesh(core_axis_name="c", subcore_axis_name="s")


def _wid():
    return lax.axis_index("c") * 16 + lax.axis_index("s")


def _sc_dstat(ref_bxyz_flat, query_bxyz_flat, e_ref, e_query):
    E = e_ref.shape[0]
    NTAB = ref_bxyz_flat.shape[0]
    CH = 2000
    per_tile = E // NW
    nchunks = per_tile // CH
    assert per_tile % CH == 0

    def body(refb, qryb, er, eq, out, rtab, qtab, erbuf, eqbuf, accbuf,
             sem_r, sem_q):
        wid = _wid()
        tile_base = wid * per_tile
        cp_r = pltpu.async_copy(refb, rtab, sem_r)
        cp_q = pltpu.async_copy(qryb, qtab, sem_q)
        cp_r.wait()
        cp_q.wait()
        lid = lax.iota(jnp.int32, LANES)

        def chunk(i, accs):
            base = tile_base + i * CH
            pltpu.sync_copy(er.at[pl.ds(base, CH)], erbuf)
            pltpu.sync_copy(eq.at[pl.ds(base, CH)], eqbuf)

            def grp(g, accs):
                (ax, ay, az, axx, ayy, azz, axy, ayz, azx) = accs
                er4 = erbuf[pl.ds(g * LANES, LANES)] * 4
                eq4 = eqbuf[pl.ds(g * LANES, LANES)] * 4
                dx = (plsc.load_gather(rtab, [er4 + 1])
                      - plsc.load_gather(qtab, [eq4 + 1]))
                dy = (plsc.load_gather(rtab, [er4 + 2])
                      - plsc.load_gather(qtab, [eq4 + 2]))
                dz = (plsc.load_gather(rtab, [er4 + 3])
                      - plsc.load_gather(qtab, [eq4 + 3]))
                return (ax + dx, ay + dy, az + dz,
                        axx + dx * dx, ayy + dy * dy, azz + dz * dz,
                        axy + dx * dy, ayz + dy * dz, azx + dz * dx)

            return lax.fori_loop(0, CH // LANES, grp, accs)

        zero = jnp.zeros((LANES,), jnp.float32)
        accs = lax.fori_loop(0, nchunks, chunk, (zero,) * 9)
        for k in range(9):
            accbuf[k, :] = accs[k]
        pltpu.sync_copy(accbuf, out.at[wid])

    fn = pl.kernel(
        body,
        out_type=jax.ShapeDtypeStruct((NW, 9, LANES), jnp.float32),
        mesh=_mesh(),
        compiler_params=pltpu.CompilerParams(use_tc_tiling_on_sc=False, needs_layout_passes=False),
        scratch_types=[
            pltpu.VMEM((NTAB,), jnp.float32),
            pltpu.VMEM((NTAB,), jnp.float32),
            pltpu.VMEM((CH,), jnp.int32),
            pltpu.VMEM((CH,), jnp.int32),
            pltpu.VMEM((9, LANES), jnp.float32),
            pltpu.SemaphoreType.DMA,
            pltpu.SemaphoreType.DMA,
        ],
    )
    return fn(ref_bxyz_flat, query_bxyz_flat, e_ref, e_query)


def _tc_prep(dstat, ref_bxyz, query_bxyz, ref_feat,
             W_l0, g_l0, b_l0, W_f0, g_f0, b_f0, n_edges):
    N = ref_bxyz.shape[0]
    H = W_l0.shape[1]

    def body(ds_ref, rb_ref, qb_ref, rf_ref, wl_ref, gl_ref, bl_ref,
             wf_ref, gf_ref, bf_ref, u_ref, nv_ref):
        ds = ds_ref[...]
        tot = jnp.sum(ds, axis=(0, 2))
        e = jnp.float32(n_edges)
        sx, sy, sz = tot[0] / e, tot[1] / e, tot[2] / e
        sxx, syy, szz = tot[3] / e, tot[4] / e, tot[5] / e
        sxy, syz, szx = tot[6] / e, tot[7] / e, tot[8] / e

        wl = wl_ref[...]
        wx, wy, wz = wl[0, :], wl[1, :], wl[2, :]
        mean_y = sx * wx + sy * wy + sz * wz
        ey2 = (sxx * wx * wx + syy * wy * wy + szz * wz * wz
               + 2.0 * (sxy * wx * wy + syz * wy * wz + szx * wz * wx))
        var_y = ey2 - mean_y * mean_y
        a1 = gl_ref[...] / jnp.sqrt(var_y + 1e-3)
        c1 = bl_ref[...] - a1 * mean_y

        y = jnp.dot(rf_ref[...], wf_ref[...],
                    preferred_element_type=jnp.float32)
        mu = jnp.mean(y, axis=0)
        var = jnp.mean(y * y, axis=0) - mu * mu
        rf2 = gf_ref[...] * (y - mu) / jnp.sqrt(var + 1e-3) + bf_ref[...]

        a0 = jnp.dot(rb_ref[...][:, 1:4], wl,
                     preferred_element_type=jnp.float32)
        b0 = jnp.dot(qb_ref[...][:, 1:4], wl,
                     preferred_element_type=jnp.float32)
        u_ref[...] = a1 * a0 + rf2 + c1
        nv_ref[...] = -(a1 * b0)

    return pl.pallas_call(
        body,
        out_shape=[
            jax.ShapeDtypeStruct((N, H), jnp.float32),
            jax.ShapeDtypeStruct((N, H), jnp.float32),
        ],
    )(dstat, ref_bxyz, query_bxyz, ref_feat, W_l0, g_l0, b_l0,
      W_f0, g_f0, b_f0)


def _sc_gather(U, negV, e_ref, e_query):
    E = e_ref.shape[0]
    H = U.shape[1]
    CH = 128
    K = 4
    SUP = CH * K
    nsup = E // SUP
    assert E % SUP == 0
    sup_per_tile = (nsup + NW - 1) // NW

    def body(u_h, nv_h, er_h, eq_h, out_h, ir, iq, gbuf, sem_i, sem_g,
             sem_a, sem_o):
        wid = _wid()

        def sup(s, _):
            sc = wid + NW * s

            @pl.when(sc < nsup)
            def _():
                base = sc * SUP
                cps = [pltpu.async_copy(
                    er_h.at[pl.ds(base + j * CH, CH)], ir.at[j], sem_i)
                    for j in range(K)]
                cps += [pltpu.async_copy(
                    eq_h.at[pl.ds(base + j * CH, CH)], iq.at[j], sem_i)
                    for j in range(K)]
                for cp in cps:
                    cp.wait()
                cps = [pltpu.async_copy(u_h.at[ir.at[j]], gbuf.at[j], sem_g)
                       for j in range(K)]
                for cp in cps:
                    cp.wait()
                cps = [pltpu.async_copy(nv_h.at[iq.at[j]], gbuf.at[j],
                                        sem_a, add=True)
                       for j in range(K)]
                for cp in cps:
                    cp.wait()
                cps = [pltpu.async_copy(
                    gbuf.at[j], out_h.at[pl.ds(base + j * CH, CH)], sem_o)
                    for j in range(K)]
                for cp in cps:
                    cp.wait()

            return 0

        lax.fori_loop(0, sup_per_tile, sup, 0)

    fn = pl.kernel(
        body,
        out_type=jax.ShapeDtypeStruct((E, H), jnp.float32),
        mesh=_mesh(),
        compiler_params=pltpu.CompilerParams(use_tc_tiling_on_sc=False, needs_layout_passes=False),
        scratch_types=[
            pltpu.VMEM((K, CH), jnp.int32),
            pltpu.VMEM((K, CH), jnp.int32),
            pltpu.VMEM((K, CH, H), jnp.float32),
            pltpu.SemaphoreType.DMA,
            pltpu.SemaphoreType.DMA,
            pltpu.SemaphoreType.DMA,
            pltpu.SemaphoreType.DMA,
        ],
    )
    return fn(U, negV, e_ref, e_query)


def _tc_zstats(g, W1, b1_row):
    E, H = g.shape
    BE = 2560
    grid = E // BE
    assert E % BE == 0

    def body(g_ref, w_ref, b_ref, zs_ref, zq_ref):
        f = jnp.maximum(g_ref[...], 0.0)
        z = jnp.dot(f, w_ref[...], preferred_element_type=jnp.float32)
        z = z + b_ref[...]

        @pl.when(pl.program_id(0) == 0)
        def _():
            zs_ref[...] = jnp.zeros_like(zs_ref)
            zq_ref[...] = jnp.zeros_like(zq_ref)

        zs_ref[...] += jnp.sum(z, axis=0, keepdims=True)
        zq_ref[...] += jnp.sum(z * z, axis=0, keepdims=True)

    return pl.pallas_call(
        body,
        grid=(grid,),
        in_specs=[
            pl.BlockSpec((BE, H), lambda i: (i, 0)),
            pl.BlockSpec((H, H), lambda i: (0, 0)),
            pl.BlockSpec((1, H), lambda i: (0, 0)),
        ],
        out_specs=[
            pl.BlockSpec((1, H), lambda i: (0, 0)),
            pl.BlockSpec((1, H), lambda i: (0, 0)),
        ],
        out_shape=[
            jax.ShapeDtypeStruct((1, H), jnp.float32),
            jax.ShapeDtypeStruct((1, H), jnp.float32),
        ],
    )(g, W1, b1_row)


def _tc_obuild(g, W1, b1_row, g1_row, bb1_row, zsum, zsq):
    E, H = g.shape
    BE = 2560
    grid = E // BE

    def body(g_ref, w_ref, b_ref, g1_ref, bb_ref, zs_ref, zq_ref, o_ref):
        e = jnp.float32(E)
        mu = zs_ref[...] / e
        var = zq_ref[...] / e - mu * mu
        a2 = g1_ref[...] * lax.rsqrt(var + 1e-3)
        c2 = bb_ref[...] - a2 * mu
        f = jnp.maximum(g_ref[...], 0.0)
        z = jnp.dot(f, w_ref[...], preferred_element_type=jnp.float32)
        z = z + b_ref[...]
        o = jnp.maximum(a2 * z + c2, 0.0)
        o_ref[...] = o.T

    return pl.pallas_call(
        body,
        grid=(grid,),
        in_specs=[
            pl.BlockSpec((BE, H), lambda i: (i, 0)),
            pl.BlockSpec((H, H), lambda i: (0, 0)),
            pl.BlockSpec((1, H), lambda i: (0, 0)),
            pl.BlockSpec((1, H), lambda i: (0, 0)),
            pl.BlockSpec((1, H), lambda i: (0, 0)),
            pl.BlockSpec((1, H), lambda i: (0, 0)),
            pl.BlockSpec((1, H), lambda i: (0, 0)),
        ],
        out_specs=pl.BlockSpec((H, BE), lambda i: (0, i)),
        out_shape=jax.ShapeDtypeStruct((H, E), jnp.float32),
    )(g, W1, b1_row, g1_row, bb1_row, zsum, zsq)


def _sc_segmax(oT, e_query, N):
    H, E = oT.shape
    NCG = 8
    NEQ = NW // NCG
    CPG = H // NCG
    EQ_E = E // NEQ
    CH = 800
    nchunks = EQ_E // CH
    assert EQ_E % CH == 0 and CH % LANES == 0

    def body(ot_h, eq_h, out_h, qbuf, obuf, acc, tmp, scr16, shiftbuf,
             sem_q, sem_o):
        wid = _wid()
        cg = wid % NCG
        eq = wid // NCG
        c0 = cg * CPG
        lid = lax.iota(jnp.int32, LANES)
        zero16 = jnp.zeros((LANES,), jnp.float32)
        shiftbuf[pl.ds(0, LANES)] = jnp.full((LANES,), -1, jnp.int32)

        def zrow(i, _):
            acc[pl.ds(i * LANES, LANES)] = zero16
            return 0
        lax.fori_loop(0, (CPG * N) // LANES, zrow, 0)

        def chunk(k, _):
            base = eq * EQ_E + k * CH
            cpq = pltpu.async_copy(eq_h.at[pl.ds(base, CH)], qbuf, sem_q)
            cps = [pltpu.async_copy(
                ot_h.at[c0 + c, pl.ds(base, CH)], obuf.at[c], sem_o)
                for c in range(CPG)]
            cpq.wait()
            for cp in cps:
                cp.wait()

            def grp(gi, _):
                qv = qbuf[pl.ds(gi * LANES, LANES)]
                plsc.store_scatter(tmp, [qv], lid)
                back = plsc.load_gather(tmp, [qv])
                has_dup = lax.reduce_max(
                    (back != lid).astype(jnp.int32), (0,)) > 0

                def upd(c, mask):
                    vals = obuf[c, pl.ds(gi * LANES, LANES)]
                    aflat = acc
                    idx = qv + c * N
                    cur = plsc.load_gather(aflat, [idx], mask=mask)
                    plsc.store_scatter(aflat, [idx],
                                       jnp.maximum(cur, vals), mask=mask)

                def fast():
                    ones = lid >= 0
                    for c in range(CPG):
                        upd(c, ones)

                def slow():
                    sk, sv = plsc.sort_key_val(qv, lid)
                    shiftbuf[pl.ds(1, LANES)] = sk
                    prev = shiftbuf[pl.ds(0, LANES)]
                    isfirst = (lid == 0) | (sk != prev)
                    segstart = plsc.cummax(jnp.where(isfirst, lid, 0))
                    occ_sorted = lid - segstart
                    plsc.store_scatter(scr16, [sv], occ_sorted)
                    occ = scr16[...]
                    rounds = lax.reduce_max(occ_sorted, (0,)) + 1

                    def rbody(r, _):
                        m = occ == r
                        for c in range(CPG):
                            upd(c, m)
                        return 0

                    lax.fori_loop(0, rounds, rbody, 0)

                lax.cond(has_dup, slow, fast)
                return 0

            lax.fori_loop(0, CH // LANES, grp, 0)
            return 0

        lax.fori_loop(0, nchunks, chunk, 0)
        pltpu.sync_copy(acc, out_h.at[eq, pl.ds(c0 * N, CPG * N)])

    fn = pl.kernel(
        body,
        out_type=jax.ShapeDtypeStruct((NEQ, H * N), jnp.float32),
        mesh=_mesh(),
        compiler_params=pltpu.CompilerParams(use_tc_tiling_on_sc=False, needs_layout_passes=False),
        scratch_types=[
            pltpu.VMEM((CH,), jnp.int32),
            pltpu.VMEM((CPG, CH), jnp.float32),
            pltpu.VMEM((CPG * N,), jnp.float32),
            pltpu.VMEM((N,), jnp.int32),
            pltpu.VMEM((LANES,), jnp.int32),
            pltpu.VMEM((2 * LANES,), jnp.int32),
            pltpu.SemaphoreType.DMA,
            pltpu.SemaphoreType.DMA,
        ],
    )
    return fn(oT, e_query).reshape(NEQ, H, N)


def _tc_finish(P):
    NEQ, H, N = P.shape

    def body(p_ref, o_ref):
        m = jnp.max(p_ref[...], axis=0)
        o_ref[...] = m.T

    return pl.pallas_call(
        body,
        out_shape=jax.ShapeDtypeStruct((N, H), jnp.float32),
    )(P)


def kernel(ref_bxyz, ref_feat, query_bxyz, e_ref, e_query, e_weight,
           W_l0, g_l0, b_l0, W_f0, g_f0, b_f0, W1, b1, g1, bb1):
    del e_weight
    N = ref_bxyz.shape[0]
    E = e_ref.shape[0]
    H = W_l0.shape[1]

    dstat = _sc_dstat(ref_bxyz.reshape(-1), query_bxyz.reshape(-1),
                      e_ref, e_query)
    U, negV = _tc_prep(dstat, ref_bxyz, query_bxyz, ref_feat,
                       W_l0, g_l0, b_l0, W_f0, g_f0, b_f0, E)
    g = _sc_gather(U, negV, e_ref, e_query)
    b1_row = b1.reshape(1, H)
    zsum, zsq = _tc_zstats(g, W1, b1_row)
    oT = _tc_obuild(g, W1, b1_row, g1.reshape(1, H), bb1.reshape(1, H),
                    zsum, zsq)
    P = _sc_segmax(oT, e_query, N)
    return _tc_finish(P)

# --- scband reference (transcript-rebuilt; emitter-appended) ---
"""Pipeline reference for scband-edge-conv-67997922230594 (READ-ONLY COPY).

The authoritative reference and input builder live on the scoring server;
editing this copy changes nothing except your own understanding.
"""

import jax, jax.numpy as jnp
import numpy as np

N = 10000
E = 320000
IN_C = 128
H = 64


def _bn(x, g, b, eps=1e-3):
    # BatchNorm1d in training mode: batch statistics, biased variance
    mu = jnp.mean(x, axis=0)
    var = jnp.var(x, axis=0)
    return g * (x - mu) / jnp.sqrt(var + eps) + b


def setup_inputs(seed: int = 0) -> dict:
    key = jax.random.key(seed)
    ks = jax.random.split(key, 12)
    inp = {}
    inp["ref_bxyz"] = jax.random.normal(ks[0], (N, 4), dtype=jnp.float32)
    inp["ref_feat"] = jax.random.normal(ks[1], (N, IN_C), dtype=jnp.float32)
    inp["query_bxyz"] = jax.random.normal(ks[2], (N, 4), dtype=jnp.float32)
    inp["e_ref"] = jax.random.randint(ks[3], (E,), 0, N, dtype=jnp.int32)
    inp["e_query"] = jax.random.randint(ks[4], (E,), 0, N, dtype=jnp.int32)
    inp["e_weight"] = jax.random.uniform(ks[5], (E,), dtype=jnp.float32)
    # Learned parameters (Linear layers are bias=False for l0/f0, bias=True for mlp_convs)
    inp["W_l0"] = jax.random.normal(ks[6], (3, H), dtype=jnp.float32) * 0.1
    inp["g_l0"] = jnp.ones((H,), dtype=jnp.float32)
    inp["b_l0"] = jnp.zeros((H,), dtype=jnp.float32)
    inp["W_f0"] = jax.random.normal(ks[7], (IN_C, H), dtype=jnp.float32) * 0.05
    inp["g_f0"] = jnp.ones((H,), dtype=jnp.float32)
    inp["b_f0"] = jnp.zeros((H,), dtype=jnp.float32)
    inp["W1"] = jax.random.normal(ks[8], (H, H), dtype=jnp.float32) * 0.1
    inp["b1"] = jnp.zeros((H,), dtype=jnp.float32)
    inp["g1"] = jnp.ones((H,), dtype=jnp.float32)
    inp["bb1"] = jnp.zeros((H,), dtype=jnp.float32)
    return inp


def reference(ref_bxyz, ref_feat, query_bxyz, e_ref, e_query, e_weight,
              W_l0, g_l0, b_l0, W_f0, g_f0, b_f0, W1, b1, g1, bb1):
    # pos_diff = (ref.bxyz[e_ref] - query.bxyz[e_query])[:, 1:4]
    pos_diff = (jnp.take(ref_bxyz, e_ref, axis=0) - jnp.take(query_bxyz, e_query, axis=0))[:, 1:4]
    pos_feat = _bn(pos_diff @ W_l0, g_l0, b_l0)
    # in_channel > 0 branch
    ref_feat2 = _bn(ref_feat @ W_f0, g_f0, b_f0)
    edge_feat = jax.nn.relu(pos_feat + jnp.take(ref_feat2, e_ref, axis=0))
    # mlp_convs loop (one layer: 64 -> 64)
    edge_feat = jax.nn.relu(_bn(edge_feat @ W1 + b1, g1, bb1))
    # scatter max over e_query with dim_size = query count; empty segments -> 0 (torch_scatter semantics)
    query_feat = jax.ops.segment_max(edge_feat, e_query, num_segments=query_bxyz.shape[0])
    query_feat = jnp.where(jnp.isneginf(query_feat), 0.0, query_feat)
    return query_feat

if __name__ == "__main__":
    import jax
    _d = setup_inputs()
    print(jax.jit(kernel)(*tuple(_d.values())))

</pallas_src>

<mosaic_0001>
#map = affine_map<(d0, d1) -> (0)>
#map1 = affine_map<(d0, d1) -> (0, 0, 0)>
module attributes {stable_mosaic.version = 14 : i64} {
  func.func @body(%arg0: i32, %arg1: i32, %arg2: memref<40000xf32, #tpu.memory_space<hbm>>, %arg3: memref<40000xf32, #tpu.memory_space<hbm>>, %arg4: memref<320000xi32, #tpu.memory_space<hbm>>, %arg5: memref<320000xi32, #tpu.memory_space<hbm>>, %arg6: memref<32x9x16xf32, #tpu.memory_space<hbm>>, %arg7: memref<40000xf32, #tpu.memory_space<vmem>>, %arg8: memref<40000xf32, #tpu.memory_space<vmem>>, %arg9: memref<2000xi32, #tpu.memory_space<vmem>>, %arg10: memref<2000xi32, #tpu.memory_space<vmem>>, %arg11: memref<9x16xf32, #tpu.memory_space<vmem>>, %arg12: memref<!tpu.dma_semaphore, #tpu.memory_space<semaphore_mem>>, %arg13: memref<!tpu.dma_semaphore, #tpu.memory_space<semaphore_mem>>) attributes {dimension_semantics = [#tpu.dimension_semantics<core_parallel>, #tpu.dimension_semantics<subcore_parallel>], iteration_bounds = array<i64: 2, 16>, scalar_prefetch = 0 : i64, scratch_operands = 7 : i64, tpu.core_type = #tpu.core_type<sc_vector_subcore>, window_params = [{transform_indices = #map}, {transform_indices = #map}, {transform_indices = #map}, {transform_indices = #map}, {transform_indices = #map1}]} {
    %mul3A = arith.constant 16 : i32
    %mul3A_0 = arith.muli %arg0, %mul3A : i32
    %add3A = arith.addi %mul3A_0, %arg1 : i32
    %mul3A_1 = arith.constant 10000 : i32
    %mul3A_2 = arith.muli %add3A, %mul3A_1 : i32
    tpu.enqueue_dma source(%arg2 : memref<40000xf32, #tpu.memory_space<hbm>>) target(%arg7 : memref<40000xf32, #tpu.memory_space<vmem>>) target_semaphore(%arg12 : memref<!tpu.dma_semaphore, #tpu.memory_space<semaphore_mem>>)
    tpu.enqueue_dma source(%arg3 : memref<40000xf32, #tpu.memory_space<hbm>>) target(%arg8 : memref<40000xf32, #tpu.memory_space<vmem>>) target_semaphore(%arg13 : memref<!tpu.dma_semaphore, #tpu.memory_space<semaphore_mem>>)
    tpu.wait_dma2 semaphore(%arg12 : memref<!tpu.dma_semaphore, #tpu.memory_space<semaphore_mem>>) src(%arg2 : memref<40000xf32, #tpu.memory_space<hbm>>) dst(%arg7 : memref<40000xf32, #tpu.memory_space<vmem>>)
    tpu.wait_dma2 semaphore(%arg13 : memref<!tpu.dma_semaphore, #tpu.memory_space<semaphore_mem>>) src(%arg3 : memref<40000xf32, #tpu.memory_space<hbm>>) dst(%arg8 : memref<40000xf32, #tpu.memory_space<vmem>>)
    %iota3A = tpu.iota {dimensions = array<i32: 0>} : vector<16xi32>
    %broadcast_in_dim3A = arith.constant 0.000000e+00 : f32
    %broadcast_in_dim3A_3 = vector.broadcast %broadcast_in_dim3A : f32 to vector<16xf32>
    %scan3A = arith.constant 0 : i32
    %scan3A_4 = arith.constant 5 : i32
    %scan3A_5 = arith.addi %scan3A, %scan3A_4 : i32
    %scan3A_6 = arith.constant 1 : i32
    %scan3A_7:9 = scf.for %scan3A_44 = %scan3A to %scan3A_5 step %scan3A_6 iter_args(%scan3A_45 = %broadcast_in_dim3A_3, %scan3A_46 = %broadcast_in_dim3A_3, %scan3A_47 = %broadcast_in_dim3A_3, %scan3A_48 = %broadcast_in_dim3A_3, %scan3A_49 = %broadcast_in_dim3A_3, %scan3A_50 = %broadcast_in_dim3A_3, %scan3A_51 = %broadcast_in_dim3A_3, %scan3A_52 = %broadcast_in_dim3A_3, %scan3A_53 = %broadcast_in_dim3A_3) -> (vector<16xf32>, vector<16xf32>, vector<16xf32>, vector<16xf32>, vector<16xf32>, vector<16xf32>, vector<16xf32>, vector<16xf32>, vector<16xf32>)  : i32 {
      %mul3A_54 = arith.constant 2000 : i32
      %mul3A_55 = arith.muli %scan3A_44, %mul3A_54 : i32
      %add3A_56 = arith.addi %mul3A_2, %mul3A_55 : i32
      "tpu.region"() ({
        %run_scoped3A = tpu.sem_alloc : memref<!tpu.dma_semaphore, #tpu.memory_space<semaphore_mem>>
        %dma_start3A = tpu.memref_slice %arg4[%add3A_56] : memref<320000xi32, #tpu.memory_space<hbm>> -> memref<2000xi32, #tpu.memory_space<hbm>>
        %dma_start3A_63 = tpu.memref_slice %arg4[%add3A_56] : memref<320000xi32, #tpu.memory_space<hbm>> -> memref<2000xi32, #tpu.memory_space<hbm>>
        tpu.enqueue_dma source(%dma_start3A_63 : memref<2000xi32, #tpu.memory_space<hbm>>) target(%arg9 : memref<2000xi32, #tpu.memory_space<vmem>>) target_semaphore(%run_scoped3A : memref<!tpu.dma_semaphore, #tpu.memory_space<semaphore_mem>>)
        %dma_wait3A = tpu.memref_slice %arg4[%add3A_56] : memref<320000xi32, #tpu.memory_space<hbm>> -> memref<2000xi32, #tpu.memory_space<hbm>>
        %dma_wait3A_64 = tpu.memref_slice %arg4[%add3A_56] : memref<320000xi32, #tpu.memory_space<hbm>> -> memref<2000xi32, #tpu.memory_space<hbm>>
        tpu.wait_dma2 semaphore(%run_scoped3A : memref<!tpu.dma_semaphore, #tpu.memory_space<semaphore_mem>>) src(%dma_wait3A_64 : memref<2000xi32, #tpu.memory_space<hbm>>) dst(%arg9 : memref<2000xi32, #tpu.memory_space<vmem>>)
        tpu.yield
      }) : () -> ()
      "tpu.region"() ({
        %run_scoped3A = tpu.sem_alloc : memref<!tpu.dma_semaphore, #tpu.memory_space<semaphore_mem>>
        %dma_start3A = tpu.memref_slice %arg5[%add3A_56] : memref<320000xi32, #tpu.memory_space<hbm>> -> memref<2000xi32, #tpu.memory_space<hbm>>
        %dma_start3A_63 = tpu.memref_slice %arg5[%add3A_56] : memref<320000xi32, #tpu.memory_space<hbm>> -> memref<2000xi32, #tpu.memory_space<hbm>>
        tpu.enqueue_dma source(%dma_start3A_63 : memref<2000xi32, #tpu.memory_space<hbm>>) target(%arg10 : memref<2000xi32, #tpu.memory_space<vmem>>) target_semaphore(%run_scoped3A : memref<!tpu.dma_semaphore, #tpu.memory_space<semaphore_mem>>)
        %dma_wait3A = tpu.memref_slice %arg5[%add3A_56] : memref<320000xi32, #tpu.memory_space<hbm>> -> memref<2000xi32, #tpu.memory_space<hbm>>
        %dma_wait3A_64 = tpu.memref_slice %arg5[%add3A_56] : memref<320000xi32, #tpu.memory_space<hbm>> -> memref<2000xi32, #tpu.memory_space<hbm>>
        tpu.wait_dma2 semaphore(%run_scoped3A : memref<!tpu.dma_semaphore, #tpu.memory_space<semaphore_mem>>) src(%dma_wait3A_64 : memref<2000xi32, #tpu.memory_space<hbm>>) dst(%arg10 : memref<2000xi32, #tpu.memory_space<vmem>>)
        tpu.yield
      }) : () -> ()
      %scan3A_57 = arith.constant 0 : i32
      %scan3A_58 = arith.constant 125 : i32
      %scan3A_59 = arith.addi %scan3A_57, %scan3A_58 : i32
      %scan3A_60 = arith.constant 1 : i32
      %scan3A_61:9 = scf.for %scan3A_63 = %scan3A_57 to %scan3A_59 step %scan3A_60 iter_args(%scan3A_64 = %scan3A_45, %scan3A_65 = %scan3A_46, %scan3A_66 = %scan3A_47, %scan3A_67 = %scan3A_48, %scan3A_68 = %scan3A_49, %scan3A_69 = %scan3A_50, %scan3A_70 = %scan3A_51, %scan3A_71 = %scan3A_52, %scan3A_72 = %scan3A_53) -> (vector<16xf32>, vector<16xf32>, vector<16xf32>, vector<16xf32>, vector<16xf32>, vector<16xf32>, vector<16xf32>, vector<16xf32>, vector<16xf32>)  : i32 {
        %mul3A_73 = arith.constant 16 : i32
        %mul3A_74 = arith.muli %scan3A_63, %mul3A_73 : i32
        %get3A = arith.index_cast %mul3A_74 : i32 to index
        %get3A_75 = tpu.vector_load %arg9[%get3A] {strides = array<i32>} : memref<2000xi32, #tpu.memory_space<vmem>>, vector<16xi32>,
        %mul3A_76 = arith.constant 4 : i32
        %mul3A_77 = vector.broadcast %mul3A_76 : i32 to vector<16xi32>
        %mul3A_78 = arith.muli %get3A_75, %mul3A_77 : vector<16xi32>
        %mul3A_79 = arith.constant 16 : i32
        %mul3A_80 = arith.muli %scan3A_63, %mul3A_79 : i32
        %get3A_81 = arith.index_cast %mul3A_80 : i32 to index
        %get3A_82 = tpu.vector_load %arg10[%get3A_81] {strides = array<i32>} : memref<2000xi32, #tpu.memory_space<vmem>>, vector<16xi32>,
        %mul3A_83 = arith.constant 4 : i32
        %mul3A_84 = vector.broadcast %mul3A_83 : i32 to vector<16xi32>
        %mul3A_85 = arith.muli %get3A_82, %mul3A_84 : vector<16xi32>
        %add3A_86 = arith.constant 1 : i32
        %add3A_87 = vector.broadcast %add3A_86 : i32 to vector<16xi32>
        %add3A_88 = arith.addi %mul3A_78, %add3A_87 : vector<16xi32>
        %gather3A = tpu.vector_load_idx %arg7[%add3A_88] : memref<40000xf32, #tpu.memory_space<vmem>>[vector<16xi32>], vector<16xf32>,
        %add3A_89 = arith.constant 1 : i32
        %add3A_90 = vector.broadcast %add3A_89 : i32 to vector<16xi32>
        %add3A_91 = arith.addi %mul3A_85, %add3A_90 : vector<16xi32>
        %gather3A_92 = tpu.vector_load_idx %arg8[%add3A_91] : memref<40000xf32, #tpu.memory_space<vmem>>[vector<16xi32>], vector<16xf32>,
        %sub3A = arith.subf %gather3A, %gather3A_92 : vector<16xf32>
        %add3A_93 = arith.constant 2 : i32
        %add3A_94 = vector.broadcast %add3A_93 : i32 to vector<16xi32>
        %add3A_95 = arith.addi %mul3A_78, %add3A_94 : vector<16xi32>
        %gather3A_96 = tpu.vector_load_idx %arg7[%add3A_95] : memref<40000xf32, #tpu.memory_space<vmem>>[vector<16xi32>], vector<16xf32>,
        %add3A_97 = arith.constant 2 : i32
        %add3A_98 = vector.broadcast %add3A_97 : i32 to vector<16xi32>
        %add3A_99 = arith.addi %mul3A_85, %add3A_98 : vector<16xi32>
        %gather3A_100 = tpu.vector_load_idx %arg8[%add3A_99] : memref<40000xf32, #tpu.memory_space<vmem>>[vector<16xi32>], vector<16xf32>,
        %sub3A_101 = arith.subf %gather3A_96, %gather3A_100 : vector<16xf32>
        %add3A_102 = arith.constant 3 : i32
        %add3A_103 = vector.broadcast %add3A_102 : i32 to vector<16xi32>
        %add3A_104 = arith.addi %mul3A_78, %add3A_103 : vector<16xi32>
        %gather3A_105 = tpu.vector_load_idx %arg7[%add3A_104] : memref<40000xf32, #tpu.memory_space<vmem>>[vector<16xi32>], vector<16xf32>,
        %add3A_106 = arith.constant 3 : i32
        %add3A_107 = vector.broadcast %add3A_106 : i32 to vector<16xi32>
        %add3A_108 = arith.addi %mul3A_85, %add3A_107 : vector<16xi32>
        %gather3A_109 = tpu.vector_load_idx %arg8[%add3A_108] : memref<40000xf32, #tpu.memory_space<vmem>>[vector<16xi32>], vector<16xf32>,
        %sub3A_110 = arith.subf %gather3A_105, %gather3A_109 : vector<16xf32>
        %add3A_111 = arith.addf %scan3A_64, %sub3A : vector<16xf32>
        %add3A_112 = arith.addf %scan3A_65, %sub3A_101 : vector<16xf32>
        %add3A_113 = arith.addf %scan3A_66, %sub3A_110 : vector<16xf32>
        %mul3A_114 = arith.mulf %sub3A, %sub3A : vector<16xf32>
        %add3A_115 = arith.addf %scan3A_67, %mul3A_114 : vector<16xf32>
        %mul3A_116 = arith.mulf %sub3A_101, %sub3A_101 : vector<16xf32>
        %add3A_117 = arith.addf %scan3A_68, %mul3A_116 : vector<16xf32>
        %mul3A_118 = arith.mulf %sub3A_110, %sub3A_110 : vector<16xf32>
        %add3A_119 = arith.addf %scan3A_69, %mul3A_118 : vector<16xf32>
        %mul3A_120 = arith.mulf %sub3A, %sub3A_101 : vector<16xf32>
        %add3A_121 = arith.addf %scan3A_70, %mul3A_120 : vector<16xf32>
        %mul3A_122 = arith.mulf %sub3A_101, %sub3A_110 : vector<16xf32>
        %add3A_123 = arith.addf %scan3A_71, %mul3A_122 : vector<16xf32>
        %mul3A_124 = arith.mulf %sub3A_110, %sub3A : vector<16xf32>
        %add3A_125 = arith.addf %scan3A_72, %mul3A_124 : vector<16xf32>
        scf.yield %add3A_111, %add3A_112, %add3A_113, %add3A_115, %add3A_117, %add3A_119, %add3A_121, %add3A_123, %add3A_125 : vector<16xf32>, vector<16xf32>, vector<16xf32>, vector<16xf32>, vector<16xf32>, vector<16xf32>, vector<16xf32>, vector<16xf32>, vector<16xf32>
      }
      %scan3A_62 = arith.constant 125 : i32
      scf.yield %scan3A_61#0, %scan3A_61#1, %scan3A_61#2, %scan3A_61#3, %scan3A_61#4, %scan3A_61#5, %scan3A_61#6, %scan3A_61#7, %scan3A_61#8 : vector<16xf32>, vector<16xf32>, vector<16xf32>, vector<16xf32>, vector<16xf32>, vector<16xf32>, vector<16xf32>, vector<16xf32>, vector<16xf32>
    }
    %scan3A_8 = arith.constant 5 : i32
    %swap3A = arith.constant 0 : i32
    %swap3A_9 = arith.index_cast %swap3A : i32 to index
    %swap3A_10 = arith.constant 0 : index
    %swap3A_11 = tpu.vector_load %arg11[%swap3A_9, %swap3A_10] {strides = array<i32>} : memref<9x16xf32, #tpu.memory_space<vmem>>, vector<16xf32>,
    tpu.vector_store %arg11[%swap3A_9, %swap3A_10], %scan3A_7#0 {strides = array<i32>} : memref<9x16xf32, #tpu.memory_space<vmem>>, vector<16xf32>,
    %swap3A_12 = arith.constant 1 : i32
    %swap3A_13 = arith.index_cast %swap3A_12 : i32 to index
    %swap3A_14 = arith.constant 0 : index
    %swap3A_15 = tpu.vector_load %arg11[%swap3A_13, %swap3A_14] {strides = array<i32>} : memref<9x16xf32, #tpu.memory_space<vmem>>, vector<16xf32>,
    tpu.vector_store %arg11[%swap3A_13, %swap3A_14], %scan3A_7#1 {strides = array<i32>} : memref<9x16xf32, #tpu.memory_space<vmem>>, vector<16xf32>,
    %swap3A_16 = arith.constant 2 : i32
    %swap3A_17 = arith.index_cast %swap3A_16 : i32 to index
    %swap3A_18 = arith.constant 0 : index
    %swap3A_19 = tpu.vector_load %arg11[%swap3A_17, %swap3A_18] {strides = array<i32>} : memref<9x16xf32, #tpu.memory_space<vmem>>, vector<16xf32>,
    tpu.vector_store %arg11[%swap3A_17, %swap3A_18], %scan3A_7#2 {strides = array<i32>} : memref<9x16xf32, #tpu.memory_space<vmem>>, vector<16xf32>,
    %swap3A_20 = arith.constant 3 : i32
    %swap3A_21 = arith.index_cast %swap3A_20 : i32 to index
    %swap3A_22 = arith.constant 0 : index
    %swap3A_23 = tpu.vector_load %arg11[%swap3A_21, %swap3A_22] {strides = array<i32>} : memref<9x16xf32, #tpu.memory_space<vmem>>, vector<16xf32>,
    tpu.vector_store %arg11[%swap3A_21, %swap3A_22], %scan3A_7#3 {strides = array<i32>} : memref<9x16xf32, #tpu.memory_space<vmem>>, vector<16xf32>,
    %swap3A_24 = arith.constant 4 : i32
    %swap3A_25 = arith.index_cast %swap3A_24 : i32 to index
    %swap3A_26 = arith.constant 0 : index
    %swap3A_27 = tpu.vector_load %arg11[%swap3A_25, %swap3A_26] {strides = array<i32>} : memref<9x16xf32, #tpu.memory_space<vmem>>, vector<16xf32>,
    tpu.vector_store %arg11[%swap3A_25, %swap3A_26], %scan3A_7#4 {strides = array<i32>} : memref<9x16xf32, #tpu.memory_space<vmem>>, vector<16xf32>,
    %swap3A_28 = arith.constant 5 : i32
    %swap3A_29 = arith.index_cast %swap3A_28 : i32 to index
    %swap3A_30 = arith.constant 0 : index
    %swap3A_31 = tpu.vector_load %arg11[%swap3A_29, %swap3A_30] {strides = array<i32>} : memref<9x16xf32, #tpu.memory_space<vmem>>, vector<16xf32>,
    tpu.vector_store %arg11[%swap3A_29, %swap3A_30], %scan3A_7#5 {strides = array<i32>} : memref<9x16xf32, #tpu.memory_space<vmem>>, vector<16xf32>,
    %swap3A_32 = arith.constant 6 : i32
    %swap3A_33 = arith.index_cast %swap3A_32 : i32 to index
    %swap3A_34 = arith.constant 0 : index
    %swap3A_35 = tpu.vector_load %arg11[%swap3A_33, %swap3A_34] {strides = array<i32>} : memref<9x16xf32, #tpu.memory_space<vmem>>, vector<16xf32>,
    tpu.vector_store %arg11[%swap3A_33, %swap3A_34], %scan3A_7#6 {strides = array<i32>} : memref<9x16xf32, #tpu.memory_space<vmem>>, vector<16xf32>,
    %swap3A_36 = arith.constant 7 : i32
    %swap3A_37 = arith.index_cast %swap3A_36 : i32 to index
    %swap3A_38 = arith.constant 0 : index
    %swap3A_39 = tpu.vector_load %arg11[%swap3A_37, %swap3A_38] {strides = array<i32>} : memref<9x16xf32, #tpu.memory_space<vmem>>, vector<16xf32>,
    tpu.vector_store %arg11[%swap3A_37, %swap3A_38], %scan3A_7#7 {strides = array<i32>} : memref<9x16xf32, #tpu.memory_space<vmem>>, vector<16xf32>,
    %swap3A_40 = arith.constant 8 : i32
    %swap3A_41 = arith.index_cast %swap3A_40 : i32 to index
    %swap3A_42 = arith.constant 0 : index
    %swap3A_43 = tpu.vector_load %arg11[%swap3A_41, %swap3A_42] {strides = array<i32>} : memref<9x16xf32, #tpu.memory_space<vmem>>, vector<16xf32>,
    tpu.vector_store %arg11[%swap3A_41, %swap3A_42], %scan3A_7#8 {strides = array<i32>} : memref<9x16xf32, #tpu.memory_space<vmem>>, vector<16xf32>,
    "tpu.region"() ({
      %run_scoped3A = tpu.sem_alloc : memref<!tpu.dma_semaphore, #tpu.memory_space<semaphore_mem>>
      %dma_start3A = arith.constant 0 : i32
      %dma_start3A_44 = arith.constant 0 : i32
      %dma_start3A_45 = tpu.memref_slice %arg6[%add3A, %dma_start3A, %dma_start3A_44] : memref<32x9x16xf32, #tpu.memory_space<hbm>> -> memref<1x9x16xf32, #tpu.memory_space<hbm>>
      %dma_start3A_46 = tpu.memref_squeeze %dma_start3A_45 : memref<1x9x16xf32, #tpu.memory_space<hbm>> -> memref<9x16xf32, #tpu.memory_space<hbm>>
      %dma_start3A_47 = arith.constant 0 : i32
      %dma_start3A_48 = arith.constant 0 : i32
      %dma_start3A_49 = tpu.memref_slice %arg6[%add3A, %dma_start3A_47, %dma_start3A_48] : memref<32x9x16xf32, #tpu.memory_space<hbm>> -> memref<1x9x16xf32, #tpu.memory_space<hbm>>
      %dma_start3A_50 = tpu.memref_squeeze %dma_start3A_49 : memref<1x9x16xf32, #tpu.memory_space<hbm>> -> memref<9x16xf32, #tpu.memory_space<hbm>>
      tpu.enqueue_dma source(%arg11 : memref<9x16xf32, #tpu.memory_space<vmem>>) target(%dma_start3A_50 : memref<9x16xf32, #tpu.memory_space<hbm>>) target_semaphore(%run_scoped3A : memref<!tpu.dma_semaphore, #tpu.memory_space<semaphore_mem>>)
      %dma_wait3A = arith.constant 0 : i32
      %dma_wait3A_51 = arith.constant 0 : i32
      %dma_wait3A_52 = tpu.memref_slice %arg6[%add3A, %dma_wait3A, %dma_wait3A_51] : memref<32x9x16xf32, #tpu.memory_space<hbm>> -> memref<1x9x16xf32, #tpu.memory_space<hbm>>
      %dma_wait3A_53 = tpu.memref_squeeze %dma_wait3A_52 : memref<1x9x16xf32, #tpu.memory_space<hbm>> -> memref<9x16xf32, #tpu.memory_space<hbm>>
      %dma_wait3A_54 = arith.constant 0 : i32
      %dma_wait3A_55 = arith.constant 0 : i32
      %dma_wait3A_56 = tpu.memref_slice %arg6[%add3A, %dma_wait3A_54, %dma_wait3A_55] : memref<32x9x16xf32, #tpu.memory_space<hbm>> -> memref<1x9x16xf32, #tpu.memory_space<hbm>>
      %dma_wait3A_57 = tpu.memref_squeeze %dma_wait3A_56 : memref<1x9x16xf32, #tpu.memory_space<hbm>> -> memref<9x16xf32, #tpu.memory_space<hbm>>
      tpu.wait_dma2 semaphore(%run_scoped3A : memref<!tpu.dma_semaphore, #tpu.memory_space<semaphore_mem>>) src(%arg11 : memref<9x16xf32, #tpu.memory_space<vmem>>) dst(%dma_wait3A_57 : memref<9x16xf32, #tpu.memory_space<hbm>>)
      tpu.yield
    }) : () -> ()
    return
  }
}

#map = affine_map<(d0, d1) -> (0, 0)>
#map1 = affine_map<(d0, d1) -> (0)>
module attributes {stable_mosaic.version = 14 : i64} {
  func.func @body(%arg0: i32, %arg1: i32, %arg2: memref<64x320000xf32, #tpu.memory_space<hbm>>, %arg3: memref<320000xi32, #tpu.memory_space<hbm>>, %arg4: memref<4x640000xf32, #tpu.memory_space<hbm>>, %arg5: memref<800xi32, #tpu.memory_space<vmem>>, %arg6: memref<8x800xf32, #tpu.memory_space<vmem>>, %arg7: memref<80000xf32, #tpu.memory_space<vmem>>, %arg8: memref<10000xi32, #tpu.memory_space<vmem>>, %arg9: memref<16xi32, #tpu.memory_space<vmem>>, %arg10: memref<32xi32, #tpu.memory_space<vmem>>, %arg11: memref<!tpu.dma_semaphore, #tpu.memory_space<semaphore_mem>>, %arg12: memref<!tpu.dma_semaphore, #tpu.memory_space<semaphore_mem>>) attributes {dimension_semantics = [#tpu.dimension_semantics<core_parallel>, #tpu.dimension_semantics<subcore_parallel>], iteration_bounds = array<i64: 2, 16>, scalar_prefetch = 0 : i64, scratch_operands = 8 : i64, tpu.core_type = #tpu.core_type<sc_vector_subcore>, window_params = [{transform_indices = #map}, {transform_indices = #map1}, {transform_indices = #map}]} {
    %mul3A = arith.constant 16 : i32
    %mul3A_0 = arith.muli %arg0, %mul3A : i32
    %add3A = arith.addi %mul3A_0, %arg1 : i32
    %jit3A = arith.constant 8 : i32
    %eq3A = arith.constant 0 : i32
    %eq3A_1 = arith.cmpi eq, %jit3A, %eq3A : i32
    %jit3A_2 = arith.constant 1 : i32
    %select_n3A = arith.select %eq3A_1, %jit3A_2, %jit3A : i32
    %rem3A = arith.remsi %add3A, %select_n3A : i32
    %ne3A = arith.constant 0 : i32
    %ne3A_3 = arith.cmpi ne, %rem3A, %ne3A : i32
    %lt3A = arith.constant 0 : i32
    %lt3A_4 = arith.cmpi slt, %rem3A, %lt3A : i32
    %lt3A_5 = arith.constant 0 : i32
    %lt3A_6 = arith.cmpi slt, %select_n3A, %lt3A_5 : i32
    %ne3A_7 = arith.xori %lt3A_4, %lt3A_6 : i1
    %and3A = arith.andi %ne3A_7, %ne3A_3 : i1
    %add3A_8 = arith.addi %rem3A, %select_n3A : i32
    %select_n3A_9 = arith.select %and3A, %add3A_8, %rem3A : i32
    %jit3A_10 = arith.constant 8 : i32
    %div3A = arith.divsi %add3A, %jit3A_10 : i32
    %sign3A = arith.constant 0 : i32
    %sign3A_11 = arith.cmpi sgt, %add3A, %sign3A : i32
    %sign3A_12 = arith.extui %sign3A_11 : i1 to i32
    %sign3A_13 = arith.constant 0 : i32
    %sign3A_14 = arith.cmpi slt, %add3A, %sign3A_13 : i32
    %sign3A_15 = arith.extui %sign3A_14 : i1 to i32
    %sign3A_16 = arith.subi %sign3A_12, %sign3A_15 : i32
    %sign3A_17 = arith.constant 0 : i32
    %sign3A_18 = arith.cmpi sgt, %jit3A_10, %sign3A_17 : i32
    %sign3A_19 = arith.extui %sign3A_18 : i1 to i32
    %sign3A_20 = arith.constant 0 : i32
    %sign3A_21 = arith.cmpi slt, %jit3A_10, %sign3A_20 : i32
    %sign3A_22 = arith.extui %sign3A_21 : i1 to i32
    %sign3A_23 = arith.subi %sign3A_19, %sign3A_22 : i32
    %ne3A_24 = arith.cmpi ne, %sign3A_16, %sign3A_23 : i32
    %rem3A_25 = arith.remsi %add3A, %jit3A_10 : i32
    %ne3A_26 = arith.constant 0 : i32
    %ne3A_27 = arith.cmpi ne, %rem3A_25, %ne3A_26 : i32
    %and3A_28 = arith.andi %ne3A_24, %ne3A_27 : i1
    %sub3A = arith.constant 1 : i32
    %sub3A_29 = arith.subi %div3A, %sub3A : i32
    %select_n3A_30 = arith.select %and3A_28, %sub3A_29, %div3A : i32
    %mul3A_31 = arith.constant 8 : i32
    %mul3A_32 = arith.muli %select_n3A_9, %mul3A_31 : i32
    %iota3A = tpu.iota {dimensions = array<i32: 0>} : vector<16xi32>
    %broadcast_in_dim3A = arith.constant 0.000000e+00 : f32
    %broadcast_in_dim3A_33 = vector.broadcast %broadcast_in_dim3A : f32 to vector<16xf32>
    %broadcast_in_dim3A_34 = arith.constant -1 : i32
    %broadcast_in_dim3A_35 = vector.broadcast %broadcast_in_dim3A_34 : i32 to vector<16xi32>
    %swap3A = arith.constant 0 : index
    %swap3A_36 = tpu.vector_load %arg10[%swap3A] {strides = array<i32>} : memref<32xi32, #tpu.memory_space<vmem>>, vector<16xi32>,
    tpu.vector_store %arg10[%swap3A], %broadcast_in_dim3A_35 {strides = array<i32>} : memref<32xi32, #tpu.memory_space<vmem>>, vector<16xi32>,
    %scan3A = arith.constant 0 : i32
    %scan3A_37 = arith.constant 0 : i32
    %scan3A_38 = arith.constant 5000 : i32
    %scan3A_39 = arith.addi %scan3A_37, %scan3A_38 : i32
    %scan3A_40 = arith.constant 1 : i32
    %scan3A_41 = scf.for %scan3A_52 = %scan3A_37 to %scan3A_39 step %scan3A_40 iter_args(%scan3A_53 = %scan3A) -> (i32)  : i32 {
      %mul3A_54 = arith.constant 16 : i32
      %mul3A_55 = arith.muli %scan3A_52, %mul3A_54 : i32
      %swap3A_56 = arith.index_cast %mul3A_55 : i32 to index
      %swap3A_57 = tpu.vector_load %arg7[%swap3A_56] {strides = array<i32>} : memref<80000xf32, #tpu.memory_space<vmem>>, vector<16xf32>,
      tpu.vector_store %arg7[%swap3A_56], %broadcast_in_dim3A_33 {strides = array<i32>} : memref<80000xf32, #tpu.memory_space<vmem>>, vector<16xf32>,
      %scan3A_58 = arith.constant 0 : i32
      scf.yield %scan3A_58 : i32
    }
    %scan3A_42 = arith.constant 5000 : i32
    %scan3A_43 = arith.constant 0 : i32
    %scan3A_44 = arith.constant 0 : i32
    %scan3A_45 = arith.constant 100 : i32
    %scan3A_46 = arith.addi %scan3A_44, %scan3A_45 : i32
    %scan3A_47 = arith.constant 1 : i32
    %scan3A_48 = scf.for %scan3A_52 = %scan3A_44 to %scan3A_46 step %scan3A_47 iter_args(%scan3A_53 = %scan3A_43) -> (i32)  : i32 {
      %mul3A_54 = arith.constant 80000 : i32
      %mul3A_55 = arith.muli %select_n3A_30, %mul3A_54 : i32
      %mul3A_56 = arith.constant 800 : i32
      %mul3A_57 = arith.muli %scan3A_52, %mul3A_56 : i32
      %add3A_58 = arith.addi %mul3A_55, %mul3A_57 : i32
      %dma_start3A = tpu.memref_slice %arg3[%add3A_58] : memref<320000xi32, #tpu.memory_space<hbm>> -> memref<800xi32, #tpu.memory_space<hbm>>
      %dma_start3A_59 = tpu.memref_slice %arg3[%add3A_58] : memref<320000xi32, #tpu.memory_space<hbm>> -> memref<800xi32, #tpu.memory_space<hbm>>
      tpu.enqueue_dma source(%dma_start3A_59 : memref<800xi32, #tpu.memory_space<hbm>>) target(%arg5 : memref<800xi32, #tpu.memory_space<vmem>>) target_semaphore(%arg11 : memref<!tpu.dma_semaphore, #tpu.memory_space<semaphore_mem>>)
      %add3A_60 = arith.constant 0 : i32
      %add3A_61 = arith.addi %mul3A_32, %add3A_60 : i32
      %dma_start3A_62 = arith.constant 0 : i32
      %dma_start3A_63 = arith.constant 0 : i32
      %dma_start3A_64 = tpu.memref_slice %arg6[%dma_start3A_62, %dma_start3A_63] : memref<8x800xf32, #tpu.memory_space<vmem>> -> memref<1x800xf32, #tpu.memory_space<vmem>>
      %dma_start3A_65 = tpu.memref_squeeze %dma_start3A_64 : memref<1x800xf32, #tpu.memory_space<vmem>> -> memref<800xf32, #tpu.memory_space<vmem>>
      %dma_start3A_66 = tpu.memref_slice %arg2[%add3A_61, %add3A_58] : memref<64x320000xf32, #tpu.memory_space<hbm>> -> memref<1x800xf32, #tpu.memory_space<hbm>>
      %dma_start3A_67 = tpu.memref_squeeze %dma_start3A_66 : memref<1x800xf32, #tpu.memory_space<hbm>> -> memref<800xf32, #tpu.memory_space<hbm>>
      %dma_start3A_68 = arith.constant 0 : i32
      %dma_start3A_69 = tpu.memref_slice %arg6[%dma_start3A_62, %dma_start3A_68] : memref<8x800xf32, #tpu.memory_space<vmem>> -> memref<1x800xf32, #tpu.memory_space<vmem>>
      %dma_start3A_70 = tpu.memref_squeeze %dma_start3A_69 : memref<1x800xf32, #tpu.memory_space<vmem>> -> memref<800xf32, #tpu.memory_space<vmem>>
      %dma_start3A_71 = tpu.memref_slice %arg2[%add3A_61, %add3A_58] : memref<64x320000xf32, #tpu.memory_space<hbm>> -> memref<1x800xf32, #tpu.memory_space<hbm>>
      %dma_start3A_72 = tpu.memref_squeeze %dma_start3A_71 : memref<1x800xf32, #tpu.memory_space<hbm>> -> memref<800xf32, #tpu.memory_space<hbm>>
      tpu.enqueue_dma source(%dma_start3A_72 : memref<800xf32, #tpu.memory_space<hbm>>) target(%dma_start3A_70 : memref<800xf32, #tpu.memory_space<vmem>>) target_semaphore(%arg12 : memref<!tpu.dma_semaphore, #tpu.memory_space<semaphore_mem>>)
      %add3A_73 = arith.constant 1 : i32
      %add3A_74 = arith.addi %mul3A_32, %add3A_73 : i32
      %dma_start3A_75 = arith.constant 1 : i32
      %dma_start3A_76 = arith.constant 0 : i32
      %dma_start3A_77 = tpu.memref_slice %arg6[%dma_start3A_75, %dma_start3A_76] : memref<8x800xf32, #tpu.memory_space<vmem>> -> memref<1x800xf32, #tpu.memory_space<vmem>>
      %dma_start3A_78 = tpu.memref_squeeze %dma_start3A_77 : memref<1x800xf32, #tpu.memory_space<vmem>> -> memref<800xf32, #tpu.memory_space<vmem>>
      %dma_start3A_79 = tpu.memref_slice %arg2[%add3A_74, %add3A_58] : memref<64x320000xf32, #tpu.memory_space<hbm>> -> memref<1x800xf32, #tpu.memory_space<hbm>>
      %dma_start3A_80 = tpu.memref_squeeze %dma_start3A_79 : memref<1x800xf32, #tpu.memory_space<hbm>> -> memref<800xf32, #tpu.memory_space<hbm>>
      %dma_start3A_81 = arith.constant 0 : i32
      %dma_start3A_82 = tpu.memref_slice %arg6[%dma_start3A_75, %dma_start3A_81] : memref<8x800xf32, #tpu.memory_space<vmem>> -> memref<1x800xf32, #tpu.memory_space<vmem>>
      %dma_start3A_83 = tpu.memref_squeeze %dma_start3A_82 : memref<1x800xf32, #tpu.memory_space<vmem>> -> memref<800xf32, #tpu.memory_space<vmem>>
      %dma_start3A_84 = tpu.memref_slice %arg2[%add3A_74, %add3A_58] : memref<64x320000xf32, #tpu.memory_space<hbm>> -> memref<1x800xf32, #tpu.memory_space<hbm>>
      %dma_start3A_85 = tpu.memref_squeeze %dma_start3A_84 : memref<1x800xf32, #tpu.memory_space<hbm>> -> memref<800xf32, #tpu.memory_space<hbm>>
      tpu.enqueue_dma source(%dma_start3A_85 : memref<800xf32, #tpu.memory_space<hbm>>) target(%dma_start3A_83 : memref<800xf32, #tpu.memory_space<vmem>>) target_semaphore(%arg12 : memref<!tpu.dma_semaphore, #tpu.memory_space<semaphore_mem>>)
      %add3A_86 = arith.constant 2 : i32
      %add3A_87 = arith.addi %mul3A_32, %add3A_86 : i32
      %dma_start3A_88 = arith.constant 2 : i32
      %dma_start3A_89 = arith.constant 0 : i32
      %dma_start3A_90 = tpu.memref_slice %arg6[%dma_start3A_88, %dma_start3A_89] : memref<8x800xf32, #tpu.memory_space<vmem>> -> memref<1x800xf32, #tpu.memory_space<vmem>>
      %dma_start3A_91 = tpu.memref_squeeze %dma_start3A_90 : memref<1x800xf32, #tpu.memory_space<vmem>> -> memref<800xf32, #tpu.memory_space<vmem>>
      %dma_start3A_92 = tpu.memref_slice %arg2[%add3A_87, %add3A_58] : memref<64x320000xf32, #tpu.memory_space<hbm>> -> memref<1x800xf32, #tpu.memory_space<hbm>>
      %dma_start3A_93 = tpu.memref_squeeze %dma_start3A_92 : memref<1x800xf32, #tpu.memory_space<hbm>> -> memref<800xf32, #tpu.memory_space<hbm>>
      %dma_start3A_94 = arith.constant 0 : i32
      %dma_start3A_95 = tpu.memref_slice %arg6[%dma_start3A_88, %dma_start3A_94] : memref<8x800xf32, #tpu.memory_space<vmem>> -> memref<1x800xf32, #tpu.memory_space<vmem>>
      %dma_start3A_96 = tpu.memref_squeeze %dma_start3A_95 : memref<1x800xf32, #tpu.memory_space<vmem>> -> memref<800xf32, #tpu.memory_space<vmem>>
      %dma_start3A_97 = tpu.memref_slice %arg2[%add3A_87, %add3A_58] : memref<64x320000xf32, #tpu.memory_space<hbm>> -> memref<1x800xf32, #tpu.memory_space<hbm>>
      %dma_start3A_98 = tpu.memref_squeeze %dma_start3A_97 : memref<1x800xf32, #tpu.memory_space<hbm>> -> memref<800xf32, #tpu.memory_space<hbm>>
      tpu.enqueue_dma source(%dma_start3A_98 : memref<800xf32, #tpu.memory_space<hbm>>) target(%dma_start3A_96 : memref<800xf32, #tpu.memory_space<vmem>>) target_semaphore(%arg12 : memref<!tpu.dma_semaphore, #tpu.memory_space<semaphore_mem>>)
      %add3A_99 = arith.constant 3 : i32
      %add3A_100 = arith.addi %mul3A_32, %add3A_99 : i32
      %dma_start3A_101 = arith.constant 3 : i32
      %dma_start3A_102 = arith.constant 0 : i32
      %dma_start3A_103 = tpu.memref_slice %arg6[%dma_start3A_101, %dma_start3A_102] : memref<8x800xf32, #tpu.memory_space<vmem>> -> memref<1x800xf32, #tpu.memory_space<vmem>>
      %dma_start3A_104 = tpu.memref_squeeze %dma_start3A_103 : memref<1x800xf32, #tpu.memory_space<vmem>> -> memref<800xf32, #tpu.memory_space<vmem>>
      %dma_start3A_105 = tpu.memref_slice %arg2[%add3A_100, %add3A_58] : memref<64x320000xf32, #tpu.memory_space<hbm>> -> memref<1x800xf32, #tpu.memory_space<hbm>>
      %dma_start3A_106 = tpu.memref_squeeze %dma_start3A_105 : memref<1x800xf32, #tpu.memory_space<hbm>> -> memref<800xf32, #tpu.memory_space<hbm>>
      %dma_start3A_107 = arith.constant 0 : i32
      %dma_start3A_108 = tpu.memref_slice %arg6[%dma_start3A_101, %dma_start3A_107] : memref<8x800xf32, #tpu.memory_space<vmem>> -> memref<1x800xf32, #tpu.memory_space<vmem>>
      %dma_start3A_109 = tpu.memref_squeeze %dma_start3A_108 : memref<1x800xf32, #tpu.memory_space<vmem>> -> memref<800xf32, #tpu.memory_space<vmem>>
      %dma_start3A_110 = tpu.memref_slice %arg2[%add3A_100, %add3A_58] : memref<64x320000xf32, #tpu.memory_space<hbm>> -> memref<1x800xf32, #tpu.memory_space<hbm>>
      %dma_start3A_111 = tpu.memref_squeeze %dma_start3A_110 : memref<1x800xf32, #tpu.memory_space<hbm>> -> memref<800xf32, #tpu.memory_space<hbm>>
      tpu.enqueue_dma source(%dma_start3A_111 : memref<800xf32, #tpu.memory_space<hbm>>) target(%dma_start3A_109 : memref<800xf32, #tpu.memory_space<vmem>>) target_semaphore(%arg12 : memref<!tpu.dma_semaphore, #tpu.memory_space<semaphore_mem>>)
      %add3A_112 = arith.constant 4 : i32
      %add3A_113 = arith.addi %mul3A_32, %add3A_112 : i32
      %dma_start3A_114 = arith.constant 4 : i32
      %dma_start3A_115 = arith.constant 0 : i32
      %dma_start3A_116 = tpu.memref_slice %arg6[%dma_start3A_114, %dma_start3A_115] : memref<8x800xf32, #tpu.memory_space<vmem>> -> memref<1x800xf32, #tpu.memory_space<vmem>>
      %dma_start3A_117 = tpu.memref_squeeze %dma_start3A_116 : memref<1x800xf32, #tpu.memory_space<vmem>> -> memref<800xf32, #tpu.memory_space<vmem>>
      %dma_start3A_118 = tpu.memref_slice %arg2[%add3A_113, %add3A_58] : memref<64x320000xf32, #tpu.memory_space<hbm>> -> memref<1x800xf32, #tpu.memory_space<hbm>>
      %dma_start3A_119 = tpu.memref_squeeze %dma_start3A_118 : memref<1x800xf32, #tpu.memory_space<hbm>> -> memref<800xf32, #tpu.memory_space<hbm>>
      %dma_start3A_120 = arith.constant 0 : i32
      %dma_start3A_121 = tpu.memref_slice %arg6[%dma_start3A_114, %dma_start3A_120] : memref<8x800xf32, #tpu.memory_space<vmem>> -> memref<1x800xf32, #tpu.memory_space<vmem>>
      %dma_start3A_122 = tpu.memref_squeeze %dma_start3A_121 : memref<1x800xf32, #tpu.memory_space<vmem>> -> memref<800xf32, #tpu.memory_space<vmem>>
      %dma_start3A_123 = tpu.memref_slice %arg2[%add3A_113, %add3A_58] : memref<64x320000xf32, #tpu.memory_space<hbm>> -> memref<1x800xf32, #tpu.memory_space<hbm>>
      %dma_start3A_124 = tpu.memref_squeeze %dma_start3A_123 : memref<1x800xf32, #tpu.memory_space<hbm>> -> memref<800xf32, #tpu.memory_space<hbm>>
      tpu.enqueue_dma source(%dma_start3A_124 : memref<800xf32, #tpu.memory_space<hbm>>) target(%dma_start3A_122 : memref<800xf32, #tpu.memory_space<vmem>>) target_semaphore(%arg12 : memref<!tpu.dma_semaphore, #tpu.memory_space<semaphore_mem>>)
      %add3A_125 = arith.constant 5 : i32
      %add3A_126 = arith.addi %mul3A_32, %add3A_125 : i32
      %dma_start3A_127 = arith.constant 5 : i32
      %dma_start3A_128 = arith.constant 0 : i32
      %dma_start3A_129 = tpu.memref_slice %arg6[%dma_start3A_127, %dma_start3A_128] : memref<8x800xf32, #tpu.memory_space<vmem>> -> memref<1x800xf32, #tpu.memory_space<vmem>>
      %dma_start3A_130 = tpu.memref_squeeze %dma_start3A_129 : memref<1x800xf32, #tpu.memory_space<vmem>> -> memref<800xf32, #tpu.memory_space<vmem>>
      %dma_start3A_131 = tpu.memref_slice %arg2[%add3A_126, %add3A_58] : memref<64x320000xf32, #tpu.memory_space<hbm>> -> memref<1x800xf32, #tpu.memory_space<hbm>>
      %dma_start3A_132 = tpu.memref_squeeze %dma_start3A_131 : memref<1x800xf32, #tpu.memory_space<hbm>> -> memref<800xf32, #tpu.memory_space<hbm>>
      %dma_start3A_133 = arith.constant 0 : i32
      %dma_start3A_134 = tpu.memref_slice %arg6[%dma_start3A_127, %dma_start3A_133] : memref<8x800xf32, #tpu.memory_space<vmem>> -> memref<1x800xf32, #tpu.memory_space<vmem>>
      %dma_start3A_135 = tpu.memref_squeeze %dma_start3A_134 : memref<1x800xf32, #tpu.memory_space<vmem>> -> memref<800xf32, #tpu.memory_space<vmem>>
      %dma_start3A_136 = tpu.memref_slice %arg2[%add3A_126, %add3A_58] : memref<64x320000xf32, #tpu.memory_space<hbm>> -> memref<1x800xf32, #tpu.memory_space<hbm>>
      %dma_start3A_137 = tpu.memref_squeeze %dma_start3A_136 : memref<1x800xf32, #tpu.memory_space<hbm>> -> memref<800xf32, #tpu.memory_space<hbm>>
      tpu.enqueue_dma source(%dma_start3A_137 : memref<800xf32, #tpu.memory_space<hbm>>) target(%dma_start3A_135 : memref<800xf32, #tpu.memory_space<vmem>>) target_semaphore(%arg12 : memref<!tpu.dma_semaphore, #tpu.memory_space<semaphore_mem>>)
      %add3A_138 = arith.constant 6 : i32
      %add3A_139 = arith.addi %mul3A_32, %add3A_138 : i32
      %dma_start3A_140 = arith.constant 6 : i32
      %dma_start3A_141 = arith.constant 0 : i32
      %dma_start3A_142 = tpu.memref_slice %arg6[%dma_start3A_140, %dma_start3A_141] : memref<8x800xf32, #tpu.memory_space<vmem>> -> memref<1x800xf32, #tpu.memory_space<vmem>>
      %dma_start3A_143 = tpu.memref_squeeze %dma_start3A_142 : memref<1x800xf32, #tpu.memory_space<vmem>> -> memref<800xf32, #tpu.memory_space<vmem>>
      %dma_start3A_144 = tpu.memref_slice %arg2[%add3A_139, %add3A_58] : memref<64x320000xf32, #tpu.memory_space<hbm>> -> memref<1x800xf32, #tpu.memory_space<hbm>>
      %dma_start3A_145 = tpu.memref_squeeze %dma_start3A_144 : memref<1x800xf32, #tpu.memory_space<hbm>> -> memref<800xf32, #tpu.memory_space<hbm>>
      %dma_start3A_146 = arith.constant 0 : i32
      %dma_start3A_147 = tpu.memref_slice %arg6[%dma_start3A_140, %dma_start3A_146] : memref<8x800xf32, #tpu.memory_space<vmem>> -> memref<1x800xf32, #tpu.memory_space<vmem>>
      %dma_start3A_148 = tpu.memref_squeeze %dma_start3A_147 : memref<1x800xf32, #tpu.memory_space<vmem>> -> memref<800xf32, #tpu.memory_space<vmem>>
      %dma_start3A_149 = tpu.memref_slice %arg2[%add3A_139, %add3A_58] : memref<64x320000xf32, #tpu.memory_space<hbm>> -> memref<1x800xf32, #tpu.memory_space<hbm>>
      %dma_start3A_150 = tpu.memref_squeeze %dma_start3A_149 : memref<1x800xf32, #tpu.memory_space<hbm>> -> memref<800xf32, #tpu.memory_space<hbm>>
      tpu.enqueue_dma source(%dma_start3A_150 : memref<800xf32, #tpu.memory_space<hbm>>) target(%dma_start3A_148 : memref<800xf32, #tpu.memory_space<vmem>>) target_semaphore(%arg12 : memref<!tpu.dma_semaphore, #tpu.memory_space<semaphore_mem>>)
      %add3A_151 = arith.constant 7 : i32
      %add3A_152 = arith.addi %mul3A_32, %add3A_151 : i32
      %dma_start3A_153 = arith.constant 7 : i32
      %dma_start3A_154 = arith.constant 0 : i32
      %dma_start3A_155 = tpu.memref_slice %arg6[%dma_start3A_153, %dma_start3A_154] : memref<8x800xf32, #tpu.memory_space<vmem>> -> memref<1x800xf32, #tpu.memory_space<vmem>>
      %dma_start3A_156 = tpu.memref_squeeze %dma_start3A_155 : memref<1x800xf32, #tpu.memory_space<vmem>> -> memref<800xf32, #tpu.memory_space<vmem>>
      %dma_start3A_157 = tpu.memref_slice %arg2[%add3A_152, %add3A_58] : memref<64x320000xf32, #tpu.memory_space<hbm>> -> memref<1x800xf32, #tpu.memory_space<hbm>>
      %dma_start3A_158 = tpu.memref_squeeze %dma_start3A_157 : memref<1x800xf32, #tpu.memory_space<hbm>> -> memref<800xf32, #tpu.memory_space<hbm>>
      %dma_start3A_159 = arith.constant 0 : i32
      %dma_start3A_160 = tpu.memref_slice %arg6[%dma_start3A_153, %dma_start3A_159] : memref<8x800xf32, #tpu.memory_space<vmem>> -> memref<1x800xf32, #tpu.memory_space<vmem>>
      %dma_start3A_161 = tpu.memref_squeeze %dma_start3A_160 : memref<1x800xf32, #tpu.memory_space<vmem>> -> memref<800xf32, #tpu.memory_space<vmem>>
      %dma_start3A_162 = tpu.memref_slice %arg2[%add3A_152, %add3A_58] : memref<64x320000xf32, #tpu.memory_space<hbm>> -> memref<1x800xf32, #tpu.memory_space<hbm>>
      %dma_start3A_163 = tpu.memref_squeeze %dma_start3A_162 : memref<1x800xf32, #tpu.memory_space<hbm>> -> memref<800xf32, #tpu.memory_space<hbm>>
      tpu.enqueue_dma source(%dma_start3A_163 : memref<800xf32, #tpu.memory_space<hbm>>) target(%dma_start3A_161 : memref<800xf32, #tpu.memory_space<vmem>>) target_semaphore(%arg12 : memref<!tpu.dma_semaphore, #tpu.memory_space<semaphore_mem>>)
      %dma_wait3A = tpu.memref_slice %arg3[%add3A_58] : memref<320000xi32, #tpu.memory_space<hbm>> -> memref<800xi32, #tpu.memory_space<hbm>>
      %dma_wait3A_164 = tpu.memref_slice %arg3[%add3A_58] : memref<320000xi32, #tpu.memory_space<hbm>> -> memref<800xi32, #tpu.memory_space<hbm>>
      tpu.wait_dma2 semaphore(%arg11 : memref<!tpu.dma_semaphore, #tpu.memory_space<semaphore_mem>>) src(%dma_wait3A_164 : memref<800xi32, #tpu.memory_space<hbm>>) dst(%arg5 : memref<800xi32, #tpu.memory_space<vmem>>)
      %dma_wait3A_165 = arith.constant 0 : i32
      %dma_wait3A_166 = arith.constant 0 : i32
      %dma_wait3A_167 = tpu.memref_slice %arg6[%dma_wait3A_165, %dma_wait3A_166] : memref<8x800xf32, #tpu.memory_space<vmem>> -> memref<1x800xf32, #tpu.memory_space<vmem>>
      %dma_wait3A_168 = tpu.memref_squeeze %dma_wait3A_167 : memref<1x800xf32, #tpu.memory_space<vmem>> -> memref<800xf32, #tpu.memory_space<vmem>>
      %dma_wait3A_169 = tpu.memref_slice %arg2[%add3A_61, %add3A_58] : memref<64x320000xf32, #tpu.memory_space<hbm>> -> memref<1x800xf32, #tpu.memory_space<hbm>>
      %dma_wait3A_170 = tpu.memref_squeeze %dma_wait3A_169 : memref<1x800xf32, #tpu.memory_space<hbm>> -> memref<800xf32, #tpu.memory_space<hbm>>
      %dma_wait3A_171 = arith.constant 0 : i32
      %dma_wait3A_172 = tpu.memref_slice %arg6[%dma_wait3A_165, %dma_wait3A_171] : memref<8x800xf32, #tpu.memory_space<vmem>> -> memref<1x800xf32, #tpu.memory_space<vmem>>
      %dma_wait3A_173 = tpu.memref_squeeze %dma_wait3A_172 : memref<1x800xf32, #tpu.memory_space<vmem>> -> memref<800xf32, #tpu.memory_space<vmem>>
      %dma_wait3A_174 = tpu.memref_slice %arg2[%add3A_61, %add3A_58] : memref<64x320000xf32, #tpu.memory_space<hbm>> -> memref<1x800xf32, #tpu.memory_space<hbm>>
      %dma_wait3A_175 = tpu.memref_squeeze %dma_wait3A_174 : memref<1x800xf32, #tpu.memory_space<hbm>> -> memref<800xf32, #tpu.memory_space<hbm>>
      tpu.wait_dma2 semaphore(%arg12 : memref<!tpu.dma_semaphore, #tpu.memory_space<semaphore_mem>>) src(%dma_wait3A_175 : memref<800xf32, #tpu.memory_space<hbm>>) dst(%dma_wait3A_173 : memref<800xf32, #tpu.memory_space<vmem>>)
      %dma_wait3A_176 = arith.constant 1 : i32
      %dma_wait3A_177 = arith.constant 0 : i32
      %dma_wait3A_178 = tpu.memref_slice %arg6[%dma_wait3A_176, %dma_wait3A_177] : memref<8x800xf32, #tpu.memory_space<vmem>> -> memref<1x800xf32, #tpu.memory_space<vmem>>
      %dma_wait3A_179 = tpu.memref_squeeze %dma_wait3A_178 : memref<1x800xf32, #tpu.memory_space<vmem>> -> memref<800xf32, #tpu.memory_space<vmem>>
      %dma_wait3A_180 = tpu.memref_slice %arg2[%add3A_74, %add3A_58] : memref<64x320000xf32, #tpu.memory_space<hbm>> -> memref<1x800xf32, #tpu.memory_space<hbm>>
      %dma_wait3A_181 = tpu.memref_squeeze %dma_wait3A_180 : memref<1x800xf32, #tpu.memory_space<hbm>> -> memref<800xf32, #tpu.memory_space<hbm>>
      %dma_wait3A_182 = arith.constant 0 : i32
      %dma_wait3A_183 = tpu.memref_slice %arg6[%dma_wait3A_176, %dma_wait3A_182] : memref<8x800xf32, #tpu.memory_space<vmem>> -> memref<1x800xf32, #tpu.memory_space<vmem>>
      %dma_wait3A_184 = tpu.memref_squeeze %dma_wait3A_183 : memref<1x800xf32, #tpu.memory_space<vmem>> -> memref<800xf32, #tpu.memory_space<vmem>>
      %dma_wait3A_185 = tpu.memref_slice %arg2[%add3A_74, %add3A_58] : memref<64x320000xf32, #tpu.memory_space<hbm>> -> memref<1x800xf32, #tpu.memory_space<hbm>>
      %dma_wait3A_186 = tpu.memref_squeeze %dma_wait3A_185 : memref<1x800xf32, #tpu.memory_space<hbm>> -> memref<800xf32, #tpu.memory_space<hbm>>
      tpu.wait_dma2 semaphore(%arg12 : memref<!tpu.dma_semaphore, #tpu.memory_space<semaphore_mem>>) src(%dma_wait3A_186 : memref<800xf32, #tpu.memory_space<hbm>>) dst(%dma_wait3A_184 : memref<800xf32, #tpu.memory_space<vmem>>)
      %dma_wait3A_187 = arith.constant 2 : i32
      %dma_wait3A_188 = arith.constant 0 : i32
      %dma_wait3A_189 = tpu.memref_slice %arg6[%dma_wait3A_187, %dma_wait3A_188] : memref<8x800xf32, #tpu.memory_space<vmem>> -> memref<1x800xf32, #tpu.memory_space<vmem>>
      %dma_wait3A_190 = tpu.memref_squeeze %dma_wait3A_189 : memref<1x800xf32, #tpu.memory_space<vmem>> -> memref<800xf32, #tpu.memory_space<vmem>>
      %dma_wait3A_191 = tpu.memref_slice %arg2[%add3A_87, %add3A_58] : memref<64x320000xf32, #tpu.memory_space<hbm>> -> memref<1x800xf32, #tpu.memory_space<hbm>>
      %dma_wait3A_192 = tpu.memref_squeeze %dma_wait3A_191 : memref<1x800xf32, #tpu.memory_space<hbm>> -> memref<800xf32, #tpu.memory_space<hbm>>
      %dma_wait3A_193 = arith.constant 0 : i32
      %dma_wait3A_194 = tpu.memref_slice %arg6[%dma_wait3A_187, %dma_wait3A_193] : memref<8x800xf32, #tpu.memory_space<vmem>> -> memref<1x800xf32, #tpu.memory_space<vmem>>
      %dma_wait3A_195 = tpu.memref_squeeze %dma_wait3A_194 : memref<1x800xf32, #tpu.memory_space<vmem>> -> memref<800xf32, #tpu.memory_space<vmem>>
      %dma_wait3A_196 = tpu.memref_slice %arg2[%add3A_87, %add3A_58] : memref<64x320000xf32, #tpu.memory_space<hbm>> -> memref<1x800xf32, #tpu.memory_space<hbm>>
      %dma_wait3A_197 = tpu.memref_squeeze %dma_wait3A_196 : memref<1x800xf32, #tpu.memory_space<hbm>> -> memref<800xf32, #tpu.memory_space<hbm>>
      tpu.wait_dma2 semaphore(%arg12 : memref<!tpu.dma_semaphore, #tpu.memory_space<semaphore_mem>>) src(%dma_wait3A_197 : memref<800xf32, #tpu.memory_space<hbm>>) dst(%dma_wait3A_195 : memref<800xf32, #tpu.memory_space<vmem>>)
      %dma_wait3A_198 = arith.constant 3 : i32
      %dma_wait3A_199 = arith.constant 0 : i32
      %dma_wait3A_200 = tpu.memref_slice %arg6[%dma_wait3A_198, %dma_wait3A_199] : memref<8x800xf32, #tpu.memory_space<vmem>> -> memref<1x800xf32, #tpu.memory_space<vmem>>
      %dma_wait3A_201 = tpu.memref_squeeze %dma_wait3A_200 : memref<1x800xf32, #tpu.memory_space<vmem>> -> memref<800xf32, #tpu.memory_space<vmem>>
      %dma_wait3A_202 = tpu.memref_slice %arg2[%add3A_100, %add3A_58] : memref<64x320000xf32, #tpu.memory_space<hbm>> -> memref<1x800xf32, #tpu.memory_space<hbm>>
      %dma_wait3A_203 = tpu.memref_squeeze %dma_wait3A_202 : memref<1x800xf32, #tpu.memory_space<hbm>> -> memref<800xf32, #tpu.memory_space<hbm>>
      %dma_wait3A_204 = arith.constant 0 : i32
      %dma_wait3A_205 = tpu.memref_slice %arg6[%dma_wait3A_198, %dma_wait3A_204] : memref<8x800xf32, #tpu.memory_space<vmem>> -> memref<1x800xf32, #tpu.memory_space<vmem>>
      %dma_wait3A_206 = tpu.memref_squeeze %dma_wait3A_205 : memref<1x800xf32, #tpu.memory_space<vmem>> -> memref<800xf32, #tpu.memory_space<vmem>>
      %dma_wait3A_207 = tpu.memref_slice %arg2[%add3A_100, %add3A_58] : memref<64x320000xf32, #tpu.memory_space<hbm>> -> memref<1x800xf32, #tpu.memory_space<hbm>>
      %dma_wait3A_208 = tpu.memref_squeeze %dma_wait3A_207 : memref<1x800xf32, #tpu.memory_space<hbm>> -> memref<800xf32, #tpu.memory_space<hbm>>
      tpu.wait_dma2 semaphore(%arg12 : memref<!tpu.dma_semaphore, #tpu.memory_space<semaphore_mem>>) src(%dma_wait3A_208 : memref<800xf32, #tpu.memory_space<hbm>>) dst(%dma_wait3A_206 : memref<800xf32, #tpu.memory_space<vmem>>)
      %dma_wait3A_209 = arith.constant 4 : i32
      %dma_wait3A_210 = arith.constant 0 : i32
      %dma_wait3A_211 = tpu.memref_slice %arg6[%dma_wait3A_209, %dma_wait3A_210] : memref<8x800xf32, #tpu.memory_space<vmem>> -> memref<1x800xf32, #tpu.memory_space<vmem>>
      %dma_wait3A_212 = tpu.memref_squeeze %dma_wait3A_211 : memref<1x800xf32, #tpu.memory_space<vmem>> -> memref<800xf32, #tpu.memory_space<vmem>>
      %dma_wait3A_213 = tpu.memref_slice %arg2[%add3A_113, %add3A_58] : memref<64x320000xf32, #tpu.memory_space<hbm>> -> memref<1x800xf32, #tpu.memory_space<hbm>>
      %dma_wait3A_214 = tpu.memref_squeeze %dma_wait3A_213 : memref<1x800xf32, #tpu.memory_space<hbm>> -> memref<800xf32, #tpu.memory_space<hbm>>
      %dma_wait3A_215 = arith.constant 0 : i32
      %dma_wait3A_216 = tpu.memref_slice %arg6[%dma_wait3A_209, %dma_wait3A_215] : memref<8x800xf32, #tpu.memory_space<vmem>> -> memref<1x800xf32, #tpu.memory_space<vmem>>
      %dma_wait3A_217 = tpu.memref_squeeze %dma_wait3A_216 : memref<1x800xf32, #tpu.memory_space<vmem>> -> memref<800xf32, #tpu.memory_space<vmem>>
      %dma_wait3A_218 = tpu.memref_slice %arg2[%add3A_113, %add3A_58] : memref<64x320000xf32, #tpu.memory_space<hbm>> -> memref<1x800xf32, #tpu.memory_space<hbm>>
      %dma_wait3A_219 = tpu.memref_squeeze %dma_wait3A_218 : memref<1x800xf32, #tpu.memory_space<hbm>> -> memref<800xf32, #tpu.memory_space<hbm>>
      tpu.wait_dma2 semaphore(%arg12 : memref<!tpu.dma_semaphore, #tpu.memory_space<semaphore_mem>>) src(%dma_wait3A_219 : memref<800xf32, #tpu.memory_space<hbm>>) dst(%dma_wait3A_217 : memref<800xf32, #tpu.memory_space<vmem>>)
      %dma_wait3A_220 = arith.constant 5 : i32
      %dma_wait3A_221 = arith.constant 0 : i32
      %dma_wait3A_222 = tpu.memref_slice %arg6[%dma_wait3A_220, %dma_wait3A_221] : memref<8x800xf32, #tpu.memory_space<vmem>> -> memref<1x800xf32, #tpu.memory_space<vmem>>
      %dma_wait3A_223 = tpu.memref_squeeze %dma_wait3A_222 : memref<1x800xf32, #tpu.memory_space<vmem>> -> memref<800xf32, #tpu.memory_space<vmem>>
      %dma_wait3A_224 = tpu.memref_slice %arg2[%add3A_126, %add3A_58] : memref<64x320000xf32, #tpu.memory_space<hbm>> -> memref<1x800xf32, #tpu.memory_space<hbm>>
      %dma_wait3A_225 = tpu.memref_squeeze %dma_wait3A_224 : memref<1x800xf32, #tpu.memory_space<hbm>> -> memref<800xf32, #tpu.memory_space<hbm>>
      %dma_wait3A_226 = arith.constant 0 : i32
      %dma_wait3A_227 = tpu.memref_slice %arg6[%dma_wait3A_220, %dma_wait3A_226] : memref<8x800xf32, #tpu.memory_space<vmem>> -> memref<1x800xf32, #tpu.memory_space<vmem>>
      %dma_wait3A_228 = tpu.memref_squeeze %dma_wait3A_227 : memref<1x800xf32, #tpu.memory_space<vmem>> -> memref<800xf32, #tpu.memory_space<vmem>>
      %dma_wait3A_229 = tpu.memref_slice %arg2[%add3A_126, %add3A_58] : memref<64x320000xf32, #tpu.memory_space<hbm>> -> memref<1x800xf32, #tpu.memory_space<hbm>>
      %dma_wait3A_230 = tpu.memref_squeeze %dma_wait3A_229 : memref<1x800xf32, #tpu.memory_space<hbm>> -> memref<800xf32, #tpu.memory_space<hbm>>
      tpu.wait_dma2 semaphore(%arg12 : memref<!tpu.dma_semaphore, #tpu.memory_space<semaphore_mem>>) src(%dma_wait3A_230 : memref<800xf32, #tpu.memory_space<hbm>>) dst(%dma_wait3A_228 : memref<800xf32, #tpu.memory_space<vmem>>)
      %dma_wait3A_231 = arith.constant 6 : i32
      %dma_wait3A_232 = arith.constant 0 : i32
      %dma_wait3A_233 = tpu.memref_slice %arg6[%dma_wait3A_231, %dma_wait3A_232] : memref<8x800xf32, #tpu.memory_space<vmem>> -> memref<1x800xf32, #tpu.memory_space<vmem>>
      %dma_wait3A_234 = tpu.memref_squeeze %dma_wait3A_233 : memref<1x800xf32, #tpu.memory_space<vmem>> -> memref<800xf32, #tpu.memory_space<vmem>>
      %dma_wait3A_235 = tpu.memref_slice %arg2[%add3A_139, %add3A_58] : memref<64x320000xf32, #tpu.memory_space<hbm>> -> memref<1x800xf32, #tpu.memory_space<hbm>>
      %dma_wait3A_236 = tpu.memref_squeeze %dma_wait3A_235 : memref<1x800xf32, #tpu.memory_space<hbm>> -> memref<800xf32, #tpu.memory_space<hbm>>
      %dma_wait3A_237 = arith.constant 0 : i32
      %dma_wait3A_238 = tpu.memref_slice %arg6[%dma_wait3A_231, %dma_wait3A_237] : memref<8x800xf32, #tpu.memory_space<vmem>> -> memref<1x800xf32, #tpu.memory_space<vmem>>
      %dma_wait3A_239 = tpu.memref_squeeze %dma_wait3A_238 : memref<1x800xf32, #tpu.memory_space<vmem>> -> memref<800xf32, #tpu.memory_space<vmem>>
      %dma_wait3A_240 = tpu.memref_slice %arg2[%add3A_139, %add3A_58] : memref<64x320000xf32, #tpu.memory_space<hbm>> -> memref<1x800xf32, #tpu.memory_space<hbm>>
      %dma_wait3A_241 = tpu.memref_squeeze %dma_wait3A_240 : memref<1x800xf32, #tpu.memory_space<hbm>> -> memref<800xf32, #tpu.memory_space<hbm>>
      tpu.wait_dma2 semaphore(%arg12 : memref<!tpu.dma_semaphore, #tpu.memory_space<semaphore_mem>>) src(%dma_wait3A_241 : memref<800xf32, #tpu.memory_space<hbm>>) dst(%dma_wait3A_239 : memref<800xf32, #tpu.memory_space<vmem>>)
      %dma_wait3A_242 = arith.constant 7 : i32
      %dma_wait3A_243 = arith.constant 0 : i32
      %dma_wait3A_244 = tpu.memref_slice %arg6[%dma_wait3A_242, %dma_wait3A_243] : memref<8x800xf32, #tpu.memory_space<vmem>> -> memref<1x800xf32, #tpu.memory_space<vmem>>
      %dma_wait3A_245 = tpu.memref_squeeze %dma_wait3A_244 : memref<1x800xf32, #tpu.memory_space<vmem>> -> memref<800xf32, #tpu.memory_space<vmem>>
      %dma_wait3A_246 = tpu.memref_slice %arg2[%add3A_152, %add3A_58] : memref<64x320000xf32, #tpu.memory_space<hbm>> -> memref<1x800xf32, #tpu.memory_space<hbm>>
      %dma_wait3A_247 = tpu.memref_squeeze %dma_wait3A_246 : memref<1x800xf32, #tpu.memory_space<hbm>> -> memref<800xf32, #tpu.memory_space<hbm>>
      %dma_wait3A_248 = arith.constant 0 : i32
      %dma_wait3A_249 = tpu.memref_slice %arg6[%dma_wait3A_242, %dma_wait3A_248] : memref<8x800xf32, #tpu.memory_space<vmem>> -> memref<1x800xf32, #tpu.memory_space<vmem>>
      %dma_wait3A_250 = tpu.memref_squeeze %dma_wait3A_249 : memref<1x800xf32, #tpu.memory_space<vmem>> -> memref<800xf32, #tpu.memory_space<vmem>>
      %dma_wait3A_251 = tpu.memref_slice %arg2[%add3A_152, %add3A_58] : memref<64x320000xf32, #tpu.memory_space<hbm>> -> memref<1x800xf32, #tpu.memory_space<hbm>>
      %dma_wait3A_252 = tpu.memref_squeeze %dma_wait3A_251 : memref<1x800xf32, #tpu.memory_space<hbm>> -> memref<800xf32, #tpu.memory_space<hbm>>
      tpu.wait_dma2 semaphore(%arg12 : memref<!tpu.dma_semaphore, #tpu.memory_space<semaphore_mem>>) src(%dma_wait3A_252 : memref<800xf32, #tpu.memory_space<hbm>>) dst(%dma_wait3A_250 : memref<800xf32, #tpu.memory_space<vmem>>)
      %scan3A_253 = arith.constant 0 : i32
      %scan3A_254 = arith.constant 0 : i32
      %scan3A_255 = arith.constant 50 : i32
      %scan3A_256 = arith.addi %scan3A_254, %scan3A_255 : i32
      %scan3A_257 = arith.constant 1 : i32
      %scan3A_258 = scf.for %scan3A_261 = %scan3A_254 to %scan3A_256 step %scan3A_257 iter_args(%scan3A_262 = %scan3A_253) -> (i32)  : i32 {
        %mul3A_263 = arith.constant 16 : i32
        %mul3A_264 = arith.muli %scan3A_261, %mul3A_263 : i32
        %get3A = arith.index_cast %mul3A_264 : i32 to index
        %get3A_265 = tpu.vector_load %arg5[%get3A] {strides = array<i32>} : memref<800xi32, #tpu.memory_space<vmem>>, vector<16xi32>,
        tpu.vector_store_idx %arg8[%get3A_265], %iota3A : memref<10000xi32, #tpu.memory_space<vmem>>[vector<16xi32>], vector<16xi32>,
        %gather3A = tpu.vector_load_idx %arg8[%get3A_265] : memref<10000xi32, #tpu.memory_space<vmem>>[vector<16xi32>], vector<16xi32>,
        %ne3A_266 = arith.cmpi ne, %gather3A, %iota3A : vector<16xi32>
        %convert_element_type3A = arith.extui %ne3A_266 : vector<16xi1> to vector<16xi32>
        %reduce_max3A = arith.constant true
        %reduce_max3A_267 = vector.broadcast %reduce_max3A : i1 to vector<16xi1>
        %reduce_max3A_268 = arith.constant -2147483648 : i32
        %reduce_max3A_269 = vector.broadcast %reduce_max3A_268 : i32 to vector<16xi32>
        %reduce_max3A_270 = arith.xori %convert_element_type3A, %reduce_max3A_269 : vector<16xi32>
        %reduce_max3A_271 = tpu.scan <max>, %reduce_max3A_270 masked %reduce_max3A_267 : vector<16xi32>, vector<16xi1> -> vector<16xi32>
        %reduce_max3A_272 = arith.xori %reduce_max3A_271, %reduce_max3A_269 : vector<16xi32>
        %reduce_max3A_273 = vector.extract %reduce_max3A_272[15] : i32 from vector<16xi32>
        %gt3A = arith.constant 0 : i32
        %gt3A_274 = arith.cmpi sgt, %reduce_max3A_273, %gt3A : i32
        %convert_element_type3A_275 = arith.extui %gt3A_274 : i1 to i32
        %cond3A = arith.constant 0 : i32
        %cond3A_276 = arith.cmpi ne, %convert_element_type3A_275, %cond3A : i32
        scf.if %cond3A_276 {
          %masked_sort3A = arith.constant dense<true> : vector<16xi1>
          %masked_sort3A_278 = arith.constant -2147483648 : i32
          %masked_sort3A_279 = vector.broadcast %masked_sort3A_278 : i32 to vector<16xi32>
          %masked_sort3A_280 = arith.xori %get3A_265, %masked_sort3A_279 : vector<16xi32>
          %masked_sort3A_281, %masked_sort3A_282, %masked_sort3A_283 = tpu.sort %masked_sort3A_280, %iota3A masked %masked_sort3A : (vector<16xi32>, vector<16xi32>, vector<16xi1>) -> (vector<16xi1>, vector<16xi32>, vector<16xi32>)
          %masked_sort3A_284 = arith.xori %masked_sort3A_282, %masked_sort3A_279 : vector<16xi32>
          %swap3A_285 = arith.constant 1 : index
          %swap3A_286 = tpu.vector_load %arg10[%swap3A_285] {strides = array<i32>} : memref<32xi32, #tpu.memory_space<vmem>>, vector<16xi32>,
          tpu.vector_store %arg10[%swap3A_285], %masked_sort3A_284 {strides = array<i32>} : memref<32xi32, #tpu.memory_space<vmem>>, vector<16xi32>,
          %get3A_287 = arith.constant 0 : index
          %get3A_288 = tpu.vector_load %arg10[%get3A_287] {strides = array<i32>} : memref<32xi32, #tpu.memory_space<vmem>>, vector<16xi32>,
          %eq3A_289 = arith.constant 0 : i32
          %eq3A_290 = vector.broadcast %eq3A_289 : i32 to vector<16xi32>
          %eq3A_291 = arith.cmpi eq, %iota3A, %eq3A_290 : vector<16xi32>
          %ne3A_292 = arith.cmpi ne, %masked_sort3A_284, %get3A_288 : vector<16xi32>
          %or3A = arith.ori %eq3A_291, %ne3A_292 : vector<16xi1>
          %jit3A_293 = arith.constant 0 : i32
          %broadcast_in_dim3A_294 = vector.broadcast %jit3A_293 : i32 to vector<16xi32>
          %select_n3A_295 = arith.select %or3A, %iota3A, %broadcast_in_dim3A_294 : vector<16xi1>, vector<16xi32>
          %broadcast_in_dim3A_296 = arith.constant true
          %broadcast_in_dim3A_297 = vector.broadcast %broadcast_in_dim3A_296 : i1 to vector<16xi1>
          %masked_cummax3A = arith.constant -2147483648 : i32
          %masked_cummax3A_298 = vector.broadcast %masked_cummax3A : i32 to vector<16xi32>
          %masked_cummax3A_299 = arith.xori %select_n3A_295, %masked_cummax3A_298 : vector<16xi32>
          %masked_cummax3A_300 = tpu.scan <max>, %masked_cummax3A_299 masked %broadcast_in_dim3A_297 : vector<16xi32>, vector<16xi1> -> vector<16xi32>
          %masked_cummax3A_301 = arith.xori %masked_cummax3A_300, %masked_cummax3A_298 : vector<16xi32>
          %sub3A_302 = arith.subi %iota3A, %masked_cummax3A_301 : vector<16xi32>
          tpu.vector_store_idx %arg9[%masked_sort3A_283], %sub3A_302 : memref<16xi32, #tpu.memory_space<vmem>>[vector<16xi32>], vector<16xi32>,
          %get3A_303 = arith.constant 0 : index
          %get3A_304 = tpu.vector_load %arg9[%get3A_303] {strides = array<i32>} : memref<16xi32, #tpu.memory_space<vmem>>, vector<16xi32>,
          %reduce_max3A_305 = arith.constant true
          %reduce_max3A_306 = vector.broadcast %reduce_max3A_305 : i1 to vector<16xi1>
          %reduce_max3A_307 = arith.constant -2147483648 : i32
          %reduce_max3A_308 = vector.broadcast %reduce_max3A_307 : i32 to vector<16xi32>
          %reduce_max3A_309 = arith.xori %sub3A_302, %reduce_max3A_308 : vector<16xi32>
          %reduce_max3A_310 = tpu.scan <max>, %reduce_max3A_309 masked %reduce_max3A_306 : vector<16xi32>, vector<16xi1> -> vector<16xi32>
          %reduce_max3A_311 = arith.xori %reduce_max3A_310, %reduce_max3A_308 : vector<16xi32>
          %reduce_max3A_312 = vector.extract %reduce_max3A_311[15] : i32 from vector<16xi32>
          %add3A_313 = arith.constant 1 : i32
          %add3A_314 = arith.addi %reduce_max3A_312, %add3A_313 : i32
          %while3A = arith.constant 0 : i32
          %while3A_315 = arith.constant 0 : i32
          %while3A_316 = arith.subi %add3A_314, %while3A : i32
          %while3A_317 = arith.addi %while3A, %while3A_316 : i32
          %while3A_318 = arith.constant 1 : i32
          %while3A_319 = arith.divsi %while3A_316, %while3A_318 : i32
          %while3A_320 = arith.muli %while3A_319, %while3A_318 : i32
          %while3A_321 = arith.addi %while3A, %while3A_320 : i32
          %while3A_322 = arith.constant 1 : i32
          %while3A_323 = scf.for %while3A_326 = %while3A to %while3A_321 step %while3A_322 iter_args(%while3A_327 = %while3A_315) -> (i32)  : i32 {
            %eq3A_328 = vector.broadcast %while3A_326 : i32 to vector<16xi32>
            %eq3A_329 = arith.cmpi eq, %get3A_304, %eq3A_328 : vector<16xi32>
            %mul3A_330 = arith.constant 16 : i32
            %mul3A_331 = arith.muli %scan3A_261, %mul3A_330 : i32
            %get3A_332 = arith.constant 0 : i32
            %get3A_333 = arith.index_cast %get3A_332 : i32 to index
            %get3A_334 = arith.index_cast %mul3A_331 : i32 to index
            %get3A_335 = tpu.vector_load %arg6[%get3A_333, %get3A_334] {strides = array<i32>} : memref<8x800xf32, #tpu.memory_space<vmem>>, vector<16xf32>,
            %add3A_336 = arith.constant 0 : i32
            %add3A_337 = vector.broadcast %add3A_336 : i32 to vector<16xi32>
            %add3A_338 = arith.addi %get3A_265, %add3A_337 : vector<16xi32>
            %gather3A_339 = tpu.vector_load_idx %arg7[%add3A_338] masked %eq3A_329 : memref<80000xf32, #tpu.memory_space<vmem>>[vector<16xi32>], vector<16xf32>, vector<16xi1>
            %max3A = arith.maximumf %gather3A_339, %get3A_335 : vector<16xf32>
            tpu.vector_store_idx %arg7[%add3A_338], %max3A masked %eq3A_329 : memref<80000xf32, #tpu.memory_space<vmem>>[vector<16xi32>], vector<16xf32>, vector<16xi1>
            %mul3A_340 = arith.constant 16 : i32
            %mul3A_341 = arith.muli %scan3A_261, %mul3A_340 : i32
            %get3A_342 = arith.constant 1 : i32
            %get3A_343 = arith.index_cast %get3A_342 : i32 to index
            %get3A_344 = arith.index_cast %mul3A_341 : i32 to index
            %get3A_345 = tpu.vector_load %arg6[%get3A_343, %get3A_344] {strides = array<i32>} : memref<8x800xf32, #tpu.memory_space<vmem>>, vector<16xf32>,
            %add3A_346 = arith.constant 10000 : i32
            %add3A_347 = vector.broadcast %add3A_346 : i32 to vector<16xi32>
            %add3A_348 = arith.addi %get3A_265, %add3A_347 : vector<16xi32>
            %gather3A_349 = tpu.vector_load_idx %arg7[%add3A_348] masked %eq3A_329 : memref<80000xf32, #tpu.memory_space<vmem>>[vector<16xi32>], vector<16xf32>, vector<16xi1>
            %max3A_350 = arith.maximumf %gather3A_349, %get3A_345 : vector<16xf32>
            tpu.vector_store_idx %arg7[%add3A_348], %max3A_350 masked %eq3A_329 : memref<80000xf32, #tpu.memory_space<vmem>>[vector<16xi32>], vector<16xf32>, vector<16xi1>
            %mul3A_351 = arith.constant 16 : i32
            %mul3A_352 = arith.muli %scan3A_261, %mul3A_351 : i32
            %get3A_353 = arith.constant 2 : i32
            %get3A_354 = arith.index_cast %get3A_353 : i32 to index
            %get3A_355 = arith.index_cast %mul3A_352 : i32 to index
            %get3A_356 = tpu.vector_load %arg6[%get3A_354, %get3A_355] {strides = array<i32>} : memref<8x800xf32, #tpu.memory_space<vmem>>, vector<16xf32>,
            %add3A_357 = arith.constant 20000 : i32
            %add3A_358 = vector.broadcast %add3A_357 : i32 to vector<16xi32>
            %add3A_359 = arith.addi %get3A_265, %add3A_358 : vector<16xi32>
            %gather3A_360 = tpu.vector_load_idx %arg7[%add3A_359] masked %eq3A_329 : memref<80000xf32, #tpu.memory_space<vmem>>[vector<16xi32>], vector<16xf32>, vector<16xi1>
            %max3A_361 = arith.maximumf %gather3A_360, %get3A_356 : vector<16xf32>
            tpu.vector_store_idx %arg7[%add3A_359], %max3A_361 masked %eq3A_329 : memref<80000xf32, #tpu.memory_space<vmem>>[vector<16xi32>], vector<16xf32>, vector<16xi1>
            %mul3A_362 = arith.constant 16 : i32
            %mul3A_363 = arith.muli %scan3A_261, %mul3A_362 : i32
            %get3A_364 = arith.constant 3 : i32
            %get3A_365 = arith.index_cast %get3A_364 : i32 to index
            %get3A_366 = arith.index_cast %mul3A_363 : i32 to index
            %get3A_367 = tpu.vector_load %arg6[%get3A_365, %get3A_366] {strides = array<i32>} : memref<8x800xf32, #tpu.memory_space<vmem>>, vector<16xf32>,
            %add3A_368 = arith.constant 30000 : i32
            %add3A_369 = vector.broadcast %add3A_368 : i32 to vector<16xi32>
            %add3A_370 = arith.addi %get3A_265, %add3A_369 : vector<16xi32>
            %gather3A_371 = tpu.vector_load_idx %arg7[%add3A_370] masked %eq3A_329 : memref<80000xf32, #tpu.memory_space<vmem>>[vector<16xi32>], vector<16xf32>, vector<16xi1>
            %max3A_372 = arith.maximumf %gather3A_371, %get3A_367 : vector<16xf32>
            tpu.vector_store_idx %arg7[%add3A_370], %max3A_372 masked %eq3A_329 : memref<80000xf32, #tpu.memory_space<vmem>>[vector<16xi32>], vector<16xf32>, vector<16xi1>
            %mul3A_373 = arith.constant 16 : i32
            %mul3A_374 = arith.muli %scan3A_261, %mul3A_373 : i32
            %get3A_375 = arith.constant 4 : i32
            %get3A_376 = arith.index_cast %get3A_375 : i32 to index
            %get3A_377 = arith.index_cast %mul3A_374 : i32 to index
            %get3A_378 = tpu.vector_load %arg6[%get3A_376, %get3A_377] {strides = array<i32>} : memref<8x800xf32, #tpu.memory_space<vmem>>, vector<16xf32>,
            %add3A_379 = arith.constant 40000 : i32
            %add3A_380 = vector.broadcast %add3A_379 : i32 to vector<16xi32>
            %add3A_381 = arith.addi %get3A_265, %add3A_380 : vector<16xi32>
            %gather3A_382 = tpu.vector_load_idx %arg7[%add3A_381] masked %eq3A_329 : memref<80000xf32, #tpu.memory_space<vmem>>[vector<16xi32>], vector<16xf32>, vector<16xi1>
            %max3A_383 = arith.maximumf %gather3A_382, %get3A_378 : vector<16xf32>
            tpu.vector_store_idx %arg7[%add3A_381], %max3A_383 masked %eq3A_329 : memref<80000xf32, #tpu.memory_space<vmem>>[vector<16xi32>], vector<16xf32>, vector<16xi1>
            %mul3A_384 = arith.constant 16 : i32
            %mul3A_385 = arith.muli %scan3A_261, %mul3A_384 : i32
            %get3A_386 = arith.constant 5 : i32
            %get3A_387 = arith.index_cast %get3A_386 : i32 to index
            %get3A_388 = arith.index_cast %mul3A_385 : i32 to index
            %get3A_389 = tpu.vector_load %arg6[%get3A_387, %get3A_388] {strides = array<i32>} : memref<8x800xf32, #tpu.memory_space<vmem>>, vector<16xf32>,
            %add3A_390 = arith.constant 50000 : i32
            %add3A_391 = vector.broadcast %add3A_390 : i32 to vector<16xi32>
            %add3A_392 = arith.addi %get3A_265, %add3A_391 : vector<16xi32>
            %gather3A_393 = tpu.vector_load_idx %arg7[%add3A_392] masked %eq3A_329 : memref<80000xf32, #tpu.memory_space<vmem>>[vector<16xi32>], vector<16xf32>, vector<16xi1>
            %max3A_394 = arith.maximumf %gather3A_393, %get3A_389 : vector<16xf32>
            tpu.vector_store_idx %arg7[%add3A_392], %max3A_394 masked %eq3A_329 : memref<80000xf32, #tpu.memory_space<vmem>>[vector<16xi32>], vector<16xf32>, vector<16xi1>
            %mul3A_395 = arith.constant 16 : i32
            %mul3A_396 = arith.muli %scan3A_261, %mul3A_395 : i32
            %get3A_397 = arith.constant 6 : i32
            %get3A_398 = arith.index_cast %get3A_397 : i32 to index
            %get3A_399 = arith.index_cast %mul3A_396 : i32 to index
            %get3A_400 = tpu.vector_load %arg6[%get3A_398, %get3A_399] {strides = array<i32>} : memref<8x800xf32, #tpu.memory_space<vmem>>, vector<16xf32>,
            %add3A_401 = arith.constant 60000 : i32
            %add3A_402 = vector.broadcast %add3A_401 : i32 to vector<16xi32>
            %add3A_403 = arith.addi %get3A_265, %add3A_402 : vector<16xi32>
            %gather3A_404 = tpu.vector_load_idx %arg7[%add3A_403] masked %eq3A_329 : memref<80000xf32, #tpu.memory_space<vmem>>[vector<16xi32>], vector<16xf32>, vector<16xi1>
            %max3A_405 = arith.maximumf %gather3A_404, %get3A_400 : vector<16xf32>
            tpu.vector_store_idx %arg7[%add3A_403], %max3A_405 masked %eq3A_329 : memref<80000xf32, #tpu.memory_space<vmem>>[vector<16xi32>], vector<16xf32>, vector<16xi1>
            %mul3A_406 = arith.constant 16 : i32
            %mul3A_407 = arith.muli %scan3A_261, %mul3A_406 : i32
            %get3A_408 = arith.constant 7 : i32
            %get3A_409 = arith.index_cast %get3A_408 : i32 to index
            %get3A_410 = arith.index_cast %mul3A_407 : i32 to index
            %get3A_411 = tpu.vector_load %arg6[%get3A_409, %get3A_410] {strides = array<i32>} : memref<8x800xf32, #tpu.memory_space<vmem>>, vector<16xf32>,
            %add3A_412 = arith.constant 70000 : i32
            %add3A_413 = vector.broadcast %add3A_412 : i32 to vector<16xi32>
            %add3A_414 = arith.addi %get3A_265, %add3A_413 : vector<16xi32>
            %gather3A_415 = tpu.vector_load_idx %arg7[%add3A_414] masked %eq3A_329 : memref<80000xf32, #tpu.memory_space<vmem>>[vector<16xi32>], vector<16xf32>, vector<16xi1>
            %max3A_416 = arith.maximumf %gather3A_415, %get3A_411 : vector<16xf32>
            tpu.vector_store_idx %arg7[%add3A_414], %max3A_416 masked %eq3A_329 : memref<80000xf32, #tpu.memory_space<vmem>>[vector<16xi32>], vector<16xf32>, vector<16xi1>
            %while3A_417 = arith.constant 0 : i32
            scf.yield %while3A_417 : i32
          }
          %while3A_324 = arith.constant 1 : i32
          %while3A_325 = scf.for %while3A_326 = %while3A_321 to %while3A_317 step %while3A_324 iter_args(%while3A_327 = %while3A_323) -> (i32)  : i32 {
            %eq3A_328 = vector.broadcast %while3A_326 : i32 to vector<16xi32>
            %eq3A_329 = arith.cmpi eq, %get3A_304, %eq3A_328 : vector<16xi32>
            %mul3A_330 = arith.constant 16 : i32
            %mul3A_331 = arith.muli %scan3A_261, %mul3A_330 : i32
            %get3A_332 = arith.constant 0 : i32
            %get3A_333 = arith.index_cast %get3A_332 : i32 to index
            %get3A_334 = arith.index_cast %mul3A_331 : i32 to index
            %get3A_335 = tpu.vector_load %arg6[%get3A_333, %get3A_334] {strides = array<i32>} : memref<8x800xf32, #tpu.memory_space<vmem>>, vector<16xf32>,
            %add3A_336 = arith.constant 0 : i32
            %add3A_337 = vector.broadcast %add3A_336 : i32 to vector<16xi32>
            %add3A_338 = arith.addi %get3A_265, %add3A_337 : vector<16xi32>
            %gather3A_339 = tpu.vector_load_idx %arg7[%add3A_338] masked %eq3A_329 : memref<80000xf32, #tpu.memory_space<vmem>>[vector<16xi32>], vector<16xf32>, vector<16xi1>
            %max3A = arith.maximumf %gather3A_339, %get3A_335 : vector<16xf32>
            tpu.vector_store_idx %arg7[%add3A_338], %max3A masked %eq3A_329 : memref<80000xf32, #tpu.memory_space<vmem>>[vector<16xi32>], vector<16xf32>, vector<16xi1>
            %mul3A_340 = arith.constant 16 : i32
            %mul3A_341 = arith.muli %scan3A_261, %mul3A_340 : i32
            %get3A_342 = arith.constant 1 : i32
            %get3A_343 = arith.index_cast %get3A_342 : i32 to index
            %get3A_344 = arith.index_cast %mul3A_341 : i32 to index
            %get3A_345 = tpu.vector_load %arg6[%get3A_343, %get3A_344] {strides = array<i32>} : memref<8x800xf32, #tpu.memory_space<vmem>>, vector<16xf32>,
            %add3A_346 = arith.constant 10000 : i32
            %add3A_347 = vector.broadcast %add3A_346 : i32 to vector<16xi32>
            %add3A_348 = arith.addi %get3A_265, %add3A_347 : vector<16xi32>
            %gather3A_349 = tpu.vector_load_idx %arg7[%add3A_348] masked %eq3A_329 : memref<80000xf32, #tpu.memory_space<vmem>>[vector<16xi32>], vector<16xf32>, vector<16xi1>
            %max3A_350 = arith.maximumf %gather3A_349, %get3A_345 : vector<16xf32>
            tpu.vector_store_idx %arg7[%add3A_348], %max3A_350 masked %eq3A_329 : memref<80000xf32, #tpu.memory_space<vmem>>[vector<16xi32>], vector<16xf32>, vector<16xi1>
            %mul3A_351 = arith.constant 16 : i32
            %mul3A_352 = arith.muli %scan3A_261, %mul3A_351 : i32
            %get3A_353 = arith.constant 2 : i32
            %get3A_354 = arith.index_cast %get3A_353 : i32 to index
            %get3A_355 = arith.index_cast %mul3A_352 : i32 to index
            %get3A_356 = tpu.vector_load %arg6[%get3A_354, %get3A_355] {strides = array<i32>} : memref<8x800xf32, #tpu.memory_space<vmem>>, vector<16xf32>,
            %add3A_357 = arith.constant 20000 : i32
            %add3A_358 = vector.broadcast %add3A_357 : i32 to vector<16xi32>
            %add3A_359 = arith.addi %get3A_265, %add3A_358 : vector<16xi32>
            %gather3A_360 = tpu.vector_load_idx %arg7[%add3A_359] masked %eq3A_329 : memref<80000xf32, #tpu.memory_space<vmem>>[vector<16xi32>], vector<16xf32>, vector<16xi1>
            %max3A_361 = arith.maximumf %gather3A_360, %get3A_356 : vector<16xf32>
            tpu.vector_store_idx %arg7[%add3A_359], %max3A_361 masked %eq3A_329 : memref<80000xf32, #tpu.memory_space<vmem>>[vector<16xi32>], vector<16xf32>, vector<16xi1>
            %mul3A_362 = arith.constant 16 : i32
            %mul3A_363 = arith.muli %scan3A_261, %mul3A_362 : i32
            %get3A_364 = arith.constant 3 : i32
            %get3A_365 = arith.index_cast %get3A_364 : i32 to index
            %get3A_366 = arith.index_cast %mul3A_363 : i32 to index
            %get3A_367 = tpu.vector_load %arg6[%get3A_365, %get3A_366] {strides = array<i32>} : memref<8x800xf32, #tpu.memory_space<vmem>>, vector<16xf32>,
            %add3A_368 = arith.constant 30000 : i32
            %add3A_369 = vector.broadcast %add3A_368 : i32 to vector<16xi32>
            %add3A_370 = arith.addi %get3A_265, %add3A_369 : vector<16xi32>
            %gather3A_371 = tpu.vector_load_idx %arg7[%add3A_370] masked %eq3A_329 : memref<80000xf32, #tpu.memory_space<vmem>>[vector<16xi32>], vector<16xf32>, vector<16xi1>
            %max3A_372 = arith.maximumf %gather3A_371, %get3A_367 : vector<16xf32>
            tpu.vector_store_idx %arg7[%add3A_370], %max3A_372 masked %eq3A_329 : memref<80000xf32, #tpu.memory_space<vmem>>[vector<16xi32>], vector<16xf32>, vector<16xi1>
            %mul3A_373 = arith.constant 16 : i32
            %mul3A_374 = arith.muli %scan3A_261, %mul3A_373 : i32
            %get3A_375 = arith.constant 4 : i32
            %get3A_376 = arith.index_cast %get3A_375 : i32 to index
            %get3A_377 = arith.index_cast %mul3A_374 : i32 to index
            %get3A_378 = tpu.vector_load %arg6[%get3A_376, %get3A_377] {strides = array<i32>} : memref<8x800xf32, #tpu.memory_space<vmem>>, vector<16xf32>,
            %add3A_379 = arith.constant 40000 : i32
            %add3A_380 = vector.broadcast %add3A_379 : i32 to vector<16xi32>
            %add3A_381 = arith.addi %get3A_265, %add3A_380 : vector<16xi32>
            %gather3A_382 = tpu.vector_load_idx %arg7[%add3A_381] masked %eq3A_329 : memref<80000xf32, #tpu.memory_space<vmem>>[vector<16xi32>], vector<16xf32>, vector<16xi1>
            %max3A_383 = arith.maximumf %gather3A_382, %get3A_378 : vector<16xf32>
            tpu.vector_store_idx %arg7[%add3A_381], %max3A_383 masked %eq3A_329 : memref<80000xf32, #tpu.memory_space<vmem>>[vector<16xi32>], vector<16xf32>, vector<16xi1>
            %mul3A_384 = arith.constant 16 : i32
            %mul3A_385 = arith.muli %scan3A_261, %mul3A_384 : i32
            %get3A_386 = arith.constant 5 : i32
            %get3A_387 = arith.index_cast %get3A_386 : i32 to index
            %get3A_388 = arith.index_cast %mul3A_385 : i32 to index
            %get3A_389 = tpu.vector_load %arg6[%get3A_387, %get3A_388] {strides = array<i32>} : memref<8x800xf32, #tpu.memory_space<vmem>>, vector<16xf32>,
            %add3A_390 = arith.constant 50000 : i32
            %add3A_391 = vector.broadcast %add3A_390 : i32 to vector<16xi32>
            %add3A_392 = arith.addi %get3A_265, %add3A_391 : vector<16xi32>
            %gather3A_393 = tpu.vector_load_idx %arg7[%add3A_392] masked %eq3A_329 : memref<80000xf32, #tpu.memory_space<vmem>>[vector<16xi32>], vector<16xf32>, vector<16xi1>
            %max3A_394 = arith.maximumf %gather3A_393, %get3A_389 : vector<16xf32>
            tpu.vector_store_idx %arg7[%add3A_392], %max3A_394 masked %eq3A_329 : memref<80000xf32, #tpu.memory_space<vmem>>[vector<16xi32>], vector<16xf32>, vector<16xi1>
            %mul3A_395 = arith.constant 16 : i32
            %mul3A_396 = arith.muli %scan3A_261, %mul3A_395 : i32
            %get3A_397 = arith.constant 6 : i32
            %get3A_398 = arith.index_cast %get3A_397 : i32 to index
            %get3A_399 = arith.index_cast %mul3A_396 : i32 to index
            %get3A_400 = tpu.vector_load %arg6[%get3A_398, %get3A_399] {strides = array<i32>} : memref<8x800xf32, #tpu.memory_space<vmem>>, vector<16xf32>,
            %add3A_401 = arith.constant 60000 : i32
            %add3A_402 = vector.broadcast %add3A_401 : i32 to vector<16xi32>
            %add3A_403 = arith.addi %get3A_265, %add3A_402 : vector<16xi32>
            %gather3A_404 = tpu.vector_load_idx %arg7[%add3A_403] masked %eq3A_329 : memref<80000xf32, #tpu.memory_space<vmem>>[vector<16xi32>], vector<16xf32>, vector<16xi1>
            %max3A_405 = arith.maximumf %gather3A_404, %get3A_400 : vector<16xf32>
            tpu.vector_store_idx %arg7[%add3A_403], %max3A_405 masked %eq3A_329 : memref<80000xf32, #tpu.memory_space<vmem>>[vector<16xi32>], vector<16xf32>, vector<16xi1>
            %mul3A_406 = arith.constant 16 : i32
            %mul3A_407 = arith.muli %scan3A_261, %mul3A_406 : i32
            %get3A_408 = arith.constant 7 : i32
            %get3A_409 = arith.index_cast %get3A_408 : i32 to index
            %get3A_410 = arith.index_cast %mul3A_407 : i32 to index
            %get3A_411 = tpu.vector_load %arg6[%get3A_409, %get3A_410] {strides = array<i32>} : memref<8x800xf32, #tpu.memory_space<vmem>>, vector<16xf32>,
            %add3A_412 = arith.constant 70000 : i32
            %add3A_413 = vector.broadcast %add3A_412 : i32 to vector<16xi32>
            %add3A_414 = arith.addi %get3A_265, %add3A_413 : vector<16xi32>
            %gather3A_415 = tpu.vector_load_idx %arg7[%add3A_414] masked %eq3A_329 : memref<80000xf32, #tpu.memory_space<vmem>>[vector<16xi32>], vector<16xf32>, vector<16xi1>
            %max3A_416 = arith.maximumf %gather3A_415, %get3A_411 : vector<16xf32>
            tpu.vector_store_idx %arg7[%add3A_414], %max3A_416 masked %eq3A_329 : memref<80000xf32, #tpu.memory_space<vmem>>[vector<16xi32>], vector<16xf32>, vector<16xi1>
            %while3A_417 = arith.constant 0 : i32
            scf.yield %while3A_417 : i32
          }
        } else {
          %ge3A = arith.constant 0 : i32
          %ge3A_278 = vector.broadcast %ge3A : i32 to vector<16xi32>
          %ge3A_279 = arith.cmpi sge, %iota3A, %ge3A_278 : vector<16xi32>
          %mul3A_280 = arith.constant 16 : i32
          %mul3A_281 = arith.muli %scan3A_261, %mul3A_280 : i32
          %get3A_282 = arith.constant 0 : i32
          %get3A_283 = arith.index_cast %get3A_282 : i32 to index
          %get3A_284 = arith.index_cast %mul3A_281 : i32 to index
          %get3A_285 = tpu.vector_load %arg6[%get3A_283, %get3A_284] {strides = array<i32>} : memref<8x800xf32, #tpu.memory_space<vmem>>, vector<16xf32>,
          %add3A_286 = arith.constant 0 : i32
          %add3A_287 = vector.broadcast %add3A_286 : i32 to vector<16xi32>
          %add3A_288 = arith.addi %get3A_265, %add3A_287 : vector<16xi32>
          %gather3A_289 = tpu.vector_load_idx %arg7[%add3A_288] masked %ge3A_279 : memref<80000xf32, #tpu.memory_space<vmem>>[vector<16xi32>], vector<16xf32>, vector<16xi1>
          %max3A = arith.maximumf %gather3A_289, %get3A_285 : vector<16xf32>
          tpu.vector_store_idx %arg7[%add3A_288], %max3A masked %ge3A_279 : memref<80000xf32, #tpu.memory_space<vmem>>[vector<16xi32>], vector<16xf32>, vector<16xi1>
          %mul3A_290 = arith.constant 16 : i32
          %mul3A_291 = arith.muli %scan3A_261, %mul3A_290 : i32
          %get3A_292 = arith.constant 1 : i32
          %get3A_293 = arith.index_cast %get3A_292 : i32 to index
          %get3A_294 = arith.index_cast %mul3A_291 : i32 to index
          %get3A_295 = tpu.vector_load %arg6[%get3A_293, %get3A_294] {strides = array<i32>} : memref<8x800xf32, #tpu.memory_space<vmem>>, vector<16xf32>,
          %add3A_296 = arith.constant 10000 : i32
          %add3A_297 = vector.broadcast %add3A_296 : i32 to vector<16xi32>
          %add3A_298 = arith.addi %get3A_265, %add3A_297 : vector<16xi32>
          %gather3A_299 = tpu.vector_load_idx %arg7[%add3A_298] masked %ge3A_279 : memref<80000xf32, #tpu.memory_space<vmem>>[vector<16xi32>], vector<16xf32>, vector<16xi1>
          %max3A_300 = arith.maximumf %gather3A_299, %get3A_295 : vector<16xf32>
          tpu.vector_store_idx %arg7[%add3A_298], %max3A_300 masked %ge3A_279 : memref<80000xf32, #tpu.memory_space<vmem>>[vector<16xi32>], vector<16xf32>, vector<16xi1>
          %mul3A_301 = arith.constant 16 : i32
          %mul3A_302 = arith.muli %scan3A_261, %mul3A_301 : i32
          %get3A_303 = arith.constant 2 : i32
          %get3A_304 = arith.index_cast %get3A_303 : i32 to index
          %get3A_305 = arith.index_cast %mul3A_302 : i32 to index
          %get3A_306 = tpu.vector_load %arg6[%get3A_304, %get3A_305] {strides = array<i32>} : memref<8x800xf32, #tpu.memory_space<vmem>>, vector<16xf32>,
          %add3A_307 = arith.constant 20000 : i32
          %add3A_308 = vector.broadcast %add3A_307 : i32 to vector<16xi32>
          %add3A_309 = arith.addi %get3A_265, %add3A_308 : vector<16xi32>
          %gather3A_310 = tpu.vector_load_idx %arg7[%add3A_309] masked %ge3A_279 : memref<80000xf32, #tpu.memory_space<vmem>>[vector<16xi32>], vector<16xf32>, vector<16xi1>
          %max3A_311 = arith.maximumf %gather3A_310, %get3A_306 : vector<16xf32>
          tpu.vector_store_idx %arg7[%add3A_309], %max3A_311 masked %ge3A_279 : memref<80000xf32, #tpu.memory_space<vmem>>[vector<16xi32>], vector<16xf32>, vector<16xi1>
          %mul3A_312 = arith.constant 16 : i32
          %mul3A_313 = arith.muli %scan3A_261, %mul3A_312 : i32
          %get3A_314 = arith.constant 3 : i32
          %get3A_315 = arith.index_cast %get3A_314 : i32 to index
          %get3A_316 = arith.index_cast %mul3A_313 : i32 to index
          %get3A_317 = tpu.vector_load %arg6[%get3A_315, %get3A_316] {strides = array<i32>} : memref<8x800xf32, #tpu.memory_space<vmem>>, vector<16xf32>,
          %add3A_318 = arith.constant 30000 : i32
          %add3A_319 = vector.broadcast %add3A_318 : i32 to vector<16xi32>
          %add3A_320 = arith.addi %get3A_265, %add3A_319 : vector<16xi32>
          %gather3A_321 = tpu.vector_load_idx %arg7[%add3A_320] masked %ge3A_279 : memref<80000xf32, #tpu.memory_space<vmem>>[vector<16xi32>], vector<16xf32>, vector<16xi1>
          %max3A_322 = arith.maximumf %gather3A_321, %get3A_317 : vector<16xf32>
          tpu.vector_store_idx %arg7[%add3A_320], %max3A_322 masked %ge3A_279 : memref<80000xf32, #tpu.memory_space<vmem>>[vector<16xi32>], vector<16xf32>, vector<16xi1>
          %mul3A_323 = arith.constant 16 : i32
          %mul3A_324 = arith.muli %scan3A_261, %mul3A_323 : i32
          %get3A_325 = arith.constant 4 : i32
          %get3A_326 = arith.index_cast %get3A_325 : i32 to index
          %get3A_327 = arith.index_cast %mul3A_324 : i32 to index
          %get3A_328 = tpu.vector_load %arg6[%get3A_326, %get3A_327] {strides = array<i32>} : memref<8x800xf32, #tpu.memory_space<vmem>>, vector<16xf32>,
          %add3A_329 = arith.constant 40000 : i32
          %add3A_330 = vector.broadcast %add3A_329 : i32 to vector<16xi32>
          %add3A_331 = arith.addi %get3A_265, %add3A_330 : vector<16xi32>
          %gather3A_332 = tpu.vector_load_idx %arg7[%add3A_331] masked %ge3A_279 : memref<80000xf32, #tpu.memory_space<vmem>>[vector<16xi32>], vector<16xf32>, vector<16xi1>
          %max3A_333 = arith.maximumf %gather3A_332, %get3A_328 : vector<16xf32>
          tpu.vector_store_idx %arg7[%add3A_331], %max3A_333 masked %ge3A_279 : memref<80000xf32, #tpu.memory_space<vmem>>[vector<16xi32>], vector<16xf32>, vector<16xi1>
          %mul3A_334 = arith.constant 16 : i32
          %mul3A_335 = arith.muli %scan3A_261, %mul3A_334 : i32
          %get3A_336 = arith.constant 5 : i32
          %get3A_337 = arith.index_cast %get3A_336 : i32 to index
          %get3A_338 = arith.index_cast %mul3A_335 : i32 to index
          %get3A_339 = tpu.vector_load %arg6[%get3A_337, %get3A_338] {strides = array<i32>} : memref<8x800xf32, #tpu.memory_space<vmem>>, vector<16xf32>,
          %add3A_340 = arith.constant 50000 : i32
          %add3A_341 = vector.broadcast %add3A_340 : i32 to vector<16xi32>
          %add3A_342 = arith.addi %get3A_265, %add3A_341 : vector<16xi32>
          %gather3A_343 = tpu.vector_load_idx %arg7[%add3A_342] masked %ge3A_279 : memref<80000xf32, #tpu.memory_space<vmem>>[vector<16xi32>], vector<16xf32>, vector<16xi1>
          %max3A_344 = arith.maximumf %gather3A_343, %get3A_339 : vector<16xf32>
          tpu.vector_store_idx %arg7[%add3A_342], %max3A_344 masked %ge3A_279 : memref<80000xf32, #tpu.memory_space<vmem>>[vector<16xi32>], vector<16xf32>, vector<16xi1>
          %mul3A_345 = arith.constant 16 : i32
          %mul3A_346 = arith.muli %scan3A_261, %mul3A_345 : i32
          %get3A_347 = arith.constant 6 : i32
          %get3A_348 = arith.index_cast %get3A_347 : i32 to index
          %get3A_349 = arith.index_cast %mul3A_346 : i32 to index
          %get3A_350 = tpu.vector_load %arg6[%get3A_348, %get3A_349] {strides = array<i32>} : memref<8x800xf32, #tpu.memory_space<vmem>>, vector<16xf32>,
          %add3A_351 = arith.constant 60000 : i32
          %add3A_352 = vector.broadcast %add3A_351 : i32 to vector<16xi32>
          %add3A_353 = arith.addi %get3A_265, %add3A_352 : vector<16xi32>
          %gather3A_354 = tpu.vector_load_idx %arg7[%add3A_353] masked %ge3A_279 : memref<80000xf32, #tpu.memory_space<vmem>>[vector<16xi32>], vector<16xf32>, vector<16xi1>
          %max3A_355 = arith.maximumf %gather3A_354, %get3A_350 : vector<16xf32>
          tpu.vector_store_idx %arg7[%add3A_353], %max3A_355 masked %ge3A_279 : memref<80000xf32, #tpu.memory_space<vmem>>[vector<16xi32>], vector<16xf32>, vector<16xi1>
          %mul3A_356 = arith.constant 16 : i32
          %mul3A_357 = arith.muli %scan3A_261, %mul3A_356 : i32
          %get3A_358 = arith.constant 7 : i32
          %get3A_359 = arith.index_cast %get3A_358 : i32 to index
          %get3A_360 = arith.index_cast %mul3A_357 : i32 to index
          %get3A_361 = tpu.vector_load %arg6[%get3A_359, %get3A_360] {strides = array<i32>} : memref<8x800xf32, #tpu.memory_space<vmem>>, vector<16xf32>,
          %add3A_362 = arith.constant 70000 : i32
          %add3A_363 = vector.broadcast %add3A_362 : i32 to vector<16xi32>
          %add3A_364 = arith.addi %get3A_265, %add3A_363 : vector<16xi32>
          %gather3A_365 = tpu.vector_load_idx %arg7[%add3A_364] masked %ge3A_279 : memref<80000xf32, #tpu.memory_space<vmem>>[vector<16xi32>], vector<16xf32>, vector<16xi1>
          %max3A_366 = arith.maximumf %gather3A_365, %get3A_361 : vector<16xf32>
          tpu.vector_store_idx %arg7[%add3A_364], %max3A_366 masked %ge3A_279 : memref<80000xf32, #tpu.memory_space<vmem>>[vector<16xi32>], vector<16xf32>, vector<16xi1>
        }
        %scan3A_277 = arith.constant 0 : i32
        scf.yield %scan3A_277 : i32
      }
      %scan3A_259 = arith.constant 50 : i32
      %scan3A_260 = arith.constant 0 : i32
      scf.yield %scan3A_260 : i32
    }
    %scan3A_49 = arith.constant 100 : i32
    %mul3A_50 = arith.constant 10000 : i32
    %mul3A_51 = arith.muli %mul3A_32, %mul3A_50 : i32
    "tpu.region"() ({
      %run_scoped3A = tpu.sem_alloc : memref<!tpu.dma_semaphore, #tpu.memory_space<semaphore_mem>>
      %dma_start3A = tpu.memref_slice %arg4[%select_n3A_30, %mul3A_51] : memref<4x640000xf32, #tpu.memory_space<hbm>> -> memref<1x80000xf32, #tpu.memory_space<hbm>>
      %dma_start3A_52 = tpu.memref_squeeze %dma_start3A : memref<1x80000xf32, #tpu.memory_space<hbm>> -> memref<80000xf32, #tpu.memory_space<hbm>>
      %dma_start3A_53 = tpu.memref_slice %arg4[%select_n3A_30, %mul3A_51] : memref<4x640000xf32, #tpu.memory_space<hbm>> -> memref<1x80000xf32, #tpu.memory_space<hbm>>
      %dma_start3A_54 = tpu.memref_squeeze %dma_start3A_53 : memref<1x80000xf32, #tpu.memory_space<hbm>> -> memref<80000xf32, #tpu.memory_space<hbm>>
      tpu.enqueue_dma source(%arg7 : memref<80000xf32, #tpu.memory_space<vmem>>) target(%dma_start3A_54 : memref<80000xf32, #tpu.memory_space<hbm>>) target_semaphore(%run_scoped3A : memref<!tpu.dma_semaphore, #tpu.memory_space<semaphore_mem>>)
      %dma_wait3A = tpu.memref_slice %arg4[%select_n3A_30, %mul3A_51] : memref<4x640000xf32, #tpu.memory_space<hbm>> -> memref<1x80000xf32, #tpu.memory_space<hbm>>
      %dma_wait3A_55 = tpu.memref_squeeze %dma_wait3A : memref<1x80000xf32, #tpu.memory_space<hbm>> -> memref<80000xf32, #tpu.memory_space<hbm>>
      %dma_wait3A_56 = tpu.memref_slice %arg4[%select_n3A_30, %mul3A_51] : memref<4x640000xf32, #tpu.memory_space<hbm>> -> memref<1x80000xf32, #tpu.memory_space<hbm>>
      %dma_wait3A_57 = tpu.memref_squeeze %dma_wait3A_56 : memref<1x80000xf32, #tpu.memory_space<hbm>> -> memref<80000xf32, #tpu.memory_space<hbm>>
      tpu.wait_dma2 semaphore(%run_scoped3A : memref<!tpu.dma_semaphore, #tpu.memory_space<semaphore_mem>>) src(%arg7 : memref<80000xf32, #tpu.memory_space<vmem>>) dst(%dma_wait3A_57 : memref<80000xf32, #tpu.memory_space<hbm>>)
      tpu.yield
    }) : () -> ()
    return
  }
}

#map = affine_map<(d0, d1) -> (0, 0)>
#map1 = affine_map<(d0, d1) -> (0)>
module attributes {stable_mosaic.version = 14 : i64} {
  func.func @body(%arg0: i32, %arg1: i32, %arg2: memref<10000x64xf32, #tpu.memory_space<hbm>>, %arg3: memref<10000x64xf32, #tpu.memory_space<hbm>>, %arg4: memref<320000xi32, #tpu.memory_space<hbm>>, %arg5: memref<320000xi32, #tpu.memory_space<hbm>>, %arg6: memref<320000x64xf32, #tpu.memory_space<hbm>>, %arg7: memref<4x128xi32, #tpu.memory_space<vmem>>, %arg8: memref<4x128xi32, #tpu.memory_space<vmem>>, %arg9: memref<4x128x64xf32, #tpu.memory_space<vmem>>, %arg10: memref<!tpu.dma_semaphore, #tpu.memory_space<semaphore_mem>>, %arg11: memref<!tpu.dma_semaphore, #tpu.memory_space<semaphore_mem>>, %arg12: memref<!tpu.dma_semaphore, #tpu.memory_space<semaphore_mem>>, %arg13: memref<!tpu.dma_semaphore, #tpu.memory_space<semaphore_mem>>) attributes {dimension_semantics = [#tpu.dimension_semantics<core_parallel>, #tpu.dimension_semantics<subcore_parallel>], iteration_bounds = array<i64: 2, 16>, scalar_prefetch = 0 : i64, scratch_operands = 7 : i64, tpu.core_type = #tpu.core_type<sc_vector_subcore>, window_params = [{transform_indices = #map}, {transform_indices = #map}, {transform_indices = #map1}, {transform_indices = #map1}, {transform_indices = #map}]} {
    %mul3A = arith.constant 16 : i32
    %mul3A_0 = arith.muli %arg0, %mul3A : i32
    %add3A = arith.addi %mul3A_0, %arg1 : i32
    %scan3A = arith.constant 0 : i32
    %scan3A_1 = arith.constant 0 : i32
    %scan3A_2 = arith.constant 20 : i32
    %scan3A_3 = arith.addi %scan3A_1, %scan3A_2 : i32
    %scan3A_4 = arith.constant 1 : i32
    %scan3A_5 = scf.for %scan3A_7 = %scan3A_1 to %scan3A_3 step %scan3A_4 iter_args(%scan3A_8 = %scan3A) -> (i32)  : i32 {
      %mul3A_9 = arith.constant 32 : i32
      %mul3A_10 = arith.muli %mul3A_9, %scan3A_7 : i32
      %add3A_11 = arith.addi %add3A, %mul3A_10 : i32
      %lt3A = arith.constant 625 : i32
      %lt3A_12 = arith.cmpi slt, %add3A_11, %lt3A : i32
      %convert_element_type3A = arith.extui %lt3A_12 : i1 to i32
      %cond3A = arith.constant 0 : i32
      %cond3A_13 = arith.cmpi ne, %convert_element_type3A, %cond3A : i32
      scf.if %cond3A_13 {
        %mul3A_15 = arith.constant 512 : i32
        %mul3A_16 = arith.muli %add3A_11, %mul3A_15 : i32
        %add3A_17 = arith.constant 0 : i32
        %add3A_18 = arith.addi %mul3A_16, %add3A_17 : i32
        %dma_start3A = arith.constant 0 : i32
        %dma_start3A_19 = arith.constant 0 : i32
        %dma_start3A_20 = tpu.memref_slice %arg7[%dma_start3A, %dma_start3A_19] : memref<4x128xi32, #tpu.memory_space<vmem>> -> memref<1x128xi32, #tpu.memory_space<vmem>>
        %dma_start3A_21 = tpu.memref_squeeze %dma_start3A_20 : memref<1x128xi32, #tpu.memory_space<vmem>> -> memref<128xi32, #tpu.memory_space<vmem>>
        %dma_start3A_22 = tpu.memref_slice %arg4[%add3A_18] : memref<320000xi32, #tpu.memory_space<hbm>> -> memref<128xi32, #tpu.memory_space<hbm>>
        %dma_start3A_23 = arith.constant 0 : i32
        %dma_start3A_24 = tpu.memref_slice %arg7[%dma_start3A, %dma_start3A_23] : memref<4x128xi32, #tpu.memory_space<vmem>> -> memref<1x128xi32, #tpu.memory_space<vmem>>
        %dma_start3A_25 = tpu.memref_squeeze %dma_start3A_24 : memref<1x128xi32, #tpu.memory_space<vmem>> -> memref<128xi32, #tpu.memory_space<vmem>>
        %dma_start3A_26 = tpu.memref_slice %arg4[%add3A_18] : memref<320000xi32, #tpu.memory_space<hbm>> -> memref<128xi32, #tpu.memory_space<hbm>>
        tpu.enqueue_dma source(%dma_start3A_26 : memref<128xi32, #tpu.memory_space<hbm>>) target(%dma_start3A_25 : memref<128xi32, #tpu.memory_space<vmem>>) target_semaphore(%arg10 : memref<!tpu.dma_semaphore, #tpu.memory_space<semaphore_mem>>)
        %add3A_27 = arith.constant 128 : i32
        %add3A_28 = arith.addi %mul3A_16, %add3A_27 : i32
        %dma_start3A_29 = arith.constant 1 : i32
        %dma_start3A_30 = arith.constant 0 : i32
        %dma_start3A_31 = tpu.memref_slice %arg7[%dma_start3A_29, %dma_start3A_30] : memref<4x128xi32, #tpu.memory_space<vmem>> -> memref<1x128xi32, #tpu.memory_space<vmem>>
        %dma_start3A_32 = tpu.memref_squeeze %dma_start3A_31 : memref<1x128xi32, #tpu.memory_space<vmem>> -> memref<128xi32, #tpu.memory_space<vmem>>
        %dma_start3A_33 = tpu.memref_slice %arg4[%add3A_28] : memref<320000xi32, #tpu.memory_space<hbm>> -> memref<128xi32, #tpu.memory_space<hbm>>
        %dma_start3A_34 = arith.constant 0 : i32
        %dma_start3A_35 = tpu.memref_slice %arg7[%dma_start3A_29, %dma_start3A_34] : memref<4x128xi32, #tpu.memory_space<vmem>> -> memref<1x128xi32, #tpu.memory_space<vmem>>
        %dma_start3A_36 = tpu.memref_squeeze %dma_start3A_35 : memref<1x128xi32, #tpu.memory_space<vmem>> -> memref<128xi32, #tpu.memory_space<vmem>>
        %dma_start3A_37 = tpu.memref_slice %arg4[%add3A_28] : memref<320000xi32, #tpu.memory_space<hbm>> -> memref<128xi32, #tpu.memory_space<hbm>>
        tpu.enqueue_dma source(%dma_start3A_37 : memref<128xi32, #tpu.memory_space<hbm>>) target(%dma_start3A_36 : memref<128xi32, #tpu.memory_space<vmem>>) target_semaphore(%arg10 : memref<!tpu.dma_semaphore, #tpu.memory_space<semaphore_mem>>)
        %add3A_38 = arith.constant 256 : i32
        %add3A_39 = arith.addi %mul3A_16, %add3A_38 : i32
        %dma_start3A_40 = arith.constant 2 : i32
        %dma_start3A_41 = arith.constant 0 : i32
        %dma_start3A_42 = tpu.memref_slice %arg7[%dma_start3A_40, %dma_start3A_41] : memref<4x128xi32, #tpu.memory_space<vmem>> -> memref<1x128xi32, #tpu.memory_space<vmem>>
        %dma_start3A_43 = tpu.memref_squeeze %dma_start3A_42 : memref<1x128xi32, #tpu.memory_space<vmem>> -> memref<128xi32, #tpu.memory_space<vmem>>
        %dma_start3A_44 = tpu.memref_slice %arg4[%add3A_39] : memref<320000xi32, #tpu.memory_space<hbm>> -> memref<128xi32, #tpu.memory_space<hbm>>
        %dma_start3A_45 = arith.constant 0 : i32
        %dma_start3A_46 = tpu.memref_slice %arg7[%dma_start3A_40, %dma_start3A_45] : memref<4x128xi32, #tpu.memory_space<vmem>> -> memref<1x128xi32, #tpu.memory_space<vmem>>
        %dma_start3A_47 = tpu.memref_squeeze %dma_start3A_46 : memref<1x128xi32, #tpu.memory_space<vmem>> -> memref<128xi32, #tpu.memory_space<vmem>>
        %dma_start3A_48 = tpu.memref_slice %arg4[%add3A_39] : memref<320000xi32, #tpu.memory_space<hbm>> -> memref<128xi32, #tpu.memory_space<hbm>>
        tpu.enqueue_dma source(%dma_start3A_48 : memref<128xi32, #tpu.memory_space<hbm>>) target(%dma_start3A_47 : memref<128xi32, #tpu.memory_space<vmem>>) target_semaphore(%arg10 : memref<!tpu.dma_semaphore, #tpu.memory_space<semaphore_mem>>)
        %add3A_49 = arith.constant 384 : i32
        %add3A_50 = arith.addi %mul3A_16, %add3A_49 : i32
        %dma_start3A_51 = arith.constant 3 : i32
        %dma_start3A_52 = arith.constant 0 : i32
        %dma_start3A_53 = tpu.memref_slice %arg7[%dma_start3A_51, %dma_start3A_52] : memref<4x128xi32, #tpu.memory_space<vmem>> -> memref<1x128xi32, #tpu.memory_space<vmem>>
        %dma_start3A_54 = tpu.memref_squeeze %dma_start3A_53 : memref<1x128xi32, #tpu.memory_space<vmem>> -> memref<128xi32, #tpu.memory_space<vmem>>
        %dma_start3A_55 = tpu.memref_slice %arg4[%add3A_50] : memref<320000xi32, #tpu.memory_space<hbm>> -> memref<128xi32, #tpu.memory_space<hbm>>
        %dma_start3A_56 = arith.constant 0 : i32
        %dma_start3A_57 = tpu.memref_slice %arg7[%dma_start3A_51, %dma_start3A_56] : memref<4x128xi32, #tpu.memory_space<vmem>> -> memref<1x128xi32, #tpu.memory_space<vmem>>
        %dma_start3A_58 = tpu.memref_squeeze %dma_start3A_57 : memref<1x128xi32, #tpu.memory_space<vmem>> -> memref<128xi32, #tpu.memory_space<vmem>>
        %dma_start3A_59 = tpu.memref_slice %arg4[%add3A_50] : memref<320000xi32, #tpu.memory_space<hbm>> -> memref<128xi32, #tpu.memory_space<hbm>>
        tpu.enqueue_dma source(%dma_start3A_59 : memref<128xi32, #tpu.memory_space<hbm>>) target(%dma_start3A_58 : memref<128xi32, #tpu.memory_space<vmem>>) target_semaphore(%arg10 : memref<!tpu.dma_semaphore, #tpu.memory_space<semaphore_mem>>)
        %add3A_60 = arith.constant 0 : i32
        %add3A_61 = arith.addi %mul3A_16, %add3A_60 : i32
        %dma_start3A_62 = arith.constant 0 : i32
        %dma_start3A_63 = arith.constant 0 : i32
        %dma_start3A_64 = tpu.memref_slice %arg8[%dma_start3A_62, %dma_start3A_63] : memref<4x128xi32, #tpu.memory_space<vmem>> -> memref<1x128xi32, #tpu.memory_space<vmem>>
        %dma_start3A_65 = tpu.memref_squeeze %dma_start3A_64 : memref<1x128xi32, #tpu.memory_space<vmem>> -> memref<128xi32, #tpu.memory_space<vmem>>
        %dma_start3A_66 = tpu.memref_slice %arg5[%add3A_61] : memref<320000xi32, #tpu.memory_space<hbm>> -> memref<128xi32, #tpu.memory_space<hbm>>
        %dma_start3A_67 = arith.constant 0 : i32
        %dma_start3A_68 = tpu.memref_slice %arg8[%dma_start3A_62, %dma_start3A_67] : memref<4x128xi32, #tpu.memory_space<vmem>> -> memref<1x128xi32, #tpu.memory_space<vmem>>
        %dma_start3A_69 = tpu.memref_squeeze %dma_start3A_68 : memref<1x128xi32, #tpu.memory_space<vmem>> -> memref<128xi32, #tpu.memory_space<vmem>>
        %dma_start3A_70 = tpu.memref_slice %arg5[%add3A_61] : memref<320000xi32, #tpu.memory_space<hbm>> -> memref<128xi32, #tpu.memory_space<hbm>>
        tpu.enqueue_dma source(%dma_start3A_70 : memref<128xi32, #tpu.memory_space<hbm>>) target(%dma_start3A_69 : memref<128xi32, #tpu.memory_space<vmem>>) target_semaphore(%arg10 : memref<!tpu.dma_semaphore, #tpu.memory_space<semaphore_mem>>)
        %add3A_71 = arith.constant 128 : i32
        %add3A_72 = arith.addi %mul3A_16, %add3A_71 : i32
        %dma_start3A_73 = arith.constant 1 : i32
        %dma_start3A_74 = arith.constant 0 : i32
        %dma_start3A_75 = tpu.memref_slice %arg8[%dma_start3A_73, %dma_start3A_74] : memref<4x128xi32, #tpu.memory_space<vmem>> -> memref<1x128xi32, #tpu.memory_space<vmem>>
        %dma_start3A_76 = tpu.memref_squeeze %dma_start3A_75 : memref<1x128xi32, #tpu.memory_space<vmem>> -> memref<128xi32, #tpu.memory_space<vmem>>
        %dma_start3A_77 = tpu.memref_slice %arg5[%add3A_72] : memref<320000xi32, #tpu.memory_space<hbm>> -> memref<128xi32, #tpu.memory_space<hbm>>
        %dma_start3A_78 = arith.constant 0 : i32
        %dma_start3A_79 = tpu.memref_slice %arg8[%dma_start3A_73, %dma_start3A_78] : memref<4x128xi32, #tpu.memory_space<vmem>> -> memref<1x128xi32, #tpu.memory_space<vmem>>
        %dma_start3A_80 = tpu.memref_squeeze %dma_start3A_79 : memref<1x128xi32, #tpu.memory_space<vmem>> -> memref<128xi32, #tpu.memory_space<vmem>>
        %dma_start3A_81 = tpu.memref_slice %arg5[%add3A_72] : memref<320000xi32, #tpu.memory_space<hbm>> -> memref<128xi32, #tpu.memory_space<hbm>>
        tpu.enqueue_dma source(%dma_start3A_81 : memref<128xi32, #tpu.memory_space<hbm>>) target(%dma_start3A_80 : memref<128xi32, #tpu.memory_space<vmem>>) target_semaphore(%arg10 : memref<!tpu.dma_semaphore, #tpu.memory_space<semaphore_mem>>)
        %add3A_82 = arith.constant 256 : i32
        %add3A_83 = arith.addi %mul3A_16, %add3A_82 : i32
        %dma_start3A_84 = arith.constant 2 : i32
        %dma_start3A_85 = arith.constant 0 : i32
        %dma_start3A_86 = tpu.memref_slice %arg8[%dma_start3A_84, %dma_start3A_85] : memref<4x128xi32, #tpu.memory_space<vmem>> -> memref<1x128xi32, #tpu.memory_space<vmem>>
        %dma_start3A_87 = tpu.memref_squeeze %dma_start3A_86 : memref<1x128xi32, #tpu.memory_space<vmem>> -> memref<128xi32, #tpu.memory_space<vmem>>
        %dma_start3A_88 = tpu.memref_slice %arg5[%add3A_83] : memref<320000xi32, #tpu.memory_space<hbm>> -> memref<128xi32, #tpu.memory_space<hbm>>
        %dma_start3A_89 = arith.constant 0 : i32
        %dma_start3A_90 = tpu.memref_slice %arg8[%dma_start3A_84, %dma_start3A_89] : memref<4x128xi32, #tpu.memory_space<vmem>> -> memref<1x128xi32, #tpu.memory_space<vmem>>
        %dma_start3A_91 = tpu.memref_squeeze %dma_start3A_90 : memref<1x128xi32, #tpu.memory_space<vmem>> -> memref<128xi32, #tpu.memory_space<vmem>>
        %dma_start3A_92 = tpu.memref_slice %arg5[%add3A_83] : memref<320000xi32, #tpu.memory_space<hbm>> -> memref<128xi32, #tpu.memory_space<hbm>>
        tpu.enqueue_dma source(%dma_start3A_92 : memref<128xi32, #tpu.memory_space<hbm>>) target(%dma_start3A_91 : memref<128xi32, #tpu.memory_space<vmem>>) target_semaphore(%arg10 : memref<!tpu.dma_semaphore, #tpu.memory_space<semaphore_mem>>)
        %add3A_93 = arith.constant 384 : i32
        %add3A_94 = arith.addi %mul3A_16, %add3A_93 : i32
        %dma_start3A_95 = arith.constant 3 : i32
        %dma_start3A_96 = arith.constant 0 : i32
        %dma_start3A_97 = tpu.memref_slice %arg8[%dma_start3A_95, %dma_start3A_96] : memref<4x128xi32, #tpu.memory_space<vmem>> -> memref<1x128xi32, #tpu.memory_space<vmem>>
        %dma_start3A_98 = tpu.memref_squeeze %dma_start3A_97 : memref<1x128xi32, #tpu.memory_space<vmem>> -> memref<128xi32, #tpu.memory_space<vmem>>
        %dma_start3A_99 = tpu.memref_slice %arg5[%add3A_94] : memref<320000xi32, #tpu.memory_space<hbm>> -> memref<128xi32, #tpu.memory_space<hbm>>
        %dma_start3A_100 = arith.constant 0 : i32
        %dma_start3A_101 = tpu.memref_slice %arg8[%dma_start3A_95, %dma_start3A_100] : memref<4x128xi32, #tpu.memory_space<vmem>> -> memref<1x128xi32, #tpu.memory_space<vmem>>
        %dma_start3A_102 = tpu.memref_squeeze %dma_start3A_101 : memref<1x128xi32, #tpu.memory_space<vmem>> -> memref<128xi32, #tpu.memory_space<vmem>>
        %dma_start3A_103 = tpu.memref_slice %arg5[%add3A_94] : memref<320000xi32, #tpu.memory_space<hbm>> -> memref<128xi32, #tpu.memory_space<hbm>>
        tpu.enqueue_dma source(%dma_start3A_103 : memref<128xi32, #tpu.memory_space<hbm>>) target(%dma_start3A_102 : memref<128xi32, #tpu.memory_space<vmem>>) target_semaphore(%arg10 : memref<!tpu.dma_semaphore, #tpu.memory_space<semaphore_mem>>)
        %dma_wait3A = arith.constant 0 : i32
        %dma_wait3A_104 = arith.constant 0 : i32
        %dma_wait3A_105 = tpu.memref_slice %arg7[%dma_wait3A, %dma_wait3A_104] : memref<4x128xi32, #tpu.memory_space<vmem>> -> memref<1x128xi32, #tpu.memory_space<vmem>>
        %dma_wait3A_106 = tpu.memref_squeeze %dma_wait3A_105 : memref<1x128xi32, #tpu.memory_space<vmem>> -> memref<128xi32, #tpu.memory_space<vmem>>
        %dma_wait3A_107 = tpu.memref_slice %arg4[%add3A_18] : memref<320000xi32, #tpu.memory_space<hbm>> -> memref<128xi32, #tpu.memory_space<hbm>>
        %dma_wait3A_108 = arith.constant 0 : i32
        %dma_wait3A_109 = tpu.memref_slice %arg7[%dma_wait3A, %dma_wait3A_108] : memref<4x128xi32, #tpu.memory_space<vmem>> -> memref<1x128xi32, #tpu.memory_space<vmem>>
        %dma_wait3A_110 = tpu.memref_squeeze %dma_wait3A_109 : memref<1x128xi32, #tpu.memory_space<vmem>> -> memref<128xi32, #tpu.memory_space<vmem>>
        %dma_wait3A_111 = tpu.memref_slice %arg4[%add3A_18] : memref<320000xi32, #tpu.memory_space<hbm>> -> memref<128xi32, #tpu.memory_space<hbm>>
        tpu.wait_dma2 semaphore(%arg10 : memref<!tpu.dma_semaphore, #tpu.memory_space<semaphore_mem>>) src(%dma_wait3A_111 : memref<128xi32, #tpu.memory_space<hbm>>) dst(%dma_wait3A_110 : memref<128xi32, #tpu.memory_space<vmem>>)
        %dma_wait3A_112 = arith.constant 1 : i32
        %dma_wait3A_113 = arith.constant 0 : i32
        %dma_wait3A_114 = tpu.memref_slice %arg7[%dma_wait3A_112, %dma_wait3A_113] : memref<4x128xi32, #tpu.memory_space<vmem>> -> memref<1x128xi32, #tpu.memory_space<vmem>>
        %dma_wait3A_115 = tpu.memref_squeeze %dma_wait3A_114 : memref<1x128xi32, #tpu.memory_space<vmem>> -> memref<128xi32, #tpu.memory_space<vmem>>
        %dma_wait3A_116 = tpu.memref_slice %arg4[%add3A_28] : memref<320000xi32, #tpu.memory_space<hbm>> -> memref<128xi32, #tpu.memory_space<hbm>>
        %dma_wait3A_117 = arith.constant 0 : i32
        %dma_wait3A_118 = tpu.memref_slice %arg7[%dma_wait3A_112, %dma_wait3A_117] : memref<4x128xi32, #tpu.memory_space<vmem>> -> memref<1x128xi32, #tpu.memory_space<vmem>>
        %dma_wait3A_119 = tpu.memref_squeeze %dma_wait3A_118 : memref<1x128xi32, #tpu.memory_space<vmem>> -> memref<128xi32, #tpu.memory_space<vmem>>
        %dma_wait3A_120 = tpu.memref_slice %arg4[%add3A_28] : memref<320000xi32, #tpu.memory_space<hbm>> -> memref<128xi32, #tpu.memory_space<hbm>>
        tpu.wait_dma2 semaphore(%arg10 : memref<!tpu.dma_semaphore, #tpu.memory_space<semaphore_mem>>) src(%dma_wait3A_120 : memref<128xi32, #tpu.memory_space<hbm>>) dst(%dma_wait3A_119 : memref<128xi32, #tpu.memory_space<vmem>>)
        %dma_wait3A_121 = arith.constant 2 : i32
        %dma_wait3A_122 = arith.constant 0 : i32
        %dma_wait3A_123 = tpu.memref_slice %arg7[%dma_wait3A_121, %dma_wait3A_122] : memref<4x128xi32, #tpu.memory_space<vmem>> -> memref<1x128xi32, #tpu.memory_space<vmem>>
        %dma_wait3A_124 = tpu.memref_squeeze %dma_wait3A_123 : memref<1x128xi32, #tpu.memory_space<vmem>> -> memref<128xi32, #tpu.memory_space<vmem>>
        %dma_wait3A_125 = tpu.memref_slice %arg4[%add3A_39] : memref<320000xi32, #tpu.memory_space<hbm>> -> memref<128xi32, #tpu.memory_space<hbm>>
        %dma_wait3A_126 = arith.constant 0 : i32
        %dma_wait3A_127 = tpu.memref_slice %arg7[%dma_wait3A_121, %dma_wait3A_126] : memref<4x128xi32, #tpu.memory_space<vmem>> -> memref<1x128xi32, #tpu.memory_space<vmem>>
        %dma_wait3A_128 = tpu.memref_squeeze %dma_wait3A_127 : memref<1x128xi32, #tpu.memory_space<vmem>> -> memref<128xi32, #tpu.memory_space<vmem>>
        %dma_wait3A_129 = tpu.memref_slice %arg4[%add3A_39] : memref<320000xi32, #tpu.memory_space<hbm>> -> memref<128xi32, #tpu.memory_space<hbm>>
        tpu.wait_dma2 semaphore(%arg10 : memref<!tpu.dma_semaphore, #tpu.memory_space<semaphore_mem>>) src(%dma_wait3A_129 : memref<128xi32, #tpu.memory_space<hbm>>) dst(%dma_wait3A_128 : memref<128xi32, #tpu.memory_space<vmem>>)
        %dma_wait3A_130 = arith.constant 3 : i32
        %dma_wait3A_131 = arith.constant 0 : i32
        %dma_wait3A_132 = tpu.memref_slice %arg7[%dma_wait3A_130, %dma_wait3A_131] : memref<4x128xi32, #tpu.memory_space<vmem>> -> memref<1x128xi32, #tpu.memory_space<vmem>>
        %dma_wait3A_133 = tpu.memref_squeeze %dma_wait3A_132 : memref<1x128xi32, #tpu.memory_space<vmem>> -> memref<128xi32, #tpu.memory_space<vmem>>
        %dma_wait3A_134 = tpu.memref_slice %arg4[%add3A_50] : memref<320000xi32, #tpu.memory_space<hbm>> -> memref<128xi32, #tpu.memory_space<hbm>>
        %dma_wait3A_135 = arith.constant 0 : i32
        %dma_wait3A_136 = tpu.memref_slice %arg7[%dma_wait3A_130, %dma_wait3A_135] : memref<4x128xi32, #tpu.memory_space<vmem>> -> memref<1x128xi32, #tpu.memory_space<vmem>>
        %dma_wait3A_137 = tpu.memref_squeeze %dma_wait3A_136 : memref<1x128xi32, #tpu.memory_space<vmem>> -> memref<128xi32, #tpu.memory_space<vmem>>
        %dma_wait3A_138 = tpu.memref_slice %arg4[%add3A_50] : memref<320000xi32, #tpu.memory_space<hbm>> -> memref<128xi32, #tpu.memory_space<hbm>>
        tpu.wait_dma2 semaphore(%arg10 : memref<!tpu.dma_semaphore, #tpu.memory_space<semaphore_mem>>) src(%dma_wait3A_138 : memref<128xi32, #tpu.memory_space<hbm>>) dst(%dma_wait3A_137 : memref<128xi32, #tpu.memory_space<vmem>>)
        %dma_wait3A_139 = arith.constant 0 : i32
        %dma_wait3A_140 = arith.constant 0 : i32
        %dma_wait3A_141 = tpu.memref_slice %arg8[%dma_wait3A_139, %dma_wait3A_140] : memref<4x128xi32, #tpu.memory_space<vmem>> -> memref<1x128xi32, #tpu.memory_space<vmem>>
        %dma_wait3A_142 = tpu.memref_squeeze %dma_wait3A_141 : memref<1x128xi32, #tpu.memory_space<vmem>> -> memref<128xi32, #tpu.memory_space<vmem>>
        %dma_wait3A_143 = tpu.memref_slice %arg5[%add3A_61] : memref<320000xi32, #tpu.memory_space<hbm>> -> memref<128xi32, #tpu.memory_space<hbm>>
        %dma_wait3A_144 = arith.constant 0 : i32
        %dma_wait3A_145 = tpu.memref_slice %arg8[%dma_wait3A_139, %dma_wait3A_144] : memref<4x128xi32, #tpu.memory_space<vmem>> -> memref<1x128xi32, #tpu.memory_space<vmem>>
        %dma_wait3A_146 = tpu.memref_squeeze %dma_wait3A_145 : memref<1x128xi32, #tpu.memory_space<vmem>> -> memref<128xi32, #tpu.memory_space<vmem>>
        %dma_wait3A_147 = tpu.memref_slice %arg5[%add3A_61] : memref<320000xi32, #tpu.memory_space<hbm>> -> memref<128xi32, #tpu.memory_space<hbm>>
        tpu.wait_dma2 semaphore(%arg10 : memref<!tpu.dma_semaphore, #tpu.memory_space<semaphore_mem>>) src(%dma_wait3A_147 : memref<128xi32, #tpu.memory_space<hbm>>) dst(%dma_wait3A_146 : memref<128xi32, #tpu.memory_space<vmem>>)
        %dma_wait3A_148 = arith.constant 1 : i32
        %dma_wait3A_149 = arith.constant 0 : i32
        %dma_wait3A_150 = tpu.memref_slice %arg8[%dma_wait3A_148, %dma_wait3A_149] : memref<4x128xi32, #tpu.memory_space<vmem>> -> memref<1x128xi32, #tpu.memory_space<vmem>>
        %dma_wait3A_151 = tpu.memref_squeeze %dma_wait3A_150 : memref<1x128xi32, #tpu.memory_space<vmem>> -> memref<128xi32, #tpu.memory_space<vmem>>
        %dma_wait3A_152 = tpu.memref_slice %arg5[%add3A_72] : memref<320000xi32, #tpu.memory_space<hbm>> -> memref<128xi32, #tpu.memory_space<hbm>>
        %dma_wait3A_153 = arith.constant 0 : i32
        %dma_wait3A_154 = tpu.memref_slice %arg8[%dma_wait3A_148, %dma_wait3A_153] : memref<4x128xi32, #tpu.memory_space<vmem>> -> memref<1x128xi32, #tpu.memory_space<vmem>>
        %dma_wait3A_155 = tpu.memref_squeeze %dma_wait3A_154 : memref<1x128xi32, #tpu.memory_space<vmem>> -> memref<128xi32, #tpu.memory_space<vmem>>
        %dma_wait3A_156 = tpu.memref_slice %arg5[%add3A_72] : memref<320000xi32, #tpu.memory_space<hbm>> -> memref<128xi32, #tpu.memory_space<hbm>>
        tpu.wait_dma2 semaphore(%arg10 : memref<!tpu.dma_semaphore, #tpu.memory_space<semaphore_mem>>) src(%dma_wait3A_156 : memref<128xi32, #tpu.memory_space<hbm>>) dst(%dma_wait3A_155 : memref<128xi32, #tpu.memory_space<vmem>>)
        %dma_wait3A_157 = arith.constant 2 : i32
        %dma_wait3A_158 = arith.constant 0 : i32
        %dma_wait3A_159 = tpu.memref_slice %arg8[%dma_wait3A_157, %dma_wait3A_158] : memref<4x128xi32, #tpu.memory_space<vmem>> -> memref<1x128xi32, #tpu.memory_space<vmem>>
        %dma_wait3A_160 = tpu.memref_squeeze %dma_wait3A_159 : memref<1x128xi32, #tpu.memory_space<vmem>> -> memref<128xi32, #tpu.memory_space<vmem>>
        %dma_wait3A_161 = tpu.memref_slice %arg5[%add3A_83] : memref<320000xi32, #tpu.memory_space<hbm>> -> memref<128xi32, #tpu.memory_space<hbm>>
        %dma_wait3A_162 = arith.constant 0 : i32
        %dma_wait3A_163 = tpu.memref_slice %arg8[%dma_wait3A_157, %dma_wait3A_162] : memref<4x128xi32, #tpu.memory_space<vmem>> -> memref<1x128xi32, #tpu.memory_space<vmem>>
        %dma_wait3A_164 = tpu.memref_squeeze %dma_wait3A_163 : memref<1x128xi32, #tpu.memory_space<vmem>> -> memref<128xi32, #tpu.memory_space<vmem>>
        %dma_wait3A_165 = tpu.memref_slice %arg5[%add3A_83] : memref<320000xi32, #tpu.memory_space<hbm>> -> memref<128xi32, #tpu.memory_space<hbm>>
        tpu.wait_dma2 semaphore(%arg10 : memref<!tpu.dma_semaphore, #tpu.memory_space<semaphore_mem>>) src(%dma_wait3A_165 : memref<128xi32, #tpu.memory_space<hbm>>) dst(%dma_wait3A_164 : memref<128xi32, #tpu.memory_space<vmem>>)
        %dma_wait3A_166 = arith.constant 3 : i32
        %dma_wait3A_167 = arith.constant 0 : i32
        %dma_wait3A_168 = tpu.memref_slice %arg8[%dma_wait3A_166, %dma_wait3A_167] : memref<4x128xi32, #tpu.memory_space<vmem>> -> memref<1x128xi32, #tpu.memory_space<vmem>>
        %dma_wait3A_169 = tpu.memref_squeeze %dma_wait3A_168 : memref<1x128xi32, #tpu.memory_space<vmem>> -> memref<128xi32, #tpu.memory_space<vmem>>
        %dma_wait3A_170 = tpu.memref_slice %arg5[%add3A_94] : memref<320000xi32, #tpu.memory_space<hbm>> -> memref<128xi32, #tpu.memory_space<hbm>>
        %dma_wait3A_171 = arith.constant 0 : i32
        %dma_wait3A_172 = tpu.memref_slice %arg8[%dma_wait3A_166, %dma_wait3A_171] : memref<4x128xi32, #tpu.memory_space<vmem>> -> memref<1x128xi32, #tpu.memory_space<vmem>>
        %dma_wait3A_173 = tpu.memref_squeeze %dma_wait3A_172 : memref<1x128xi32, #tpu.memory_space<vmem>> -> memref<128xi32, #tpu.memory_space<vmem>>
        %dma_wait3A_174 = tpu.memref_slice %arg5[%add3A_94] : memref<320000xi32, #tpu.memory_space<hbm>> -> memref<128xi32, #tpu.memory_space<hbm>>
        tpu.wait_dma2 semaphore(%arg10 : memref<!tpu.dma_semaphore, #tpu.memory_space<semaphore_mem>>) src(%dma_wait3A_174 : memref<128xi32, #tpu.memory_space<hbm>>) dst(%dma_wait3A_173 : memref<128xi32, #tpu.memory_space<vmem>>)
        %dma_start3A_175 = arith.constant 0 : i32
        %dma_start3A_176 = arith.constant 0 : i32
        %dma_start3A_177 = arith.constant 0 : i32
        %dma_start3A_178 = arith.constant 0 : i32
        %dma_start3A_179 = tpu.memref_slice %arg9[%dma_start3A_176, %dma_start3A_177, %dma_start3A_178] : memref<4x128x64xf32, #tpu.memory_space<vmem>> -> memref<1x128x64xf32, #tpu.memory_space<vmem>>
        %dma_start3A_180 = tpu.memref_squeeze %dma_start3A_179 : memref<1x128x64xf32, #tpu.memory_space<vmem>> -> memref<128x64xf32, #tpu.memory_space<vmem>>
        %dma_start3A_181 = arith.constant 0 : i32
        %dma_start3A_182 = tpu.memref_slice %arg7[%dma_start3A_175, %dma_start3A_181] : memref<4x128xi32, #tpu.memory_space<vmem>> -> memref<1x128xi32, #tpu.memory_space<vmem>>
        %dma_start3A_183 = tpu.memref_squeeze %dma_start3A_182 : memref<1x128xi32, #tpu.memory_space<vmem>> -> memref<128xi32, #tpu.memory_space<vmem>>
        %dma_start3A_184 = arith.constant 0 : i32
        %dma_start3A_185 = arith.constant 0 : i32
        %dma_start3A_186 = tpu.memref_slice %arg2[%dma_start3A_184, %dma_start3A_185] : memref<10000x64xf32, #tpu.memory_space<hbm>> -> memref<10000x64xf32, #tpu.memory_space<hbm>>
        tpu.enqueue_indirect_dma source(%dma_start3A_186 : memref<10000x64xf32, #tpu.memory_space<hbm>>) target(%dma_start3A_180 : memref<128x64xf32, #tpu.memory_space<vmem>>) offsets(%dma_start3A_183 : memref<128xi32, #tpu.memory_space<vmem>>) semaphore(%arg11 : memref<!tpu.dma_semaphore, #tpu.memory_space<semaphore_mem>>)
        %dma_start3A_187 = arith.constant 1 : i32
        %dma_start3A_188 = arith.constant 1 : i32
        %dma_start3A_189 = arith.constant 0 : i32
        %dma_start3A_190 = arith.constant 0 : i32
        %dma_start3A_191 = tpu.memref_slice %arg9[%dma_start3A_188, %dma_start3A_189, %dma_start3A_190] : memref<4x128x64xf32, #tpu.memory_space<vmem>> -> memref<1x128x64xf32, #tpu.memory_space<vmem>>
        %dma_start3A_192 = tpu.memref_squeeze %dma_start3A_191 : memref<1x128x64xf32, #tpu.memory_space<vmem>> -> memref<128x64xf32, #tpu.memory_space<vmem>>
        %dma_start3A_193 = arith.constant 0 : i32
        %dma_start3A_194 = tpu.memref_slice %arg7[%dma_start3A_187, %dma_start3A_193] : memref<4x128xi32, #tpu.memory_space<vmem>> -> memref<1x128xi32, #tpu.memory_space<vmem>>
        %dma_start3A_195 = tpu.memref_squeeze %dma_start3A_194 : memref<1x128xi32, #tpu.memory_space<vmem>> -> memref<128xi32, #tpu.memory_space<vmem>>
        %dma_start3A_196 = arith.constant 0 : i32
        %dma_start3A_197 = arith.constant 0 : i32
        %dma_start3A_198 = tpu.memref_slice %arg2[%dma_start3A_196, %dma_start3A_197] : memref<10000x64xf32, #tpu.memory_space<hbm>> -> memref<10000x64xf32, #tpu.memory_space<hbm>>
        tpu.enqueue_indirect_dma source(%dma_start3A_198 : memref<10000x64xf32, #tpu.memory_space<hbm>>) target(%dma_start3A_192 : memref<128x64xf32, #tpu.memory_space<vmem>>) offsets(%dma_start3A_195 : memref<128xi32, #tpu.memory_space<vmem>>) semaphore(%arg11 : memref<!tpu.dma_semaphore, #tpu.memory_space<semaphore_mem>>)
        %dma_start3A_199 = arith.constant 2 : i32
        %dma_start3A_200 = arith.constant 2 : i32
        %dma_start3A_201 = arith.constant 0 : i32
        %dma_start3A_202 = arith.constant 0 : i32
        %dma_start3A_203 = tpu.memref_slice %arg9[%dma_start3A_200, %dma_start3A_201, %dma_start3A_202] : memref<4x128x64xf32, #tpu.memory_space<vmem>> -> memref<1x128x64xf32, #tpu.memory_space<vmem>>
        %dma_start3A_204 = tpu.memref_squeeze %dma_start3A_203 : memref<1x128x64xf32, #tpu.memory_space<vmem>> -> memref<128x64xf32, #tpu.memory_space<vmem>>
        %dma_start3A_205 = arith.constant 0 : i32
        %dma_start3A_206 = tpu.memref_slice %arg7[%dma_start3A_199, %dma_start3A_205] : memref<4x128xi32, #tpu.memory_space<vmem>> -> memref<1x128xi32, #tpu.memory_space<vmem>>
        %dma_start3A_207 = tpu.memref_squeeze %dma_start3A_206 : memref<1x128xi32, #tpu.memory_space<vmem>> -> memref<128xi32, #tpu.memory_space<vmem>>
        %dma_start3A_208 = arith.constant 0 : i32
        %dma_start3A_209 = arith.constant 0 : i32
        %dma_start3A_210 = tpu.memref_slice %arg2[%dma_start3A_208, %dma_start3A_209] : memref<10000x64xf32, #tpu.memory_space<hbm>> -> memref<10000x64xf32, #tpu.memory_space<hbm>>
        tpu.enqueue_indirect_dma source(%dma_start3A_210 : memref<10000x64xf32, #tpu.memory_space<hbm>>) target(%dma_start3A_204 : memref<128x64xf32, #tpu.memory_space<vmem>>) offsets(%dma_start3A_207 : memref<128xi32, #tpu.memory_space<vmem>>) semaphore(%arg11 : memref<!tpu.dma_semaphore, #tpu.memory_space<semaphore_mem>>)
        %dma_start3A_211 = arith.constant 3 : i32
        %dma_start3A_212 = arith.constant 3 : i32
        %dma_start3A_213 = arith.constant 0 : i32
        %dma_start3A_214 = arith.constant 0 : i32
        %dma_start3A_215 = tpu.memref_slice %arg9[%dma_start3A_212, %dma_start3A_213, %dma_start3A_214] : memref<4x128x64xf32, #tpu.memory_space<vmem>> -> memref<1x128x64xf32, #tpu.memory_space<vmem>>
        %dma_start3A_216 = tpu.memref_squeeze %dma_start3A_215 : memref<1x128x64xf32, #tpu.memory_space<vmem>> -> memref<128x64xf32, #tpu.memory_space<vmem>>
        %dma_start3A_217 = arith.constant 0 : i32
        %dma_start3A_218 = tpu.memref_slice %arg7[%dma_start3A_211, %dma_start3A_217] : memref<4x128xi32, #tpu.memory_space<vmem>> -> memref<1x128xi32, #tpu.memory_space<vmem>>
        %dma_start3A_219 = tpu.memref_squeeze %dma_start3A_218 : memref<1x128xi32, #tpu.memory_space<vmem>> -> memref<128xi32, #tpu.memory_space<vmem>>
        %dma_start3A_220 = arith.constant 0 : i32
        %dma_start3A_221 = arith.constant 0 : i32
        %dma_start3A_222 = tpu.memref_slice %arg2[%dma_start3A_220, %dma_start3A_221] : memref<10000x64xf32, #tpu.memory_space<hbm>> -> memref<10000x64xf32, #tpu.memory_space<hbm>>
        tpu.enqueue_indirect_dma source(%dma_start3A_222 : memref<10000x64xf32, #tpu.memory_space<hbm>>) target(%dma_start3A_216 : memref<128x64xf32, #tpu.memory_space<vmem>>) offsets(%dma_start3A_219 : memref<128xi32, #tpu.memory_space<vmem>>) semaphore(%arg11 : memref<!tpu.dma_semaphore, #tpu.memory_space<semaphore_mem>>)
        %dma_wait3A_223 = arith.constant 0 : i32
        %dma_wait3A_224 = arith.constant 0 : i32
        %dma_wait3A_225 = arith.constant 0 : i32
        %dma_wait3A_226 = arith.constant 0 : i32
        %dma_wait3A_227 = tpu.memref_slice %arg9[%dma_wait3A_224, %dma_wait3A_225, %dma_wait3A_226] : memref<4x128x64xf32, #tpu.memory_space<vmem>> -> memref<1x128x64xf32, #tpu.memory_space<vmem>>
        %dma_wait3A_228 = tpu.memref_squeeze %dma_wait3A_227 : memref<1x128x64xf32, #tpu.memory_space<vmem>> -> memref<128x64xf32, #tpu.memory_space<vmem>>
        %dma_wait3A_229 = arith.constant 0 : i32
        %dma_wait3A_230 = tpu.memref_slice %arg7[%dma_wait3A_223, %dma_wait3A_229] : memref<4x128xi32, #tpu.memory_space<vmem>> -> memref<1x128xi32, #tpu.memory_space<vmem>>
        %dma_wait3A_231 = tpu.memref_squeeze %dma_wait3A_230 : memref<1x128xi32, #tpu.memory_space<vmem>> -> memref<128xi32, #tpu.memory_space<vmem>>
        %dma_wait3A_232 = arith.constant 0 : i32
        %dma_wait3A_233 = arith.constant 0 : i32
        %dma_wait3A_234 = tpu.memref_slice %arg2[%dma_wait3A_232, %dma_wait3A_233] : memref<10000x64xf32, #tpu.memory_space<hbm>> -> memref<10000x64xf32, #tpu.memory_space<hbm>>
        tpu.wait_indirect_dma semaphore(%arg11 : memref<!tpu.dma_semaphore, #tpu.memory_space<semaphore_mem>>) src(%dma_wait3A_234 : memref<10000x64xf32, #tpu.memory_space<hbm>>) dst(%dma_wait3A_228 : memref<128x64xf32, #tpu.memory_space<vmem>>)
        %dma_wait3A_235 = arith.constant 1 : i32
        %dma_wait3A_236 = arith.constant 1 : i32
        %dma_wait3A_237 = arith.constant 0 : i32
        %dma_wait3A_238 = arith.constant 0 : i32
        %dma_wait3A_239 = tpu.memref_slice %arg9[%dma_wait3A_236, %dma_wait3A_237, %dma_wait3A_238] : memref<4x128x64xf32, #tpu.memory_space<vmem>> -> memref<1x128x64xf32, #tpu.memory_space<vmem>>
        %dma_wait3A_240 = tpu.memref_squeeze %dma_wait3A_239 : memref<1x128x64xf32, #tpu.memory_space<vmem>> -> memref<128x64xf32, #tpu.memory_space<vmem>>
        %dma_wait3A_241 = arith.constant 0 : i32
        %dma_wait3A_242 = tpu.memref_slice %arg7[%dma_wait3A_235, %dma_wait3A_241] : memref<4x128xi32, #tpu.memory_space<vmem>> -> memref<1x128xi32, #tpu.memory_space<vmem>>
        %dma_wait3A_243 = tpu.memref_squeeze %dma_wait3A_242 : memref<1x128xi32, #tpu.memory_space<vmem>> -> memref<128xi32, #tpu.memory_space<vmem>>
        %dma_wait3A_244 = arith.constant 0 : i32
        %dma_wait3A_245 = arith.constant 0 : i32
        %dma_wait3A_246 = tpu.memref_slice %arg2[%dma_wait3A_244, %dma_wait3A_245] : memref<10000x64xf32, #tpu.memory_space<hbm>> -> memref<10000x64xf32, #tpu.memory_space<hbm>>
        tpu.wait_indirect_dma semaphore(%arg11 : memref<!tpu.dma_semaphore, #tpu.memory_space<semaphore_mem>>) src(%dma_wait3A_246 : memref<10000x64xf32, #tpu.memory_space<hbm>>) dst(%dma_wait3A_240 : memref<128x64xf32, #tpu.memory_space<vmem>>)
        %dma_wait3A_247 = arith.constant 2 : i32
        %dma_wait3A_248 = arith.constant 2 : i32
        %dma_wait3A_249 = arith.constant 0 : i32
        %dma_wait3A_250 = arith.constant 0 : i32
        %dma_wait3A_251 = tpu.memref_slice %arg9[%dma_wait3A_248, %dma_wait3A_249, %dma_wait3A_250] : memref<4x128x64xf32, #tpu.memory_space<vmem>> -> memref<1x128x64xf32, #tpu.memory_space<vmem>>
        %dma_wait3A_252 = tpu.memref_squeeze %dma_wait3A_251 : memref<1x128x64xf32, #tpu.memory_space<vmem>> -> memref<128x64xf32, #tpu.memory_space<vmem>>
        %dma_wait3A_253 = arith.constant 0 : i32
        %dma_wait3A_254 = tpu.memref_slice %arg7[%dma_wait3A_247, %dma_wait3A_253] : memref<4x128xi32, #tpu.memory_space<vmem>> -> memref<1x128xi32, #tpu.memory_space<vmem>>
        %dma_wait3A_255 = tpu.memref_squeeze %dma_wait3A_254 : memref<1x128xi32, #tpu.memory_space<vmem>> -> memref<128xi32, #tpu.memory_space<vmem>>
        %dma_wait3A_256 = arith.constant 0 : i32
        %dma_wait3A_257 = arith.constant 0 : i32
        %dma_wait3A_258 = tpu.memref_slice %arg2[%dma_wait3A_256, %dma_wait3A_257] : memref<10000x64xf32, #tpu.memory_space<hbm>> -> memref<10000x64xf32, #tpu.memory_space<hbm>>
        tpu.wait_indirect_dma semaphore(%arg11 : memref<!tpu.dma_semaphore, #tpu.memory_space<semaphore_mem>>) src(%dma_wait3A_258 : memref<10000x64xf32, #tpu.memory_space<hbm>>) dst(%dma_wait3A_252 : memref<128x64xf32, #tpu.memory_space<vmem>>)
        %dma_wait3A_259 = arith.constant 3 : i32
        %dma_wait3A_260 = arith.constant 3 : i32
        %dma_wait3A_261 = arith.constant 0 : i32
        %dma_wait3A_262 = arith.constant 0 : i32
        %dma_wait3A_263 = tpu.memref_slice %arg9[%dma_wait3A_260, %dma_wait3A_261, %dma_wait3A_262] : memref<4x128x64xf32, #tpu.memory_space<vmem>> -> memref<1x128x64xf32, #tpu.memory_space<vmem>>
        %dma_wait3A_264 = tpu.memref_squeeze %dma_wait3A_263 : memref<1x128x64xf32, #tpu.memory_space<vmem>> -> memref<128x64xf32, #tpu.memory_space<vmem>>
        %dma_wait3A_265 = arith.constant 0 : i32
        %dma_wait3A_266 = tpu.memref_slice %arg7[%dma_wait3A_259, %dma_wait3A_265] : memref<4x128xi32, #tpu.memory_space<vmem>> -> memref<1x128xi32, #tpu.memory_space<vmem>>
        %dma_wait3A_267 = tpu.memref_squeeze %dma_wait3A_266 : memref<1x128xi32, #tpu.memory_space<vmem>> -> memref<128xi32, #tpu.memory_space<vmem>>
        %dma_wait3A_268 = arith.constant 0 : i32
        %dma_wait3A_269 = arith.constant 0 : i32
        %dma_wait3A_270 = tpu.memref_slice %arg2[%dma_wait3A_268, %dma_wait3A_269] : memref<10000x64xf32, #tpu.memory_space<hbm>> -> memref<10000x64xf32, #tpu.memory_space<hbm>>
        tpu.wait_indirect_dma semaphore(%arg11 : memref<!tpu.dma_semaphore, #tpu.memory_space<semaphore_mem>>) src(%dma_wait3A_270 : memref<10000x64xf32, #tpu.memory_space<hbm>>) dst(%dma_wait3A_264 : memref<128x64xf32, #tpu.memory_space<vmem>>)
        %dma_start3A_271 = arith.constant 0 : i32
        %dma_start3A_272 = arith.constant 0 : i32
        %dma_start3A_273 = arith.constant 0 : i32
        %dma_start3A_274 = arith.constant 0 : i32
        %dma_start3A_275 = tpu.memref_slice %arg9[%dma_start3A_272, %dma_start3A_273, %dma_start3A_274] : memref<4x128x64xf32, #tpu.memory_space<vmem>> -> memref<1x128x64xf32, #tpu.memory_space<vmem>>
        %dma_start3A_276 = tpu.memref_squeeze %dma_start3A_275 : memref<1x128x64xf32, #tpu.memory_space<vmem>> -> memref<128x64xf32, #tpu.memory_space<vmem>>
        %dma_start3A_277 = arith.constant 0 : i32
        %dma_start3A_278 = tpu.memref_slice %arg8[%dma_start3A_271, %dma_start3A_277] : memref<4x128xi32, #tpu.memory_space<vmem>> -> memref<1x128xi32, #tpu.memory_space<vmem>>
        %dma_start3A_279 = tpu.memref_squeeze %dma_start3A_278 : memref<1x128xi32, #tpu.memory_space<vmem>> -> memref<128xi32, #tpu.memory_space<vmem>>
        %dma_start3A_280 = arith.constant 0 : i32
        %dma_start3A_281 = arith.constant 0 : i32
        %dma_start3A_282 = tpu.memref_slice %arg3[%dma_start3A_280, %dma_start3A_281] : memref<10000x64xf32, #tpu.memory_space<hbm>> -> memref<10000x64xf32, #tpu.memory_space<hbm>>
        tpu.enqueue_indirect_dma source(%dma_start3A_282 : memref<10000x64xf32, #tpu.memory_space<hbm>>) target(%dma_start3A_276 : memref<128x64xf32, #tpu.memory_space<vmem>>) offsets(%dma_start3A_279 : memref<128xi32, #tpu.memory_space<vmem>>) semaphore(%arg12 : memref<!tpu.dma_semaphore, #tpu.memory_space<semaphore_mem>>) {add = true}
        %dma_start3A_283 = arith.constant 1 : i32
        %dma_start3A_284 = arith.constant 1 : i32
        %dma_start3A_285 = arith.constant 0 : i32
        %dma_start3A_286 = arith.constant 0 : i32
        %dma_start3A_287 = tpu.memref_slice %arg9[%dma_start3A_284, %dma_start3A_285, %dma_start3A_286] : memref<4x128x64xf32, #tpu.memory_space<vmem>> -> memref<1x128x64xf32, #tpu.memory_space<vmem>>
        %dma_start3A_288 = tpu.memref_squeeze %dma_start3A_287 : memref<1x128x64xf32, #tpu.memory_space<vmem>> -> memref<128x64xf32, #tpu.memory_space<vmem>>
        %dma_start3A_289 = arith.constant 0 : i32
        %dma_start3A_290 = tpu.memref_slice %arg8[%dma_start3A_283, %dma_start3A_289] : memref<4x128xi32, #tpu.memory_space<vmem>> -> memref<1x128xi32, #tpu.memory_space<vmem>>
        %dma_start3A_291 = tpu.memref_squeeze %dma_start3A_290 : memref<1x128xi32, #tpu.memory_space<vmem>> -> memref<128xi32, #tpu.memory_space<vmem>>
        %dma_start3A_292 = arith.constant 0 : i32
        %dma_start3A_293 = arith.constant 0 : i32
        %dma_start3A_294 = tpu.memref_slice %arg3[%dma_start3A_292, %dma_start3A_293] : memref<10000x64xf32, #tpu.memory_space<hbm>> -> memref<10000x64xf32, #tpu.memory_space<hbm>>
        tpu.enqueue_indirect_dma source(%dma_start3A_294 : memref<10000x64xf32, #tpu.memory_space<hbm>>) target(%dma_start3A_288 : memref<128x64xf32, #tpu.memory_space<vmem>>) offsets(%dma_start3A_291 : memref<128xi32, #tpu.memory_space<vmem>>) semaphore(%arg12 : memref<!tpu.dma_semaphore, #tpu.memory_space<semaphore_mem>>) {add = true}
        %dma_start3A_295 = arith.constant 2 : i32
        %dma_start3A_296 = arith.constant 2 : i32
        %dma_start3A_297 = arith.constant 0 : i32
        %dma_start3A_298 = arith.constant 0 : i32
        %dma_start3A_299 = tpu.memref_slice %arg9[%dma_start3A_296, %dma_start3A_297, %dma_start3A_298] : memref<4x128x64xf32, #tpu.memory_space<vmem>> -> memref<1x128x64xf32, #tpu.memory_space<vmem>>
        %dma_start3A_300 = tpu.memref_squeeze %dma_start3A_299 : memref<1x128x64xf32, #tpu.memory_space<vmem>> -> memref<128x64xf32, #tpu.memory_space<vmem>>
        %dma_start3A_301 = arith.constant 0 : i32
        %dma_start3A_302 = tpu.memref_slice %arg8[%dma_start3A_295, %dma_start3A_301] : memref<4x128xi32, #tpu.memory_space<vmem>> -> memref<1x128xi32, #tpu.memory_space<vmem>>
        %dma_start3A_303 = tpu.memref_squeeze %dma_start3A_302 : memref<1x128xi32, #tpu.memory_space<vmem>> -> memref<128xi32, #tpu.memory_space<vmem>>
        %dma_start3A_304 = arith.constant 0 : i32
        %dma_start3A_305 = arith.constant 0 : i32
        %dma_start3A_306 = tpu.memref_slice %arg3[%dma_start3A_304, %dma_start3A_305] : memref<10000x64xf32, #tpu.memory_space<hbm>> -> memref<10000x64xf32, #tpu.memory_space<hbm>>
        tpu.enqueue_indirect_dma source(%dma_start3A_306 : memref<10000x64xf32, #tpu.memory_space<hbm>>) target(%dma_start3A_300 : memref<128x64xf32, #tpu.memory_space<vmem>>) offsets(%dma_start3A_303 : memref<128xi32, #tpu.memory_space<vmem>>) semaphore(%arg12 : memref<!tpu.dma_semaphore, #tpu.memory_space<semaphore_mem>>) {add = true}
        %dma_start3A_307 = arith.constant 3 : i32
        %dma_start3A_308 = arith.constant 3 : i32
        %dma_start3A_309 = arith.constant 0 : i32
        %dma_start3A_310 = arith.constant 0 : i32
        %dma_start3A_311 = tpu.memref_slice %arg9[%dma_start3A_308, %dma_start3A_309, %dma_start3A_310] : memref<4x128x64xf32, #tpu.memory_space<vmem>> -> memref<1x128x64xf32, #tpu.memory_space<vmem>>
        %dma_start3A_312 = tpu.memref_squeeze %dma_start3A_311 : memref<1x128x64xf32, #tpu.memory_space<vmem>> -> memref<128x64xf32, #tpu.memory_space<vmem>>
        %dma_start3A_313 = arith.constant 0 : i32
        %dma_start3A_314 = tpu.memref_slice %arg8[%dma_start3A_307, %dma_start3A_313] : memref<4x128xi32, #tpu.memory_space<vmem>> -> memref<1x128xi32, #tpu.memory_space<vmem>>
        %dma_start3A_315 = tpu.memref_squeeze %dma_start3A_314 : memref<1x128xi32, #tpu.memory_space<vmem>> -> memref<128xi32, #tpu.memory_space<vmem>>
        %dma_start3A_316 = arith.constant 0 : i32
        %dma_start3A_317 = arith.constant 0 : i32
        %dma_start3A_318 = tpu.memref_slice %arg3[%dma_start3A_316, %dma_start3A_317] : memref<10000x64xf32, #tpu.memory_space<hbm>> -> memref<10000x64xf32, #tpu.memory_space<hbm>>
        tpu.enqueue_indirect_dma source(%dma_start3A_318 : memref<10000x64xf32, #tpu.memory_space<hbm>>) target(%dma_start3A_312 : memref<128x64xf32, #tpu.memory_space<vmem>>) offsets(%dma_start3A_315 : memref<128xi32, #tpu.memory_space<vmem>>) semaphore(%arg12 : memref<!tpu.dma_semaphore, #tpu.memory_space<semaphore_mem>>) {add = true}
        %dma_wait3A_319 = arith.constant 0 : i32
        %dma_wait3A_320 = arith.constant 0 : i32
        %dma_wait3A_321 = arith.constant 0 : i32
        %dma_wait3A_322 = arith.constant 0 : i32
        %dma_wait3A_323 = tpu.memref_slice %arg9[%dma_wait3A_320, %dma_wait3A_321, %dma_wait3A_322] : memref<4x128x64xf32, #tpu.memory_space<vmem>> -> memref<1x128x64xf32, #tpu.memory_space<vmem>>
        %dma_wait3A_324 = tpu.memref_squeeze %dma_wait3A_323 : memref<1x128x64xf32, #tpu.memory_space<vmem>> -> memref<128x64xf32, #tpu.memory_space<vmem>>
        %dma_wait3A_325 = arith.constant 0 : i32
        %dma_wait3A_326 = tpu.memref_slice %arg8[%dma_wait3A_319, %dma_wait3A_325] : memref<4x128xi32, #tpu.memory_space<vmem>> -> memref<1x128xi32, #tpu.memory_space<vmem>>
        %dma_wait3A_327 = tpu.memref_squeeze %dma_wait3A_326 : memref<1x128xi32, #tpu.memory_space<vmem>> -> memref<128xi32, #tpu.memory_space<vmem>>
        %dma_wait3A_328 = arith.constant 0 : i32
        %dma_wait3A_329 = arith.constant 0 : i32
        %dma_wait3A_330 = tpu.memref_slice %arg3[%dma_wait3A_328, %dma_wait3A_329] : memref<10000x64xf32, #tpu.memory_space<hbm>> -> memref<10000x64xf32, #tpu.memory_space<hbm>>
        tpu.wait_indirect_dma semaphore(%arg12 : memref<!tpu.dma_semaphore, #tpu.memory_space<semaphore_mem>>) src(%dma_wait3A_330 : memref<10000x64xf32, #tpu.memory_space<hbm>>) dst(%dma_wait3A_324 : memref<128x64xf32, #tpu.memory_space<vmem>>)
        %dma_wait3A_331 = arith.constant 1 : i32
        %dma_wait3A_332 = arith.constant 1 : i32
        %dma_wait3A_333 = arith.constant 0 : i32
        %dma_wait3A_334 = arith.constant 0 : i32
        %dma_wait3A_335 = tpu.memref_slice %arg9[%dma_wait3A_332, %dma_wait3A_333, %dma_wait3A_334] : memref<4x128x64xf32, #tpu.memory_space<vmem>> -> memref<1x128x64xf32, #tpu.memory_space<vmem>>
        %dma_wait3A_336 = tpu.memref_squeeze %dma_wait3A_335 : memref<1x128x64xf32, #tpu.memory_space<vmem>> -> memref<128x64xf32, #tpu.memory_space<vmem>>
        %dma_wait3A_337 = arith.constant 0 : i32
        %dma_wait3A_338 = tpu.memref_slice %arg8[%dma_wait3A_331, %dma_wait3A_337] : memref<4x128xi32, #tpu.memory_space<vmem>> -> memref<1x128xi32, #tpu.memory_space<vmem>>
        %dma_wait3A_339 = tpu.memref_squeeze %dma_wait3A_338 : memref<1x128xi32, #tpu.memory_space<vmem>> -> memref<128xi32, #tpu.memory_space<vmem>>
        %dma_wait3A_340 = arith.constant 0 : i32
        %dma_wait3A_341 = arith.constant 0 : i32
        %dma_wait3A_342 = tpu.memref_slice %arg3[%dma_wait3A_340, %dma_wait3A_341] : memref<10000x64xf32, #tpu.memory_space<hbm>> -> memref<10000x64xf32, #tpu.memory_space<hbm>>
        tpu.wait_indirect_dma semaphore(%arg12 : memref<!tpu.dma_semaphore, #tpu.memory_space<semaphore_mem>>) src(%dma_wait3A_342 : memref<10000x64xf32, #tpu.memory_space<hbm>>) dst(%dma_wait3A_336 : memref<128x64xf32, #tpu.memory_space<vmem>>)
        %dma_wait3A_343 = arith.constant 2 : i32
        %dma_wait3A_344 = arith.constant 2 : i32
        %dma_wait3A_345 = arith.constant 0 : i32
        %dma_wait3A_346 = arith.constant 0 : i32
        %dma_wait3A_347 = tpu.memref_slice %arg9[%dma_wait3A_344, %dma_wait3A_345, %dma_wait3A_346] : memref<4x128x64xf32, #tpu.memory_space<vmem>> -> memref<1x128x64xf32, #tpu.memory_space<vmem>>
        %dma_wait3A_348 = tpu.memref_squeeze %dma_wait3A_347 : memref<1x128x64xf32, #tpu.memory_space<vmem>> -> memref<128x64xf32, #tpu.memory_space<vmem>>
        %dma_wait3A_349 = arith.constant 0 : i32
        %dma_wait3A_350 = tpu.memref_slice %arg8[%dma_wait3A_343, %dma_wait3A_349] : memref<4x128xi32, #tpu.memory_space<vmem>> -> memref<1x128xi32, #tpu.memory_space<vmem>>
        %dma_wait3A_351 = tpu.memref_squeeze %dma_wait3A_350 : memref<1x128xi32, #tpu.memory_space<vmem>> -> memref<128xi32, #tpu.memory_space<vmem>>
        %dma_wait3A_352 = arith.constant 0 : i32
        %dma_wait3A_353 = arith.constant 0 : i32
        %dma_wait3A_354 = tpu.memref_slice %arg3[%dma_wait3A_352, %dma_wait3A_353] : memref<10000x64xf32, #tpu.memory_space<hbm>> -> memref<10000x64xf32, #tpu.memory_space<hbm>>
        tpu.wait_indirect_dma semaphore(%arg12 : memref<!tpu.dma_semaphore, #tpu.memory_space<semaphore_mem>>) src(%dma_wait3A_354 : memref<10000x64xf32, #tpu.memory_space<hbm>>) dst(%dma_wait3A_348 : memref<128x64xf32, #tpu.memory_space<vmem>>)
        %dma_wait3A_355 = arith.constant 3 : i32
        %dma_wait3A_356 = arith.constant 3 : i32
        %dma_wait3A_357 = arith.constant 0 : i32
        %dma_wait3A_358 = arith.constant 0 : i32
        %dma_wait3A_359 = tpu.memref_slice %arg9[%dma_wait3A_356, %dma_wait3A_357, %dma_wait3A_358] : memref<4x128x64xf32, #tpu.memory_space<vmem>> -> memref<1x128x64xf32, #tpu.memory_space<vmem>>
        %dma_wait3A_360 = tpu.memref_squeeze %dma_wait3A_359 : memref<1x128x64xf32, #tpu.memory_space<vmem>> -> memref<128x64xf32, #tpu.memory_space<vmem>>
        %dma_wait3A_361 = arith.constant 0 : i32
        %dma_wait3A_362 = tpu.memref_slice %arg8[%dma_wait3A_355, %dma_wait3A_361] : memref<4x128xi32, #tpu.memory_space<vmem>> -> memref<1x128xi32, #tpu.memory_space<vmem>>
        %dma_wait3A_363 = tpu.memref_squeeze %dma_wait3A_362 : memref<1x128xi32, #tpu.memory_space<vmem>> -> memref<128xi32, #tpu.memory_space<vmem>>
        %dma_wait3A_364 = arith.constant 0 : i32
        %dma_wait3A_365 = arith.constant 0 : i32
        %dma_wait3A_366 = tpu.memref_slice %arg3[%dma_wait3A_364, %dma_wait3A_365] : memref<10000x64xf32, #tpu.memory_space<hbm>> -> memref<10000x64xf32, #tpu.memory_space<hbm>>
        tpu.wait_indirect_dma semaphore(%arg12 : memref<!tpu.dma_semaphore, #tpu.memory_space<semaphore_mem>>) src(%dma_wait3A_366 : memref<10000x64xf32, #tpu.memory_space<hbm>>) dst(%dma_wait3A_360 : memref<128x64xf32, #tpu.memory_space<vmem>>)
        %add3A_367 = arith.constant 0 : i32
        %add3A_368 = arith.addi %mul3A_16, %add3A_367 : i32
        %dma_start3A_369 = arith.constant 0 : i32
        %dma_start3A_370 = arith.constant 0 : i32
        %dma_start3A_371 = arith.constant 0 : i32
        %dma_start3A_372 = tpu.memref_slice %arg9[%dma_start3A_369, %dma_start3A_370, %dma_start3A_371] : memref<4x128x64xf32, #tpu.memory_space<vmem>> -> memref<1x128x64xf32, #tpu.memory_space<vmem>>
        %dma_start3A_373 = tpu.memref_squeeze %dma_start3A_372 : memref<1x128x64xf32, #tpu.memory_space<vmem>> -> memref<128x64xf32, #tpu.memory_space<vmem>>
        %dma_start3A_374 = arith.constant 0 : i32
        %dma_start3A_375 = tpu.memref_slice %arg6[%add3A_368, %dma_start3A_374] : memref<320000x64xf32, #tpu.memory_space<hbm>> -> memref<128x64xf32, #tpu.memory_space<hbm>>
        %dma_start3A_376 = arith.constant 0 : i32
        %dma_start3A_377 = tpu.memref_slice %arg6[%add3A_368, %dma_start3A_376] : memref<320000x64xf32, #tpu.memory_space<hbm>> -> memref<128x64xf32, #tpu.memory_space<hbm>>
        %dma_start3A_378 = arith.constant 0 : i32
        %dma_start3A_379 = arith.constant 0 : i32
        %dma_start3A_380 = tpu.memref_slice %arg9[%dma_start3A_369, %dma_start3A_378, %dma_start3A_379] : memref<4x128x64xf32, #tpu.memory_space<vmem>> -> memref<1x128x64xf32, #tpu.memory_space<vmem>>
        %dma_start3A_381 = tpu.memref_squeeze %dma_start3A_380 : memref<1x128x64xf32, #tpu.memory_space<vmem>> -> memref<128x64xf32, #tpu.memory_space<vmem>>
        tpu.enqueue_dma source(%dma_start3A_381 : memref<128x64xf32, #tpu.memory_space<vmem>>) target(%dma_start3A_377 : memref<128x64xf32, #tpu.memory_space<hbm>>) target_semaphore(%arg13 : memref<!tpu.dma_semaphore, #tpu.memory_space<semaphore_mem>>)
        %add3A_382 = arith.constant 128 : i32
        %add3A_383 = arith.addi %mul3A_16, %add3A_382 : i32
        %dma_start3A_384 = arith.constant 1 : i32
        %dma_start3A_385 = arith.constant 0 : i32
        %dma_start3A_386 = arith.constant 0 : i32
        %dma_start3A_387 = tpu.memref_slice %arg9[%dma_start3A_384, %dma_start3A_385, %dma_start3A_386] : memref<4x128x64xf32, #tpu.memory_space<vmem>> -> memref<1x128x64xf32, #tpu.memory_space<vmem>>
        %dma_start3A_388 = tpu.memref_squeeze %dma_start3A_387 : memref<1x128x64xf32, #tpu.memory_space<vmem>> -> memref<128x64xf32, #tpu.memory_space<vmem>>
        %dma_start3A_389 = arith.constant 0 : i32
        %dma_start3A_390 = tpu.memref_slice %arg6[%add3A_383, %dma_start3A_389] : memref<320000x64xf32, #tpu.memory_space<hbm>> -> memref<128x64xf32, #tpu.memory_space<hbm>>
        %dma_start3A_391 = arith.constant 0 : i32
        %dma_start3A_392 = tpu.memref_slice %arg6[%add3A_383, %dma_start3A_391] : memref<320000x64xf32, #tpu.memory_space<hbm>> -> memref<128x64xf32, #tpu.memory_space<hbm>>
        %dma_start3A_393 = arith.constant 0 : i32
        %dma_start3A_394 = arith.constant 0 : i32
        %dma_start3A_395 = tpu.memref_slice %arg9[%dma_start3A_384, %dma_start3A_393, %dma_start3A_394] : memref<4x128x64xf32, #tpu.memory_space<vmem>> -> memref<1x128x64xf32, #tpu.memory_space<vmem>>
        %dma_start3A_396 = tpu.memref_squeeze %dma_start3A_395 : memref<1x128x64xf32, #tpu.memory_space<vmem>> -> memref<128x64xf32, #tpu.memory_space<vmem>>
        tpu.enqueue_dma source(%dma_start3A_396 : memref<128x64xf32, #tpu.memory_space<vmem>>) target(%dma_start3A_392 : memref<128x64xf32, #tpu.memory_space<hbm>>) target_semaphore(%arg13 : memref<!tpu.dma_semaphore, #tpu.memory_space<semaphore_mem>>)
        %add3A_397 = arith.constant 256 : i32
        %add3A_398 = arith.addi %mul3A_16, %add3A_397 : i32
        %dma_start3A_399 = arith.constant 2 : i32
        %dma_start3A_400 = arith.constant 0 : i32
        %dma_start3A_401 = arith.constant 0 : i32
        %dma_start3A_402 = tpu.memref_slice %arg9[%dma_start3A_399, %dma_start3A_400, %dma_start3A_401] : memref<4x128x64xf32, #tpu.memory_space<vmem>> -> memref<1x128x64xf32, #tpu.memory_space<vmem>>
        %dma_start3A_403 = tpu.memref_squeeze %dma_start3A_402 : memref<1x128x64xf32, #tpu.memory_space<vmem>> -> memref<128x64xf32, #tpu.memory_space<vmem>>
        %dma_start3A_404 = arith.constant 0 : i32
        %dma_start3A_405 = tpu.memref_slice %arg6[%add3A_398, %dma_start3A_404] : memref<320000x64xf32, #tpu.memory_space<hbm>> -> memref<128x64xf32, #tpu.memory_space<hbm>>
        %dma_start3A_406 = arith.constant 0 : i32
        %dma_start3A_407 = tpu.memref_slice %arg6[%add3A_398, %dma_start3A_406] : memref<320000x64xf32, #tpu.memory_space<hbm>> -> memref<128x64xf32, #tpu.memory_space<hbm>>
        %dma_start3A_408 = arith.constant 0 : i32
        %dma_start3A_409 = arith.constant 0 : i32
        %dma_start3A_410 = tpu.memref_slice %arg9[%dma_start3A_399, %dma_start3A_408, %dma_start3A_409] : memref<4x128x64xf32, #tpu.memory_space<vmem>> -> memref<1x128x64xf32, #tpu.memory_space<vmem>>
        %dma_start3A_411 = tpu.memref_squeeze %dma_start3A_410 : memref<1x128x64xf32, #tpu.memory_space<vmem>> -> memref<128x64xf32, #tpu.memory_space<vmem>>
        tpu.enqueue_dma source(%dma_start3A_411 : memref<128x64xf32, #tpu.memory_space<vmem>>) target(%dma_start3A_407 : memref<128x64xf32, #tpu.memory_space<hbm>>) target_semaphore(%arg13 : memref<!tpu.dma_semaphore, #tpu.memory_space<semaphore_mem>>)
        %add3A_412 = arith.constant 384 : i32
        %add3A_413 = arith.addi %mul3A_16, %add3A_412 : i32
        %dma_start3A_414 = arith.constant 3 : i32
        %dma_start3A_415 = arith.constant 0 : i32
        %dma_start3A_416 = arith.constant 0 : i32
        %dma_start3A_417 = tpu.memref_slice %arg9[%dma_start3A_414, %dma_start3A_415, %dma_start3A_416] : memref<4x128x64xf32, #tpu.memory_space<vmem>> -> memref<1x128x64xf32, #tpu.memory_space<vmem>>
        %dma_start3A_418 = tpu.memref_squeeze %dma_start3A_417 : memref<1x128x64xf32, #tpu.memory_space<vmem>> -> memref<128x64xf32, #tpu.memory_space<vmem>>
        %dma_start3A_419 = arith.constant 0 : i32
        %dma_start3A_420 = tpu.memref_slice %arg6[%add3A_413, %dma_start3A_419] : memref<320000x64xf32, #tpu.memory_space<hbm>> -> memref<128x64xf32, #tpu.memory_space<hbm>>
        %dma_start3A_421 = arith.constant 0 : i32
        %dma_start3A_422 = tpu.memref_slice %arg6[%add3A_413, %dma_start3A_421] : memref<320000x64xf32, #tpu.memory_space<hbm>> -> memref<128x64xf32, #tpu.memory_space<hbm>>
        %dma_start3A_423 = arith.constant 0 : i32
        %dma_start3A_424 = arith.constant 0 : i32
        %dma_start3A_425 = tpu.memref_slice %arg9[%dma_start3A_414, %dma_start3A_423, %dma_start3A_424] : memref<4x128x64xf32, #tpu.memory_space<vmem>> -> memref<1x128x64xf32, #tpu.memory_space<vmem>>
        %dma_start3A_426 = tpu.memref_squeeze %dma_start3A_425 : memref<1x128x64xf32, #tpu.memory_space<vmem>> -> memref<128x64xf32, #tpu.memory_space<vmem>>
        tpu.enqueue_dma source(%dma_start3A_426 : memref<128x64xf32, #tpu.memory_space<vmem>>) target(%dma_start3A_422 : memref<128x64xf32, #tpu.memory_space<hbm>>) target_semaphore(%arg13 : memref<!tpu.dma_semaphore, #tpu.memory_space<semaphore_mem>>)
        %dma_wait3A_427 = arith.constant 0 : i32
        %dma_wait3A_428 = arith.constant 0 : i32
        %dma_wait3A_429 = arith.constant 0 : i32
        %dma_wait3A_430 = tpu.memref_slice %arg9[%dma_wait3A_427, %dma_wait3A_428, %dma_wait3A_429] : memref<4x128x64xf32, #tpu.memory_space<vmem>> -> memref<1x128x64xf32, #tpu.memory_space<vmem>>
        %dma_wait3A_431 = tpu.memref_squeeze %dma_wait3A_430 : memref<1x128x64xf32, #tpu.memory_space<vmem>> -> memref<128x64xf32, #tpu.memory_space<vmem>>
        %dma_wait3A_432 = arith.constant 0 : i32
        %dma_wait3A_433 = tpu.memref_slice %arg6[%add3A_368, %dma_wait3A_432] : memref<320000x64xf32, #tpu.memory_space<hbm>> -> memref<128x64xf32, #tpu.memory_space<hbm>>
        %dma_wait3A_434 = arith.constant 0 : i32
        %dma_wait3A_435 = tpu.memref_slice %arg6[%add3A_368, %dma_wait3A_434] : memref<320000x64xf32, #tpu.memory_space<hbm>> -> memref<128x64xf32, #tpu.memory_space<hbm>>
        %dma_wait3A_436 = arith.constant 0 : i32
        %dma_wait3A_437 = arith.constant 0 : i32
        %dma_wait3A_438 = tpu.memref_slice %arg9[%dma_wait3A_427, %dma_wait3A_436, %dma_wait3A_437] : memref<4x128x64xf32, #tpu.memory_space<vmem>> -> memref<1x128x64xf32, #tpu.memory_space<vmem>>
        %dma_wait3A_439 = tpu.memref_squeeze %dma_wait3A_438 : memref<1x128x64xf32, #tpu.memory_space<vmem>> -> memref<128x64xf32, #tpu.memory_space<vmem>>
        tpu.wait_dma2 semaphore(%arg13 : memref<!tpu.dma_semaphore, #tpu.memory_space<semaphore_mem>>) src(%dma_wait3A_439 : memref<128x64xf32, #tpu.memory_space<vmem>>) dst(%dma_wait3A_435 : memref<128x64xf32, #tpu.memory_space<hbm>>)
        %dma_wait3A_440 = arith.constant 1 : i32
        %dma_wait3A_441 = arith.constant 0 : i32
        %dma_wait3A_442 = arith.constant 0 : i32
        %dma_wait3A_443 = tpu.memref_slice %arg9[%dma_wait3A_440, %dma_wait3A_441, %dma_wait3A_442] : memref<4x128x64xf32, #tpu.memory_space<vmem>> -> memref<1x128x64xf32, #tpu.memory_space<vmem>>
        %dma_wait3A_444 = tpu.memref_squeeze %dma_wait3A_443 : memref<1x128x64xf32, #tpu.memory_space<vmem>> -> memref<128x64xf32, #tpu.memory_space<vmem>>
        %dma_wait3A_445 = arith.constant 0 : i32
        %dma_wait3A_446 = tpu.memref_slice %arg6[%add3A_383, %dma_wait3A_445] : memref<320000x64xf32, #tpu.memory_space<hbm>> -> memref<128x64xf32, #tpu.memory_space<hbm>>
        %dma_wait3A_447 = arith.constant 0 : i32
        %dma_wait3A_448 = tpu.memref_slice %arg6[%add3A_383, %dma_wait3A_447] : memref<320000x64xf32, #tpu.memory_space<hbm>> -> memref<128x64xf32, #tpu.memory_space<hbm>>
        %dma_wait3A_449 = arith.constant 0 : i32
        %dma_wait3A_450 = arith.constant 0 : i32
        %dma_wait3A_451 = tpu.memref_slice %arg9[%dma_wait3A_440, %dma_wait3A_449, %dma_wait3A_450] : memref<4x128x64xf32, #tpu.memory_space<vmem>> -> memref<1x128x64xf32, #tpu.memory_space<vmem>>
        %dma_wait3A_452 = tpu.memref_squeeze %dma_wait3A_451 : memref<1x128x64xf32, #tpu.memory_space<vmem>> -> memref<128x64xf32, #tpu.memory_space<vmem>>
        tpu.wait_dma2 semaphore(%arg13 : memref<!tpu.dma_semaphore, #tpu.memory_space<semaphore_mem>>) src(%dma_wait3A_452 : memref<128x64xf32, #tpu.memory_space<vmem>>) dst(%dma_wait3A_448 : memref<128x64xf32, #tpu.memory_space<hbm>>)
        %dma_wait3A_453 = arith.constant 2 : i32
        %dma_wait3A_454 = arith.constant 0 : i32
        %dma_wait3A_455 = arith.constant 0 : i32
        %dma_wait3A_456 = tpu.memref_slice %arg9[%dma_wait3A_453, %dma_wait3A_454, %dma_wait3A_455] : memref<4x128x64xf32, #tpu.memory_space<vmem>> -> memref<1x128x64xf32, #tpu.memory_space<vmem>>
        %dma_wait3A_457 = tpu.memref_squeeze %dma_wait3A_456 : memref<1x128x64xf32, #tpu.memory_space<vmem>> -> memref<128x64xf32, #tpu.memory_space<vmem>>
        %dma_wait3A_458 = arith.constant 0 : i32
        %dma_wait3A_459 = tpu.memref_slice %arg6[%add3A_398, %dma_wait3A_458] : memref<320000x64xf32, #tpu.memory_space<hbm>> -> memref<128x64xf32, #tpu.memory_space<hbm>>
        %dma_wait3A_460 = arith.constant 0 : i32
        %dma_wait3A_461 = tpu.memref_slice %arg6[%add3A_398, %dma_wait3A_460] : memref<320000x64xf32, #tpu.memory_space<hbm>> -> memref<128x64xf32, #tpu.memory_space<hbm>>
        %dma_wait3A_462 = arith.constant 0 : i32
        %dma_wait3A_463 = arith.constant 0 : i32
        %dma_wait3A_464 = tpu.memref_slice %arg9[%dma_wait3A_453, %dma_wait3A_462, %dma_wait3A_463] : memref<4x128x64xf32, #tpu.memory_space<vmem>> -> memref<1x128x64xf32, #tpu.memory_space<vmem>>
        %dma_wait3A_465 = tpu.memref_squeeze %dma_wait3A_464 : memref<1x128x64xf32, #tpu.memory_space<vmem>> -> memref<128x64xf32, #tpu.memory_space<vmem>>
        tpu.wait_dma2 semaphore(%arg13 : memref<!tpu.dma_semaphore, #tpu.memory_space<semaphore_mem>>) src(%dma_wait3A_465 : memref<128x64xf32, #tpu.memory_space<vmem>>) dst(%dma_wait3A_461 : memref<128x64xf32, #tpu.memory_space<hbm>>)
        %dma_wait3A_466 = arith.constant 3 : i32
        %dma_wait3A_467 = arith.constant 0 : i32
        %dma_wait3A_468 = arith.constant 0 : i32
        %dma_wait3A_469 = tpu.memref_slice %arg9[%dma_wait3A_466, %dma_wait3A_467, %dma_wait3A_468] : memref<4x128x64xf32, #tpu.memory_space<vmem>> -> memref<1x128x64xf32, #tpu.memory_space<vmem>>
        %dma_wait3A_470 = tpu.memref_squeeze %dma_wait3A_469 : memref<1x128x64xf32, #tpu.memory_space<vmem>> -> memref<128x64xf32, #tpu.memory_space<vmem>>
        %dma_wait3A_471 = arith.constant 0 : i32
        %dma_wait3A_472 = tpu.memref_slice %arg6[%add3A_413, %dma_wait3A_471] : memref<320000x64xf32, #tpu.memory_space<hbm>> -> memref<128x64xf32, #tpu.memory_space<hbm>>
        %dma_wait3A_473 = arith.constant 0 : i32
        %dma_wait3A_474 = tpu.memref_slice %arg6[%add3A_413, %dma_wait3A_473] : memref<320000x64xf32, #tpu.memory_space<hbm>> -> memref<128x64xf32, #tpu.memory_space<hbm>>
        %dma_wait3A_475 = arith.constant 0 : i32
        %dma_wait3A_476 = arith.constant 0 : i32
        %dma_wait3A_477 = tpu.memref_slice %arg9[%dma_wait3A_466, %dma_wait3A_475, %dma_wait3A_476] : memref<4x128x64xf32, #tpu.memory_space<vmem>> -> memref<1x128x64xf32, #tpu.memory_space<vmem>>
        %dma_wait3A_478 = tpu.memref_squeeze %dma_wait3A_477 : memref<1x128x64xf32, #tpu.memory_space<vmem>> -> memref<128x64xf32, #tpu.memory_space<vmem>>
        tpu.wait_dma2 semaphore(%arg13 : memref<!tpu.dma_semaphore, #tpu.memory_space<semaphore_mem>>) src(%dma_wait3A_478 : memref<128x64xf32, #tpu.memory_space<vmem>>) dst(%dma_wait3A_474 : memref<128x64xf32, #tpu.memory_space<hbm>>)
      } else {
      }
      %scan3A_14 = arith.constant 0 : i32
      scf.yield %scan3A_14 : i32
    }
    %scan3A_6 = arith.constant 20 : i32
    return
  }
}

module attributes {stable_mosaic.version = 14 : i64} {
  func.func @body(%arg0: memref<32x9x16xf32, #tpu.memory_space<vmem>>, %arg1: memref<10000x4xf32, #tpu.memory_space<vmem>>, %arg2: memref<10000x4xf32, #tpu.memory_space<vmem>>, %arg3: memref<10000x128xf32, #tpu.memory_space<vmem>>, %arg4: memref<3x64xf32, #tpu.memory_space<vmem>>, %arg5: memref<64xf32, #tpu.memory_space<vmem>>, %arg6: memref<64xf32, #tpu.memory_space<vmem>>, %arg7: memref<128x64xf32, #tpu.memory_space<vmem>>, %arg8: memref<64xf32, #tpu.memory_space<vmem>>, %arg9: memref<64xf32, #tpu.memory_space<vmem>>, %arg10: memref<10000x64xf32, #tpu.memory_space<vmem>>, %arg11: memref<10000x64xf32, #tpu.memory_space<vmem>>) attributes {dimension_semantics = [], scalar_prefetch = 0 : i64, scratch_operands = 0 : i64, tpu.core_type = #tpu.core_type<tc>} {
    %get3A = arith.constant 0 : index
    %get3A_0 = arith.constant 0 : index
    %get3A_1 = arith.constant 0 : index
    %get3A_2 = vector.load %arg0[%get3A, %get3A_0, %get3A_1] : memref<32x9x16xf32, #tpu.memory_space<vmem>>, vector<32x9x16xf32>
    %reduce_sum3A = arith.constant dense<0.000000e+00> : vector<9xf32>
    %reduce_sum3A_3 = vector.multi_reduction <add>, %get3A_2, %reduce_sum3A [0, 2] : vector<32x9x16xf32> to vector<9xf32>
    %slice3A = vector.extract_strided_slice %reduce_sum3A_3 {offsets = [0], sizes = [1], strides = [1]} : vector<9xf32> to vector<1xf32>
    %squeeze3A = vector.extract %slice3A[0] : f32 from vector<1xf32>
    %div3A = arith.constant 3.200000e+05 : f32
    %div3A_4 = arith.divf %squeeze3A, %div3A : f32
    %slice3A_5 = vector.extract_strided_slice %reduce_sum3A_3 {offsets = [1], sizes = [1], strides = [1]} : vector<9xf32> to vector<1xf32>
    %squeeze3A_6 = vector.extract %slice3A_5[0] : f32 from vector<1xf32>
    %div3A_7 = arith.constant 3.200000e+05 : f32
    %div3A_8 = arith.divf %squeeze3A_6, %div3A_7 : f32
    %slice3A_9 = vector.extract_strided_slice %reduce_sum3A_3 {offsets = [2], sizes = [1], strides = [1]} : vector<9xf32> to vector<1xf32>
    %squeeze3A_10 = vector.extract %slice3A_9[0] : f32 from vector<1xf32>
    %div3A_11 = arith.constant 3.200000e+05 : f32
    %div3A_12 = arith.divf %squeeze3A_10, %div3A_11 : f32
    %slice3A_13 = vector.extract_strided_slice %reduce_sum3A_3 {offsets = [3], sizes = [1], strides = [1]} : vector<9xf32> to vector<1xf32>
    %squeeze3A_14 = vector.extract %slice3A_13[0] : f32 from vector<1xf32>
    %div3A_15 = arith.constant 3.200000e+05 : f32
    %div3A_16 = arith.divf %squeeze3A_14, %div3A_15 : f32
    %slice3A_17 = vector.extract_strided_slice %reduce_sum3A_3 {offsets = [4], sizes = [1], strides = [1]} : vector<9xf32> to vector<1xf32>
    %squeeze3A_18 = vector.extract %slice3A_17[0] : f32 from vector<1xf32>
    %div3A_19 = arith.constant 3.200000e+05 : f32
    %div3A_20 = arith.divf %squeeze3A_18, %div3A_19 : f32
    %slice3A_21 = vector.extract_strided_slice %reduce_sum3A_3 {offsets = [5], sizes = [1], strides = [1]} : vector<9xf32> to vector<1xf32>
    %squeeze3A_22 = vector.extract %slice3A_21[0] : f32 from vector<1xf32>
    %div3A_23 = arith.constant 3.200000e+05 : f32
    %div3A_24 = arith.divf %squeeze3A_22, %div3A_23 : f32
    %slice3A_25 = vector.extract_strided_slice %reduce_sum3A_3 {offsets = [6], sizes = [1], strides = [1]} : vector<9xf32> to vector<1xf32>
    %squeeze3A_26 = vector.extract %slice3A_25[0] : f32 from vector<1xf32>
    %div3A_27 = arith.constant 3.200000e+05 : f32
    %div3A_28 = arith.divf %squeeze3A_26, %div3A_27 : f32
    %slice3A_29 = vector.extract_strided_slice %reduce_sum3A_3 {offsets = [7], sizes = [1], strides = [1]} : vector<9xf32> to vector<1xf32>
    %squeeze3A_30 = vector.extract %slice3A_29[0] : f32 from vector<1xf32>
    %div3A_31 = arith.constant 3.200000e+05 : f32
    %div3A_32 = arith.divf %squeeze3A_30, %div3A_31 : f32
    %slice3A_33 = vector.extract_strided_slice %reduce_sum3A_3 {offsets = [8], sizes = [1], strides = [1]} : vector<9xf32> to vector<1xf32>
    %squeeze3A_34 = vector.extract %slice3A_33[0] : f32 from vector<1xf32>
    %div3A_35 = arith.constant 3.200000e+05 : f32
    %div3A_36 = arith.divf %squeeze3A_34, %div3A_35 : f32
    %get3A_37 = arith.constant 0 : index
    %get3A_38 = arith.constant 0 : index
    %get3A_39 = vector.load %arg4[%get3A_37, %get3A_38] : memref<3x64xf32, #tpu.memory_space<vmem>>, vector<3x64xf32>
    %slice3A_40 = vector.extract_strided_slice %get3A_39 {offsets = [0, 0], sizes = [1, 64], strides = [1, 1]} : vector<3x64xf32> to vector<1x64xf32>
    %squeeze3A_41 = vector.shape_cast %slice3A_40 : vector<1x64xf32> to vector<64xf32>
    %slice3A_42 = vector.extract_strided_slice %get3A_39 {offsets = [1, 0], sizes = [1, 64], strides = [1, 1]} : vector<3x64xf32> to vector<1x64xf32>
    %squeeze3A_43 = vector.shape_cast %slice3A_42 : vector<1x64xf32> to vector<64xf32>
    %slice3A_44 = vector.extract_strided_slice %get3A_39 {offsets = [2, 0], sizes = [1, 64], strides = [1, 1]} : vector<3x64xf32> to vector<1x64xf32>
    %squeeze3A_45 = vector.shape_cast %slice3A_44 : vector<1x64xf32> to vector<64xf32>
    %mul3A = vector.broadcast %div3A_4 : f32 to vector<64xf32>
    %mul3A_46 = arith.mulf %mul3A, %squeeze3A_41 : vector<64xf32>
    %mul3A_47 = vector.broadcast %div3A_8 : f32 to vector<64xf32>
    %mul3A_48 = arith.mulf %mul3A_47, %squeeze3A_43 : vector<64xf32>
    %add3A = arith.addf %mul3A_46, %mul3A_48 : vector<64xf32>
    %mul3A_49 = vector.broadcast %div3A_12 : f32 to vector<64xf32>
    %mul3A_50 = arith.mulf %mul3A_49, %squeeze3A_45 : vector<64xf32>
    %add3A_51 = arith.addf %add3A, %mul3A_50 : vector<64xf32>
    %mul3A_52 = vector.broadcast %div3A_16 : f32 to vector<64xf32>
    %mul3A_53 = arith.mulf %mul3A_52, %squeeze3A_41 : vector<64xf32>
    %mul3A_54 = arith.mulf %mul3A_53, %squeeze3A_41 : vector<64xf32>
    %mul3A_55 = vector.broadcast %div3A_20 : f32 to vector<64xf32>
    %mul3A_56 = arith.mulf %mul3A_55, %squeeze3A_43 : vector<64xf32>
    %mul3A_57 = arith.mulf %mul3A_56, %squeeze3A_43 : vector<64xf32>
    %add3A_58 = arith.addf %mul3A_54, %mul3A_57 : vector<64xf32>
    %mul3A_59 = vector.broadcast %div3A_24 : f32 to vector<64xf32>
    %mul3A_60 = arith.mulf %mul3A_59, %squeeze3A_45 : vector<64xf32>
    %mul3A_61 = arith.mulf %mul3A_60, %squeeze3A_45 : vector<64xf32>
    %add3A_62 = arith.addf %add3A_58, %mul3A_61 : vector<64xf32>
    %mul3A_63 = vector.broadcast %div3A_28 : f32 to vector<64xf32>
    %mul3A_64 = arith.mulf %mul3A_63, %squeeze3A_41 : vector<64xf32>
    %mul3A_65 = arith.mulf %mul3A_64, %squeeze3A_43 : vector<64xf32>
    %mul3A_66 = vector.broadcast %div3A_32 : f32 to vector<64xf32>
    %mul3A_67 = arith.mulf %mul3A_66, %squeeze3A_43 : vector<64xf32>
    %mul3A_68 = arith.mulf %mul3A_67, %squeeze3A_45 : vector<64xf32>
    %add3A_69 = arith.addf %mul3A_65, %mul3A_68 : vector<64xf32>
    %mul3A_70 = vector.broadcast %div3A_36 : f32 to vector<64xf32>
    %mul3A_71 = arith.mulf %mul3A_70, %squeeze3A_45 : vector<64xf32>
    %mul3A_72 = arith.mulf %mul3A_71, %squeeze3A_41 : vector<64xf32>
    %add3A_73 = arith.addf %add3A_69, %mul3A_72 : vector<64xf32>
    %mul3A_74 = arith.constant 2.000000e+00 : f32
    %mul3A_75 = vector.broadcast %mul3A_74 : f32 to vector<64xf32>
    %mul3A_76 = arith.mulf %mul3A_75, %add3A_73 : vector<64xf32>
    %add3A_77 = arith.addf %add3A_62, %mul3A_76 : vector<64xf32>
    %mul3A_78 = arith.mulf %add3A_51, %add3A_51 : vector<64xf32>
    %sub3A = arith.subf %add3A_77, %mul3A_78 : vector<64xf32>
    %get3A_79 = arith.constant 0 : index
    %get3A_80 = vector.load %arg5[%get3A_79] : memref<64xf32, #tpu.memory_space<vmem>>, vector<64xf32>
    %add3A_81 = arith.constant 1.000000e-03 : f32
    %add3A_82 = vector.broadcast %add3A_81 : f32 to vector<64xf32>
    %add3A_83 = arith.addf %sub3A, %add3A_82 : vector<64xf32>
    %sqrt3A = math.sqrt %add3A_83 : vector<64xf32>
    %div3A_84 = arith.divf %get3A_80, %sqrt3A : vector<64xf32>
    %get3A_85 = arith.constant 0 : index
    %get3A_86 = vector.load %arg6[%get3A_85] : memref<64xf32, #tpu.memory_space<vmem>>, vector<64xf32>
    %mul3A_87 = arith.mulf %div3A_84, %add3A_51 : vector<64xf32>
    %sub3A_88 = arith.subf %get3A_86, %mul3A_87 : vector<64xf32>
    %get3A_89 = arith.constant 0 : index
    %get3A_90 = arith.constant 0 : index
    %get3A_91 = vector.load %arg3[%get3A_89, %get3A_90] : memref<10000x128xf32, #tpu.memory_space<vmem>>, vector<10000x128xf32>
    %get3A_92 = arith.constant 0 : index
    %get3A_93 = arith.constant 0 : index
    %get3A_94 = vector.load %arg7[%get3A_92, %get3A_93] : memref<128x64xf32, #tpu.memory_space<vmem>>, vector<128x64xf32>
    %dot_general3A = arith.constant dense<0.000000e+00> : vector<10000x64xf32>
    %dot_general3A_95 = tpu.matmul %get3A_91, %get3A_94, %dot_general3A {dimension_numbers = #tpu.dot_dimension_numbers<[1], [0], [0], [1], [0, 0, 1, 1], [], []>, transpose_lhs_hint = false} : vector<10000x128xf32>, vector<128x64xf32>, vector<10000x64xf32> -> vector<10000x64xf32>
    %reduce_sum3A_96 = arith.constant dense<0.000000e+00> : vector<64xf32>
    %reduce_sum3A_97 = vector.multi_reduction <add>, %dot_general3A_95, %reduce_sum3A_96 [0] : vector<10000x64xf32> to vector<64xf32>
    %div3A_98 = arith.constant 1.000000e+04 : f32
    %div3A_99 = vector.broadcast %div3A_98 : f32 to vector<64xf32>
    %div3A_100 = arith.divf %reduce_sum3A_97, %div3A_99 : vector<64xf32>
    %mul3A_101 = arith.mulf %dot_general3A_95, %dot_general3A_95 : vector<10000x64xf32>
    %reduce_sum3A_102 = arith.constant dense<0.000000e+00> : vector<64xf32>
    %reduce_sum3A_103 = vector.multi_reduction <add>, %mul3A_101, %reduce_sum3A_102 [0] : vector<10000x64xf32> to vector<64xf32>
    %div3A_104 = arith.constant 1.000000e+04 : f32
    %div3A_105 = vector.broadcast %div3A_104 : f32 to vector<64xf32>
    %div3A_106 = arith.divf %reduce_sum3A_103, %div3A_105 : vector<64xf32>
    %mul3A_107 = arith.mulf %div3A_100, %div3A_100 : vector<64xf32>
    %sub3A_108 = arith.subf %div3A_106, %mul3A_107 : vector<64xf32>
    %get3A_109 = arith.constant 0 : index
    %get3A_110 = vector.load %arg8[%get3A_109] : memref<64xf32, #tpu.memory_space<vmem>>, vector<64xf32>
    %broadcast_in_dim3A = vector.shape_cast %div3A_100 : vector<64xf32> to vector<1x64xf32>
    %sub3A_111 = vector.broadcast %broadcast_in_dim3A : vector<1x64xf32> to vector<10000x64xf32>
    %sub3A_112 = arith.subf %dot_general3A_95, %sub3A_111 : vector<10000x64xf32>
    %broadcast_in_dim3A_113 = vector.shape_cast %get3A_110 : vector<64xf32> to vector<1x64xf32>
    %mul3A_114 = vector.broadcast %broadcast_in_dim3A_113 : vector<1x64xf32> to vector<10000x64xf32>
    %mul3A_115 = arith.mulf %mul3A_114, %sub3A_112 : vector<10000x64xf32>
    %add3A_116 = arith.constant 1.000000e-03 : f32
    %add3A_117 = vector.broadcast %add3A_116 : f32 to vector<64xf32>
    %add3A_118 = arith.addf %sub3A_108, %add3A_117 : vector<64xf32>
    %sqrt3A_119 = math.sqrt %add3A_118 : vector<64xf32>
    %broadcast_in_dim3A_120 = vector.shape_cast %sqrt3A_119 : vector<64xf32> to vector<1x64xf32>
    %div3A_121 = vector.broadcast %broadcast_in_dim3A_120 : vector<1x64xf32> to vector<10000x64xf32>
    %div3A_122 = arith.divf %mul3A_115, %div3A_121 : vector<10000x64xf32>
    %get3A_123 = arith.constant 0 : index
    %get3A_124 = vector.load %arg9[%get3A_123] : memref<64xf32, #tpu.memory_space<vmem>>, vector<64xf32>
    %broadcast_in_dim3A_125 = vector.shape_cast %get3A_124 : vector<64xf32> to vector<1x64xf32>
    %add3A_126 = vector.broadcast %broadcast_in_dim3A_125 : vector<1x64xf32> to vector<10000x64xf32>
    %add3A_127 = arith.addf %div3A_122, %add3A_126 : vector<10000x64xf32>
    %get3A_128 = arith.constant 0 : index
    %get3A_129 = arith.constant 0 : index
    %get3A_130 = vector.load %arg1[%get3A_128, %get3A_129] : memref<10000x4xf32, #tpu.memory_space<vmem>>, vector<10000x4xf32>
    %slice3A_131 = vector.extract_strided_slice %get3A_130 {offsets = [0, 1], sizes = [10000, 3], strides = [1, 1]} : vector<10000x4xf32> to vector<10000x3xf32>
    %dot_general3A_132 = arith.constant dense<0.000000e+00> : vector<10000x64xf32>
    %dot_general3A_133 = tpu.matmul %slice3A_131, %get3A_39, %dot_general3A_132 {dimension_numbers = #tpu.dot_dimension_numbers<[1], [0], [0], [1], [0, 0, 1, 1], [], []>, transpose_lhs_hint = false} : vector<10000x3xf32>, vector<3x64xf32>, vector<10000x64xf32> -> vector<10000x64xf32>
    %get3A_134 = arith.constant 0 : index
    %get3A_135 = arith.constant 0 : index
    %get3A_136 = vector.load %arg2[%get3A_134, %get3A_135] : memref<10000x4xf32, #tpu.memory_space<vmem>>, vector<10000x4xf32>
    %slice3A_137 = vector.extract_strided_slice %get3A_136 {offsets = [0, 1], sizes = [10000, 3], strides = [1, 1]} : vector<10000x4xf32> to vector<10000x3xf32>
    %dot_general3A_138 = arith.constant dense<0.000000e+00> : vector<10000x64xf32>
    %dot_general3A_139 = tpu.matmul %slice3A_137, %get3A_39, %dot_general3A_138 {dimension_numbers = #tpu.dot_dimension_numbers<[1], [0], [0], [1], [0, 0, 1, 1], [], []>, transpose_lhs_hint = false} : vector<10000x3xf32>, vector<3x64xf32>, vector<10000x64xf32> -> vector<10000x64xf32>
    %broadcast_in_dim3A_140 = vector.shape_cast %div3A_84 : vector<64xf32> to vector<1x64xf32>
    %mul3A_141 = vector.broadcast %broadcast_in_dim3A_140 : vector<1x64xf32> to vector<10000x64xf32>
    %mul3A_142 = arith.mulf %mul3A_141, %dot_general3A_133 : vector<10000x64xf32>
    %add3A_143 = arith.addf %mul3A_142, %add3A_127 : vector<10000x64xf32>
    %broadcast_in_dim3A_144 = vector.shape_cast %sub3A_88 : vector<64xf32> to vector<1x64xf32>
    %add3A_145 = vector.broadcast %broadcast_in_dim3A_144 : vector<1x64xf32> to vector<10000x64xf32>
    %add3A_146 = arith.addf %add3A_143, %add3A_145 : vector<10000x64xf32>
    %swap3A = arith.constant 0 : index
    %swap3A_147 = arith.constant 0 : index
    %swap3A_148 = vector.load %arg10[%swap3A, %swap3A_147] : memref<10000x64xf32, #tpu.memory_space<vmem>>, vector<10000x64xf32>
    tpu.vector_store %arg10[%swap3A, %swap3A_147], %add3A_146 {strides = array<i32>} : memref<10000x64xf32, #tpu.memory_space<vmem>>, vector<10000x64xf32>,
    %broadcast_in_dim3A_149 = vector.shape_cast %div3A_84 : vector<64xf32> to vector<1x64xf32>
    %mul3A_150 = vector.broadcast %broadcast_in_dim3A_149 : vector<1x64xf32> to vector<10000x64xf32>
    %mul3A_151 = arith.mulf %mul3A_150, %dot_general3A_139 : vector<10000x64xf32>
    %neg3A = arith.constant 0.000000e+00 : f32
    %neg3A_152 = vector.broadcast %neg3A : f32 to vector<10000x64xf32>
    %neg3A_153 = arith.subf %neg3A_152, %mul3A_151 : vector<10000x64xf32>
    %swap3A_154 = arith.constant 0 : index
    %swap3A_155 = arith.constant 0 : index
    %swap3A_156 = vector.load %arg11[%swap3A_154, %swap3A_155] : memref<10000x64xf32, #tpu.memory_space<vmem>>, vector<10000x64xf32>
    tpu.vector_store %arg11[%swap3A_154, %swap3A_155], %neg3A_153 {strides = array<i32>} : memref<10000x64xf32, #tpu.memory_space<vmem>>, vector<10000x64xf32>,
    return
  }
}

module attributes {stable_mosaic.version = 14 : i64} {
  func.func @body(%arg0: i32, %arg1: memref<2560x64xf32, #tpu.memory_space<vmem>>, %arg2: memref<64x64xf32, #tpu.memory_space<vmem>>, %arg3: memref<1x64xf32, #tpu.memory_space<vmem>>, %arg4: memref<1x64xf32, #tpu.memory_space<vmem>>, %arg5: memref<1x64xf32, #tpu.memory_space<vmem>>) attributes {dimension_semantics = [#tpu.dimension_semantics<arbitrary>], iteration_bounds = array<i64: 125>, scalar_prefetch = 0 : i64, scratch_operands = 0 : i64, tpu.core_type = #tpu.core_type<tc>, window_params = [{transform_indices = @transform_0, window_bounds = array<i64: 2560, 64>}, {pipeline_mode = #tpu.pipeline_mode<synchronous>, transform_indices = @transform_1, window_bounds = array<i64: 64, 64>}, {pipeline_mode = #tpu.pipeline_mode<synchronous>, transform_indices = @transform_2, window_bounds = array<i64: 1, 64>}, {pipeline_mode = #tpu.pipeline_mode<synchronous>, transform_indices = @transform_3, window_bounds = array<i64: 1, 64>}, {pipeline_mode = #tpu.pipeline_mode<synchronous>, transform_indices = @transform_4, window_bounds = array<i64: 1, 64>}]} {
    %get3A = arith.constant 0 : index
    %get3A_0 = arith.constant 0 : index
    %get3A_1 = vector.load %arg1[%get3A, %get3A_0] : memref<2560x64xf32, #tpu.memory_space<vmem>>, vector<2560x64xf32>
    %max3A = arith.constant 0.000000e+00 : f32
    %max3A_2 = vector.broadcast %max3A : f32 to vector<2560x64xf32>
    %max3A_3 = arith.maximumf %get3A_1, %max3A_2 : vector<2560x64xf32>
    %get3A_4 = arith.constant 0 : index
    %get3A_5 = arith.constant 0 : index
    %get3A_6 = vector.load %arg2[%get3A_4, %get3A_5] : memref<64x64xf32, #tpu.memory_space<vmem>>, vector<64x64xf32>
    %dot_general3A = arith.constant dense<0.000000e+00> : vector<2560x64xf32>
    %dot_general3A_7 = tpu.matmul %max3A_3, %get3A_6, %dot_general3A {dimension_numbers = #tpu.dot_dimension_numbers<[1], [0], [0], [1], [0, 0, 1, 1], [], []>, transpose_lhs_hint = false} : vector<2560x64xf32>, vector<64x64xf32>, vector<2560x64xf32> -> vector<2560x64xf32>
    %get3A_8 = arith.constant 0 : index
    %get3A_9 = arith.constant 0 : index
    %get3A_10 = vector.load %arg3[%get3A_8, %get3A_9] : memref<1x64xf32, #tpu.memory_space<vmem>>, vector<1x64xf32>
    %add3A = vector.broadcast %get3A_10 : vector<1x64xf32> to vector<2560x64xf32>
    %add3A_11 = arith.addf %dot_general3A_7, %add3A : vector<2560x64xf32>
    %eq3A = arith.constant 0 : i32
    %eq3A_12 = arith.cmpi eq, %arg0, %eq3A : i32
    %convert_element_type3A = arith.extui %eq3A_12 : i1 to i32
    %cond3A = arith.constant 0 : i32
    %cond3A_13 = arith.cmpi ne, %convert_element_type3A, %cond3A : i32
    scf.if %cond3A_13 {
      %broadcast_in_dim3A_31 = arith.constant 0.000000e+00 : f32
      %broadcast_in_dim3A_32 = vector.broadcast %broadcast_in_dim3A_31 : f32 to vector<1x64xf32>
      %swap3A_33 = arith.constant 0 : index
      %swap3A_34 = arith.constant 0 : index
      %swap3A_35 = vector.load %arg4[%swap3A_33, %swap3A_34] : memref<1x64xf32, #tpu.memory_space<vmem>>, vector<1x64xf32>
      tpu.vector_store %arg4[%swap3A_33, %swap3A_34], %broadcast_in_dim3A_32 {strides = array<i32>} : memref<1x64xf32, #tpu.memory_space<vmem>>, vector<1x64xf32>,
      %broadcast_in_dim3A_36 = arith.constant 0.000000e+00 : f32
      %broadcast_in_dim3A_37 = vector.broadcast %broadcast_in_dim3A_36 : f32 to vector<1x64xf32>
      %swap3A_38 = arith.constant 0 : index
      %swap3A_39 = arith.constant 0 : index
      %swap3A_40 = vector.load %arg5[%swap3A_38, %swap3A_39] : memref<1x64xf32, #tpu.memory_space<vmem>>, vector<1x64xf32>
      tpu.vector_store %arg5[%swap3A_38, %swap3A_39], %broadcast_in_dim3A_37 {strides = array<i32>} : memref<1x64xf32, #tpu.memory_space<vmem>>, vector<1x64xf32>,
    } else {
    }
    %get3A_14 = arith.constant 0 : index
    %get3A_15 = arith.constant 0 : index
    %get3A_16 = vector.load %arg4[%get3A_14, %get3A_15] : memref<1x64xf32, #tpu.memory_space<vmem>>, vector<1x64xf32>
    %reduce_sum3A = arith.constant dense<0.000000e+00> : vector<64xf32>
    %reduce_sum3A_17 = vector.multi_reduction <add>, %add3A_11, %reduce_sum3A [0] : vector<2560x64xf32> to vector<64xf32>
    %broadcast_in_dim3A = vector.shape_cast %reduce_sum3A_17 : vector<64xf32> to vector<1x64xf32>
    %add3A_18 = arith.addf %get3A_16, %broadcast_in_dim3A : vector<1x64xf32>
    %swap3A = arith.constant 0 : index
    %swap3A_19 = arith.constant 0 : index
    %swap3A_20 = vector.load %arg4[%swap3A, %swap3A_19] : memref<1x64xf32, #tpu.memory_space<vmem>>, vector<1x64xf32>
    tpu.vector_store %arg4[%swap3A, %swap3A_19], %add3A_18 {strides = array<i32>} : memref<1x64xf32, #tpu.memory_space<vmem>>, vector<1x64xf32>,
    %get3A_21 = arith.constant 0 : index
    %get3A_22 = arith.constant 0 : index
    %get3A_23 = vector.load %arg5[%get3A_21, %get3A_22] : memref<1x64xf32, #tpu.memory_space<vmem>>, vector<1x64xf32>
    %mul3A = arith.mulf %add3A_11, %add3A_11 : vector<2560x64xf32>
    %reduce_sum3A_24 = arith.constant dense<0.000000e+00> : vector<64xf32>
    %reduce_sum3A_25 = vector.multi_reduction <add>, %mul3A, %reduce_sum3A_24 [0] : vector<2560x64xf32> to vector<64xf32>
    %broadcast_in_dim3A_26 = vector.shape_cast %reduce_sum3A_25 : vector<64xf32> to vector<1x64xf32>
    %add3A_27 = arith.addf %get3A_23, %broadcast_in_dim3A_26 : vector<1x64xf32>
    %swap3A_28 = arith.constant 0 : index
    %swap3A_29 = arith.constant 0 : index
    %swap3A_30 = vector.load %arg5[%swap3A_28, %swap3A_29] : memref<1x64xf32, #tpu.memory_space<vmem>>, vector<1x64xf32>
    tpu.vector_store %arg5[%swap3A_28, %swap3A_29], %add3A_27 {strides = array<i32>} : memref<1x64xf32, #tpu.memory_space<vmem>>, vector<1x64xf32>,
    return
  }
  func.func @transform_0(%arg0: i32) -> (i32, i32) {
    %c0_i32 = arith.constant 0 : i32
    %c0_i32_0 = arith.constant 0 : i32
    return %arg0, %c0_i32 : i32, i32
  }
  func.func @transform_1(%arg0: i32) -> (i32, i32) {
    %c0_i32 = arith.constant 0 : i32
    %c0_i32_0 = arith.constant 0 : i32
    %c0_i32_1 = arith.constant 0 : i32
    return %c0_i32, %c0_i32_0 : i32, i32
  }
  func.func @transform_2(%arg0: i32) -> (i32, i32) {
    %c0_i32 = arith.constant 0 : i32
    %c0_i32_0 = arith.constant 0 : i32
    %c0_i32_1 = arith.constant 0 : i32
    return %c0_i32, %c0_i32_0 : i32, i32
  }
  func.func @transform_3(%arg0: i32) -> (i32, i32) {
    %c0_i32 = arith.constant 0 : i32
    %c0_i32_0 = arith.constant 0 : i32
    %c0_i32_1 = arith.constant 0 : i32
    return %c0_i32, %c0_i32_0 : i32, i32
  }
  func.func @transform_4(%arg0: i32) -> (i32, i32) {
    %c0_i32 = arith.constant 0 : i32
    %c0_i32_0 = arith.constant 0 : i32
    %c0_i32_1 = arith.constant 0 : i32
    return %c0_i32, %c0_i32_0 : i32, i32
  }
}

module attributes {stable_mosaic.version = 14 : i64} {
  func.func @body(%arg0: i32, %arg1: memref<2560x64xf32, #tpu.memory_space<vmem>>, %arg2: memref<64x64xf32, #tpu.memory_space<vmem>>, %arg3: memref<1x64xf32, #tpu.memory_space<vmem>>, %arg4: memref<1x64xf32, #tpu.memory_space<vmem>>, %arg5: memref<1x64xf32, #tpu.memory_space<vmem>>, %arg6: memref<1x64xf32, #tpu.memory_space<vmem>>, %arg7: memref<1x64xf32, #tpu.memory_space<vmem>>, %arg8: memref<64x2560xf32, #tpu.memory_space<vmem>>) attributes {dimension_semantics = [#tpu.dimension_semantics<arbitrary>], iteration_bounds = array<i64: 125>, scalar_prefetch = 0 : i64, scratch_operands = 0 : i64, tpu.core_type = #tpu.core_type<tc>, window_params = [{transform_indices = @transform_0, window_bounds = array<i64: 2560, 64>}, {pipeline_mode = #tpu.pipeline_mode<synchronous>, transform_indices = @transform_1, window_bounds = array<i64: 64, 64>}, {pipeline_mode = #tpu.pipeline_mode<synchronous>, transform_indices = @transform_2, window_bounds = array<i64: 1, 64>}, {pipeline_mode = #tpu.pipeline_mode<synchronous>, transform_indices = @transform_3, window_bounds = array<i64: 1, 64>}, {pipeline_mode = #tpu.pipeline_mode<synchronous>, transform_indices = @transform_4, window_bounds = array<i64: 1, 64>}, {pipeline_mode = #tpu.pipeline_mode<synchronous>, transform_indices = @transform_5, window_bounds = array<i64: 1, 64>}, {pipeline_mode = #tpu.pipeline_mode<synchronous>, transform_indices = @transform_6, window_bounds = array<i64: 1, 64>}, {transform_indices = @transform_7, window_bounds = array<i64: 64, 2560>}]} {
    %get3A = arith.constant 0 : index
    %get3A_0 = arith.constant 0 : index
    %get3A_1 = vector.load %arg6[%get3A, %get3A_0] : memref<1x64xf32, #tpu.memory_space<vmem>>, vector<1x64xf32>
    %div3A = arith.constant 3.200000e+05 : f32
    %div3A_2 = vector.broadcast %div3A : f32 to vector<1x64xf32>
    %div3A_3 = arith.divf %get3A_1, %div3A_2 : vector<1x64xf32>
    %get3A_4 = arith.constant 0 : index
    %get3A_5 = arith.constant 0 : index
    %get3A_6 = vector.load %arg7[%get3A_4, %get3A_5] : memref<1x64xf32, #tpu.memory_space<vmem>>, vector<1x64xf32>
    %div3A_7 = arith.constant 3.200000e+05 : f32
    %div3A_8 = vector.broadcast %div3A_7 : f32 to vector<1x64xf32>
    %div3A_9 = arith.divf %get3A_6, %div3A_8 : vector<1x64xf32>
    %mul3A = arith.mulf %div3A_3, %div3A_3 : vector<1x64xf32>
    %sub3A = arith.subf %div3A_9, %mul3A : vector<1x64xf32>
    %get3A_10 = arith.constant 0 : index
    %get3A_11 = arith.constant 0 : index
    %get3A_12 = vector.load %arg4[%get3A_10, %get3A_11] : memref<1x64xf32, #tpu.memory_space<vmem>>, vector<1x64xf32>
    %add3A = arith.constant 1.000000e-03 : f32
    %add3A_13 = vector.broadcast %add3A : f32 to vector<1x64xf32>
    %add3A_14 = arith.addf %sub3A, %add3A_13 : vector<1x64xf32>
    %rsqrt3A = math.rsqrt %add3A_14 : vector<1x64xf32>
    %mul3A_15 = arith.mulf %get3A_12, %rsqrt3A : vector<1x64xf32>
    %get3A_16 = arith.constant 0 : index
    %get3A_17 = arith.constant 0 : index
    %get3A_18 = vector.load %arg5[%get3A_16, %get3A_17] : memref<1x64xf32, #tpu.memory_space<vmem>>, vector<1x64xf32>
    %mul3A_19 = arith.mulf %mul3A_15, %div3A_3 : vector<1x64xf32>
    %sub3A_20 = arith.subf %get3A_18, %mul3A_19 : vector<1x64xf32>
    %get3A_21 = arith.constant 0 : index
    %get3A_22 = arith.constant 0 : index
    %get3A_23 = vector.load %arg1[%get3A_21, %get3A_22] : memref<2560x64xf32, #tpu.memory_space<vmem>>, vector<2560x64xf32>
    %max3A = arith.constant 0.000000e+00 : f32
    %max3A_24 = vector.broadcast %max3A : f32 to vector<2560x64xf32>
    %max3A_25 = arith.maximumf %get3A_23, %max3A_24 : vector<2560x64xf32>
    %get3A_26 = arith.constant 0 : index
    %get3A_27 = arith.constant 0 : index
    %get3A_28 = vector.load %arg2[%get3A_26, %get3A_27] : memref<64x64xf32, #tpu.memory_space<vmem>>, vector<64x64xf32>
    %dot_general3A = arith.constant dense<0.000000e+00> : vector<2560x64xf32>
    %dot_general3A_29 = tpu.matmul %max3A_25, %get3A_28, %dot_general3A {dimension_numbers = #tpu.dot_dimension_numbers<[1], [0], [0], [1], [0, 0, 1, 1], [], []>, transpose_lhs_hint = false} : vector<2560x64xf32>, vector<64x64xf32>, vector<2560x64xf32> -> vector<2560x64xf32>
    %get3A_30 = arith.constant 0 : index
    %get3A_31 = arith.constant 0 : index
    %get3A_32 = vector.load %arg3[%get3A_30, %get3A_31] : memref<1x64xf32, #tpu.memory_space<vmem>>, vector<1x64xf32>
    %add3A_33 = vector.broadcast %get3A_32 : vector<1x64xf32> to vector<2560x64xf32>
    %add3A_34 = arith.addf %dot_general3A_29, %add3A_33 : vector<2560x64xf32>
    %mul3A_35 = vector.broadcast %mul3A_15 : vector<1x64xf32> to vector<2560x64xf32>
    %mul3A_36 = arith.mulf %mul3A_35, %add3A_34 : vector<2560x64xf32>
    %add3A_37 = vector.broadcast %sub3A_20 : vector<1x64xf32> to vector<2560x64xf32>
    %add3A_38 = arith.addf %mul3A_36, %add3A_37 : vector<2560x64xf32>
    %max3A_39 = arith.constant 0.000000e+00 : f32
    %max3A_40 = vector.broadcast %max3A_39 : f32 to vector<2560x64xf32>
    %max3A_41 = arith.maximumf %add3A_38, %max3A_40 : vector<2560x64xf32>
    %transpose3A = tpu.transpose %max3A_41, [1, 0] : vector<2560x64xf32> -> vector<64x2560xf32>
    %swap3A = arith.constant 0 : index
    %swap3A_42 = arith.constant 0 : index
    %swap3A_43 = vector.load %arg8[%swap3A, %swap3A_42] : memref<64x2560xf32, #tpu.memory_space<vmem>>, vector<64x2560xf32>
    tpu.vector_store %arg8[%swap3A, %swap3A_42], %transpose3A {strides = array<i32>} : memref<64x2560xf32, #tpu.memory_space<vmem>>, vector<64x2560xf32>,
    return
  }
  func.func @transform_0(%arg0: i32) -> (i32, i32) {
    %c0_i32 = arith.constant 0 : i32
    %c0_i32_0 = arith.constant 0 : i32
    return %arg0, %c0_i32 : i32, i32
  }
  func.func @transform_1(%arg0: i32) -> (i32, i32) {
    %c0_i32 = arith.constant 0 : i32
    %c0_i32_0 = arith.constant 0 : i32
    %c0_i32_1 = arith.constant 0 : i32
    return %c0_i32, %c0_i32_0 : i32, i32
  }
  func.func @transform_2(%arg0: i32) -> (i32, i32) {
    %c0_i32 = arith.constant 0 : i32
    %c0_i32_0 = arith.constant 0 : i32
    %c0_i32_1 = arith.constant 0 : i32
    return %c0_i32, %c0_i32_0 : i32, i32
  }
  func.func @transform_3(%arg0: i32) -> (i32, i32) {
    %c0_i32 = arith.constant 0 : i32
    %c0_i32_0 = arith.constant 0 : i32
    %c0_i32_1 = arith.constant 0 : i32
    return %c0_i32, %c0_i32_0 : i32, i32
  }
  func.func @transform_4(%arg0: i32) -> (i32, i32) {
    %c0_i32 = arith.constant 0 : i32
    %c0_i32_0 = arith.constant 0 : i32
    %c0_i32_1 = arith.constant 0 : i32
    return %c0_i32, %c0_i32_0 : i32, i32
  }
  func.func @transform_5(%arg0: i32) -> (i32, i32) {
    %c0_i32 = arith.constant 0 : i32
    %c0_i32_0 = arith.constant 0 : i32
    %c0_i32_1 = arith.constant 0 : i32
    return %c0_i32, %c0_i32_0 : i32, i32
  }
  func.func @transform_6(%arg0: i32) -> (i32, i32) {
    %c0_i32 = arith.constant 0 : i32
    %c0_i32_0 = arith.constant 0 : i32
    %c0_i32_1 = arith.constant 0 : i32
    return %c0_i32, %c0_i32_0 : i32, i32
  }
  func.func @transform_7(%arg0: i32) -> (i32, i32) {
    %c0_i32 = arith.constant 0 : i32
    %c0_i32_0 = arith.constant 0 : i32
    return %c0_i32, %arg0 : i32, i32
  }
}

module attributes {stable_mosaic.version = 14 : i64} {
  func.func @body(%arg0: memref<4x64x10000xf32, #tpu.memory_space<vmem>>, %arg1: memref<10000x64xf32, #tpu.memory_space<vmem>>) attributes {dimension_semantics = [], scalar_prefetch = 0 : i64, scratch_operands = 0 : i64, tpu.core_type = #tpu.core_type<tc>} {
    %get3A = arith.constant 0 : index
    %get3A_0 = arith.constant 0 : index
    %get3A_1 = arith.constant 0 : index
    %get3A_2 = vector.load %arg0[%get3A, %get3A_0, %get3A_1] : memref<4x64x10000xf32, #tpu.memory_space<vmem>>, vector<4x64x10000xf32>
    %reduce_max3A = arith.constant dense<0xFF800000> : vector<64x10000xf32>
    %reduce_max3A_3 = vector.multi_reduction <maximumf>, %get3A_2, %reduce_max3A [0] : vector<4x64x10000xf32> to vector<64x10000xf32>
    %transpose3A = tpu.transpose %reduce_max3A_3, [1, 0] : vector<64x10000xf32> -> vector<10000x64xf32>
    %swap3A = arith.constant 0 : index
    %swap3A_4 = arith.constant 0 : index
    %swap3A_5 = vector.load %arg1[%swap3A, %swap3A_4] : memref<10000x64xf32, #tpu.memory_space<vmem>>, vector<10000x64xf32>
    tpu.vector_store %arg1[%swap3A, %swap3A_4], %transpose3A {strides = array<i32>} : memref<10000x64xf32, #tpu.memory_space<vmem>>, vector<10000x64xf32>,
    return
  }
}

</mosaic_0001>

<sc_bundles>
// kernel: kernel.12.cloned.1.call-start
scs
__scs_entry_jumppad:
0x0: {  	(pc) =	sbr.rel $0x88, $3  }
0x1: {  	(tag) =	ssettag $0x0;
	lr =	simm.s32 $0x1  }
0x2: {  	[smem:$0x3F92] =	sst lr;
	_ =	strace $0xD0000000  }
0x3: {  	_ = 	snop  }
0x4: {  	_ = 	snop  }
0x5: {  	_ = 	snop  }
0x6: {  	_ = 	snop  }
0x7: {  	_ = 	snop  }
__scs_overlays_trampoline_lowered:
0x8: {  	[smem:$0x3FA1] =	sst s0  }
0x9: {  	[smem:$0x3FA2] =	sst s1  }
0xa: {  	[smem:$0x3FA3] =	sst s2  }
0xb: {  	[smem:$0x3FA4] =	sst s3  }
0xc: {  	[smem:$0x3FA5] =	sst s4  }
0xd: {  	[smem:$0x3FA6] =	sst s5  }
0xe: {  	[smem:$0x3FA7] =	sst s6  }
0xf: {  	[smem:$0x3FA8] =	sst s7  }
0x10: {  	[smem:$0x3FA9] =	sst s8  }
0x11: {  	[smem:$0x3FAA] =	sst s9;
	s0 =	simm.s32 @!p0 $0x0  }
0x12: {  	s1 =	sld [smem:$0x3F90];
	s0 =	simm.s32 @p0 $0x1  }
0x13: {  	[smem:$0x3FAB] =	sst s0;
	s0 =	simm.s32 @!p1 $0x0  }
0x14: {  	s2 =	sld [smem:$0x3F8F];
	s0 =	simm.s32 @p1 $0x1  }
0x15: {  	[smem:$0x3FAC] =	sst s0;
	s0 =	simm.s32 @!p2 $0x0  }
0x16: {  	s3 =	sld [smem:$0x3FDB];
	s0 =	simm.s32 @p2 $0x1  }
0x17: {  	s4 =	simm.s32 $0x1BF5;
	[smem:$0x3FAE] =	sst s0  }
0x18: {  	s0 =	sld [smem:$0x3F91];
	_ =	swait.ge [sflag:s4], $0x0  }
0x19: {  	s7 =	sld [smem:$0x3F92]  }
0x1a: {  	s8 =	sadd.s32 $0xFFFFE003, lr  }
0x1b: {  	s9 =	sadd.s32 $0xFFFFFEF7, lr;
	s5 =	simm.s32 $0xFFFFFFFF;
	p2 =	slt.u32 s8, $0xFFFFF086  }
0x1c: {  	p1 =	slt.u32 s9, $0xF7A;
	s5 =	simm.s32 @!p2 $0x0  }
0x1d: {  	s5 =	simm.s32 @p1 $0x1;
	p0 =	seq.s32 s7, s2  }
0x1e: {  	s7 =	smul.u32 @!p0 $0xF7A, s2;
	p2 =	seq.s32 @!p0 s5, $0x0  }
0x1f: {  	s9 =	smul.u32 $0xF7A, s1;
	s8 =	simm.s32 @!p0 $0x1BF5;
	p2 =	por !p2, p0  }
0x20: {  	[sflag:s8] =	ssyncset.s32 @!p0 $0xFFFFF086;
	s6 =	sadd.s32 @!p0 s3, s7;
	s7 =	simm.s32 @!p0 $0x108  }
0x21: {  	s3 =	sadd.s32 s3, s9;
	s6 =	sadd.s32 @!p0 $0x88, s6;
	s7 =	simm.s32 @p2 $0x1082  }
0x22: {  	[simem:s7], [sflag:s8] =	dma.local @!p0 [hbm:s6], $0xF7A  }
0x23: {  	s9 =	sor.u32 $0xD0000000, s2;
	s6 =	simm.s32 $0x108;
	_ =	swait.ge @!p0 [sflag:s8], $0x0  }
0x24: {  	s3 =	sadd.s32 $0x88, s3;
	s6 =	simm.s32 @!p1 $0x1082;
	[sflag:s4] =	ssyncset.s32 $0xFFFFF086  }
0x25: {  	[simem:s6], [sflag:s4] =	dma.local [hbm:s3], $0xF7A  }
0x26: {  	[smem:$0x3F92] =	sst s1;
	(tag) =	ssettag s2;
	_ =	strace s9  }
0x27: {  	s1 =	sld [smem:$0x3FA2]  }
0x28: {  	s2 =	sld [smem:$0x3FA3]  }
0x29: {  	s4 =	sld [smem:$0x3FA5]  }
0x2a: {  	p0 =	seq.s32 s5, $0x0;
	s5 =	sld [smem:$0x3FA6]  }
0x2b: {  	s6 =	sld [smem:$0x3FA7]  }
0x2c: {  	s7 =	sld [smem:$0x3FA8]  }
0x2d: {  	s3 =	simm.s32 $0x108;
	s8 =	sld [smem:$0x3FA9]  }
0x2e: {  	s3 =	simm.s32 @!p0 $0x1082;
	s9 =	sld [smem:$0x3FAA]  }
0x2f: {  	lr =	sadd.s32 s0, s3;
	s0 =	sld [smem:$0x3FA1]  }
0x30: {  	s3 =	sld [smem:$0x3FA4]  }
0x31: {  	[smem:$0x3FAD] =	sst s10  }
0x32: {  	s10 =	sld [smem:$0x3FAB];
	_ =	sdelay $0x3  }
0x33: {  	p0 =	seq.s32 s10, $0x1;
	s10 =	sld [smem:$0x3FAD];
	_ =	sdelay $0x3  }
0x34: {  	[smem:$0x3FAD] =	sst s10  }
0x35: {  	s10 =	sld [smem:$0x3FAC];
	_ =	sdelay $0x3  }
0x36: {  	p1 =	seq.s32 s10, $0x1;
	s10 =	sld [smem:$0x3FAD];
	_ =	sdelay $0x3  }
0x37: {  	[smem:$0x3FAD] =	sst s10  }
0x38: {  	s10 =	sld [smem:$0x3FAE]  }
0x39: {  	_ = 	snop;
	(pc) =	sbr.ind lr, $3  }
0x3a: {  	_ = 	snop  }
0x3b: {  	_ = 	snop  }
0x3c: {  	p2 =	seq.s32 s10, $0x1;
	s10 =	sld [smem:$0x3FAD]  }
0x3d: {  	_ =	shalt  }
0x3e: {  	_ =	shalt  }
0x3f: {  	_ =	shalt  }
0x40: {  	_ =	shalt  }
0x41: {  	_ =	shalt  }
0x42: {  	_ =	shalt  }
0x43: {  	_ =	shalt  }
0x44: {  	_ =	shalt  }
0x45: {  	_ =	shalt  }
0x46: {  	_ =	shalt  }
0x47: {  	_ =	shalt  }
0x48: {  	_ =	shalt  }
0x49: {  	_ =	shalt  }
0x4a: {  	_ =	shalt  }
0x4b: {  	_ =	shalt  }
0x4c: {  	_ =	shalt  }
0x4d: {  	_ =	shalt  }
0x4e: {  	_ =	shalt  }
0x4f: {  	_ =	shalt  }
0x50: {  	_ =	shalt  }
0x51: {  	_ =	shalt  }
0x52: {  	_ =	shalt  }
0x53: {  	_ =	shalt  }
0x54: {  	_ =	shalt  }
0x55: {  	_ =	shalt  }
0x56: {  	_ =	shalt  }
0x57: {  	_ =	shalt  }
0x58: {  	_ =	shalt  }
0x59: {  	_ =	shalt  }
0x5a: {  	_ =	shalt  }
0x5b: {  	_ =	shalt  }
0x5c: {  	_ =	shalt  }
0x5d: {  	_ =	shalt  }
0x5e: {  	_ =	shalt  }
0x5f: {  	_ =	shalt  }
0x60: {  	_ =	shalt  }
0x61: {  	_ =	shalt  }
0x62: {  	_ =	shalt  }
0x63: {  	_ =	shalt  }
0x64: {  	_ =	shalt  }
0x65: {  	_ =	shalt  }
0x66: {  	_ =	shalt  }
0x67: {  	_ =	shalt  }
0x68: {  	_ =	shalt  }
0x69: {  	_ =	shalt  }
0x6a: {  	_ =	shalt  }
0x6b: {  	_ =	shalt  }
0x6c: {  	_ =	shalt  }
0x6d: {  	_ =	shalt  }
0x6e: {  	_ =	shalt  }
0x6f: {  	_ =	shalt  }
0x70: {  	_ =	shalt  }
0x71: {  	_ =	shalt  }
0x72: {  	_ =	shalt  }
0x73: {  	_ =	shalt  }
0x74: {  	_ =	shalt  }
0x75: {  	_ =	shalt  }
0x76: {  	_ =	shalt  }
0x77: {  	_ =	shalt  }
0x78: {  	_ =	shalt  }
0x79: {  	_ =	shalt  }
0x7a: {  	_ =	shalt  }
0x7b: {  	_ =	shalt  }
0x7c: {  	_ =	shalt  }
0x7d: {  	_ =	shalt  }
0x7e: {  	_ =	shalt  }
0x7f: {  	_ =	shalt  }
0x80: {  	_ =	shalt  }
0x81: {  	_ =	shalt  }
0x82: {  	_ =	shalt  }
0x83: {  	_ =	shalt  }
0x84: {  	_ =	shalt  }
0x85: {  	_ =	shalt  }
0x86: {  	_ =	shalt  }
0x87: {  	_ =	shalt  }
.Lfunc_end0:
.L_simem_size_0:
called_computation.1_lowered:
.L_overlay_start_0:
0x88: {  	s2 =	sld [smem:$0x3FD9]  }
0x89: {  	s3 =	sld [smem:$0x3FFE];
	_ =	sdelay $0x1  }
0x8a: {  	s1 =	srdreg.scid  }
0x8b: {  	s0 =	sand.u32 $0x1, s1  }
0x8c: {  	s17 =	sshll.u32 s0, $0xA;
	s2 =	sadd.s32 s3, s2  }
0x8d: {  	s2 =	sadd.s32 s2, s17  }
0x8e: {  	[smem:$0x3FB9] =	sst s2  }
0x8f: {  	_ = 	snop  }
0x90: {  	s2 =	sld [smem:$0x3FC6]  }
0x91: {  	s18 =	sld [smem:$0x3FC5]  }
0x92: {  	s4 =	sld [smem:$0x3FD0];
	(tm) =	ssettm $0x1  }
0x93: {  	s5 =	sld [smem:$0x3FFB];
	_ =	sdelay $0x3  }
0x94: {  	_ =	strace s5  }
0x95: {  	s5 =	sld [smem:$0x3FFC];
	_ =	sdelay $0x3  }
0x96: {  	_ =	strace s5  }
0x97: {  	s5 =	sld [smem:$0x3FFD];
	_ =	sdelay $0x3  }
0x98: {  	_ =	strace s5  }
0x99: {  	_ =	strace $0x8FFFFFFF  }
0x9a: {  	s19 =	sld [smem:$0x3FDB];
	_ =	sdelay $0x1  }
0x9b: {  	s6 =	simm.s32 $_scs_section_size  }
0x9c: {  	s7 =	simm.s32 $_size__tile_overlayer_lowered;
	s8 =	simm.s32 $_tile_overlayer_lowered  }
0x9d: {  	s22 =	simm.s32 $0x1BFF;
	s21 =	sshll.u32 s8, $0x1;
	s5 =	sadd.s32 s6, s19  }
0x9e: {  	s9 =	simm.s32 $0x0;
	s20 =	sshll.u32 s7, $0x1;
	s7 =	sadd.s32 s21, s5  }
0x9f: {  	[timem:s9], [sflag:s22] =	dma.local [hbm:s7], s20  }
0xa0: {  	_ =	swait.ge [sflag:s22], s20  }
0xa1: {  	s6 =	ssub.s32 $0x0, s20;
	[sflag:s22] =	ssyncset.done $0x0  }
0xa2: {  	[sflag:s22] =	ssyncadd.s32 s6;
	_ =	sdelay $0x1  }
0xa3: {  	s23 =	simm.s32 $0x1B8B  }
0xa4: {  	_ =	swait.ge [sflag:s23], $0x1  }
0xa5: {  	[sflag:s23] =	ssyncset.done $0x0  }
0xa6: {  	s25 =	simm.s32 $0x1B8E;
	s24 =	sld [smem:$0x3FFE];
	[sflag:s23] =	ssyncadd.s32 $0xFFFFFFFF  }
0xa7: {  	s26 =	simm.s32 $execute0_lowered;
	[smem:$0x3FD2] =	sst s25  }
0xa8: {  	s7 =	sshll.u32 s26, $0x1;
	_ =	strace $0x80000049;
	[dreg:$0x1] =	wrdreg $0xFFFFFFFF  }
0xa9: {  	s28 =	simm.s32 $_size_execute0_lowered;
	s5 =	sadd.s32 s5, s7;
	[dreg:$0x0] =	wrdreg $0x0  }
0xaa: {  	s7 =	sshll.u32 s28, $0x1;
	[dreg:$0x2] =	wrdreg s5  }
0xab: {  	[dreg:$0x3] =	wrdreg s7  }
0xac: {  	[dreg:$0x4] =	wrdreg $0xC0  }
0xad: {  	_ =	task [dreg:s9], $0x5FFFF  }
0xae: {  	[dreg:$0x1] =	wrdreg $0xFFFFFFFF  }
0xaf: {  	[dreg:$0x0] =	wrdreg $0x60  }
0xb0: {  	[dreg:$0x2] =	wrdreg s4  }
0xb1: {  	[dreg:$0x3] =	wrdreg s24  }
0xb2: {  	[dreg:$0x4] =	wrdreg s2  }
0xb3: {  	[dreg:$0x5] =	wrdreg s18  }
0xb4: {  	[dreg:$0x6] =	wrdreg $0x9  }
0xb5: {  	_ =	task.clear_ibuf [dreg:s9], $0x7FFFF;
	_ =	strace $0x90000049  }
0xb6: {  	s29 =	simm.s32 $0x9;
	_ =	strace $0x8000004B  }
0xb7: {  	_ =	swait.ge [sflag:s29], $0x1  }
0xb8: {  	[sflag:s29] =	ssyncadd.s32 $0xFFFFFFFF  }
0xb9: {  	_ =	strace $0x9000004B  }
0xba: {  	_ =	sfence  }
0xbb: {  	s30 =	sld [smem:$0x0];
	_ =	sdelay $0x2  }
0xbc: {  	s31 =	sshll.u32 s1, $0xD;
	s1 =	sshrl.u32 s1, $0x2  }
0xbd: {  	s3 =	sand.u32 $0x4000, s31;
	s1 =	sadd.s32 s1, s30  }
0xbe: {  	s0 =	sor.u32 s3, s0;
	s1 =	sshll.u32 s1, $0x11  }
0xbf: {  	s0 =	sor.u32 s1, s0  }
0xc0: {  	s0 =	sadd.s32 $0x8F2B, s0  }
0xc1: {  	[sflag:s0] =	ssyncadd.remote.s32 $0x1  }
0xc2: {  	_ =	sfence.sel $0xFFFF  }
0xc3: {  	[dreg:$0x0] =	wrdreg $0xFFFFFFFF;
	(pc) =	sbr.abs _section_cstart, $3  }
0xc4: {  	[dreg:$0x1] =	wrdreg $0xFFFFFFFF  }
0xc5: {  	_ =	task.clear_ibuf [dreg:s9], $0x2FFFF;
	_ =	strace $0x9FFFFFFF  }
0xc6: {  	(tm) =	ssettm $0x7FFFFFFF  }
0xc7: {  	_ =	shalt  }
tec
execute0_lowered:
.L_overlay_start_1:
0x0: {  	(tag) =	ssettag $0x1  }
0x1: {  	s1 =	rddreg [dreg:$0x0]  }
0x2: {  	s0 =	rddreg [dreg:$0x1]  }
0x3: {  	s3 =	rddreg [dreg:$0x2]  }
0x4: {  	s5 =	rddreg [dreg:$0x3];
	s2 =	simm.s32 $0x0;
	s4 =	srdreg.scid  }
0x5: {  	s16 =	stileid.u32;
	s17 =	simm.s32 $0x100;
	s18 =	simm.s32 $0x180  }
0x6: {  	s19 =	simm.s32 $0x200;
	s28 =	simm.s32 $0x6400;
	s29 =	simm.s32 $0x2  }
0x7: {  	s30 =	simm.s32 $0x3;
	s31 =	simm.s32 $0x4;
	[smem:$0x7FF] =	sst s2  }
0x8: {  	s6 =	sand.u32 $0x1, s4;
	s4 =	sadd.s32 $0x2600, s0;
	s10 =	sshll.u32 s16, $0x9  }
0x9: {  	s21 =	sshll.u32 s16, $0xC;
	s14 =	sshll.u32 s16, $0x6;
	_ =	strace $0x8000004A  }
0xa: {  	s7 =	sshll.u32 s6, $0x10;
	s20 =	ssub.s32 $0x2, s6;
	s9 =	sshll.u32 s6, $0xD  }
0xb: {  	s15 =	sshll.u32 s6, $0x4;
	s6 =	sshll.u32 s6, $0xA;
	s0 =	sadd.s32 s7, s0  }
0xc: {  	s8 =	sshrl.u32 s20, $0x1;
	s10 =	sor.u32 s10, s9;
	s13 =	sadd.s32 s6, s3  }
0xd: {  	s25 =	sadd.s32 s6, s5;
	s26 =	sor.u32 s15, s16;
	s16 =	simm.s32 $0x80  }
0xe: {  	s7 =	ssub.s32 s20, s8;
	s22 =	sor.u32 $0x180, s10;
	s0 =	sadd.s32 s21, s0  }
0xf: {  	s9 =	sor.u32 $0x100, s10;
	s11 =	sor.u32 $0x80, s10;
	s13 =	sadd.s32 s14, s13  }
0x10: {  	s14 =	sadd.s32 s14, s25;
	[dreg:$0x7] =	wrdreg s26;
	s20 =	simm.s32 $0x280  }
0x11: {  	s21 =	simm.s32 $0x300;
	s25 =	simm.s32 $0x2400;
	s26 =	simm.s32 $0x4400  }
0x12: {  	s7 =	smax.u32 s7, $0x1;
	s8 =	sshrl.u32 s22, $0x3;
	s0 =	sadd.s32 $0x16C00, s0  }
.Ltmp0:
0x13: {  	s23 =	sshrl.u32 s9, $0x3;
	[dreg:$0x5] =	wrdreg s7;
	(pc) =	sbr.rel .LBB2_1-.Ltmp0, $4  }
0x14: {  	s24 =	sshrl.u32 s11, $0x3;
	s22 =	simm.s32 $0x380;
	[dreg:$0x6] =	wrdreg s0  }
0x15: {  	s7 =	sadd.s32 s8, s5;
	s8 =	sadd.s32 s8, s3;
	s9 =	sadd.s32 s23, s5  }
0x16: {  	s10 =	sadd.s32 s23, s3;
	s11 =	sadd.s32 s24, s5;
	s12 =	sadd.s32 s24, s3  }
0x17: {  	s23 =	simm.s32 $0x1;
	s24 =	simm.s32 $0x400;
	s0 =	simm.s32 $0x0  }
.LBB2_5:
0x18: {  	s0 =	sadd.s32 $0x1, s0;
	s3 =	rddreg [dreg:$0x5]  }
0x19: {  	p0 =	sne.s32 s0, s3  }
.Ltmp1:
0x1a: {  	_ = 	snop;
	(pc) =	sbr.rel @!p0 .LBB2_6-.Ltmp1, $1  }
0x1b: {  	_ =	sdelay $0x3  }
.LBB2_1:
.Ltmp2:
0x1c: {  	(pc) =	sbr.rel .LBB2_2-.Ltmp2, $3  }
0x1d: {  	_ =	sdelay $0x1  }
0x1e: {  	s15 =	rddreg [dreg:$0x7]  }
0x1f: {  	s6 =	rddreg [dreg:$0x6];
	s5 =	simm.s32 $0x0  }
.LBB2_4:
0x20: {  	s5 =	sadd.s32 $0x800, s5  }
0x21: {  	p0 =	sne.s32 s5, $0xA000  }
.Ltmp3:
0x22: {  	_ = 	snop;
	(pc) =	sbr.rel @!p0 .LBB2_5-.Ltmp3, $2  }
0x23: {  	_ =	sdelay $0x2  }
0x24: {  	s6 =	sadd.s32 $0x20000, s6;
	s15 =	sadd.s32 $0x20, s15  }
.LBB2_2:
0x25: {  	p0 =	sgt.u32 s15, $0x270  }
.Ltmp4:
0x26: {  	_ = 	snop;
	(pc) =	sbr.rel @p0 .LBB2_4-.Ltmp4, $1  }
0x27: {  	_ =	sdelay $0x3  }
0x28: {  	s3 =	sadd.s32 s5, s13  }
0x29: {  	[tilespmem:s2], [sflag:$0x1] =	stream.linear.gather [hbm4b:s3+s2], $0x80, $0x38;
	[tilespmem:$0x8400] =	vst v63  }
0x2a: {  	s3 =	sadd.s32 s5, s12  }
0x2b: {  	[tilespmem:s16], [sflag:$0x1] =	stream.linear.gather [hbm4b:s3+s2], $0x80, $0x38;
	[tilespmem:$0x8400] =	vst v63  }
0x2c: {  	s3 =	sadd.s32 s5, s10  }
0x2d: {  	[tilespmem:s17], [sflag:$0x1] =	stream.linear.gather [hbm4b:s3+s2], $0x80, $0x38;
	[tilespmem:$0x8400] =	vst v63  }
0x2e: {  	s3 =	sadd.s32 s5, s8  }
0x2f: {  	[tilespmem:s18], [sflag:$0x1] =	stream.linear.gather [hbm4b:s3+s2], $0x80, $0x38;
	[tilespmem:$0x8400] =	vst v63  }
0x30: {  	s3 =	sadd.s32 s5, s14  }
0x31: {  	[tilespmem:s19], [sflag:$0x1] =	stream.linear.gather [hbm4b:s3+s2], $0x80, $0x38;
	[tilespmem:$0x8400] =	vst v63  }
0x32: {  	s3 =	sadd.s32 s5, s11  }
0x33: {  	[tilespmem:s20], [sflag:$0x1] =	stream.linear.gather [hbm4b:s3+s2], $0x80, $0x38;
	[tilespmem:$0x8400] =	vst v63  }
0x34: {  	s3 =	sadd.s32 s5, s9  }
0x35: {  	[tilespmem:s21], [sflag:$0x1] =	stream.linear.gather [hbm4b:s3+s2], $0x80, $0x38;
	[tilespmem:$0x8400] =	vst v63  }
0x36: {  	s3 =	sadd.s32 s5, s7  }
0x37: {  	[tilespmem:s22], [sflag:$0x1] =	stream.linear.gather [hbm4b:s3+s2], $0x80, $0x38;
	[tilespmem:$0x8400] =	vst v63  }
0x38: {  	_ =	swait.ge [sflag:s23], $0x80  }
0x39: {  	[sflag:s23] =	ssyncset.done $0x0  }
0x3a: {  	[sflag:s23] =	ssyncadd.s32 $0xFFFFFF80  }
0x3b: {  	_ =	swait.ge [sflag:s23], $0x80  }
0x3c: {  	[sflag:s23] =	ssyncset.done $0x0  }
0x3d: {  	[sflag:s23] =	ssyncadd.s32 $0xFFFFFF80  }
0x3e: {  	_ =	swait.ge [sflag:s23], $0x80  }
0x3f: {  	[sflag:s23] =	ssyncset.done $0x0  }
0x40: {  	[sflag:s23] =	ssyncadd.s32 $0xFFFFFF80  }
0x41: {  	_ =	swait.ge [sflag:s23], $0x80  }
0x42: {  	[sflag:s23] =	ssyncset.done $0x0  }
0x43: {  	[sflag:s23] =	ssyncadd.s32 $0xFFFFFF80  }
0x44: {  	_ =	swait.ge [sflag:s23], $0x80  }
0x45: {  	[sflag:s23] =	ssyncset.done $0x0  }
0x46: {  	[sflag:s23] =	ssyncadd.s32 $0xFFFFFF80  }
0x47: {  	_ =	swait.ge [sflag:s23], $0x80  }
0x48: {  	[sflag:s23] =	ssyncset.done $0x0  }
0x49: {  	[sflag:s23] =	ssyncadd.s32 $0xFFFFFF80  }
0x4a: {  	_ =	swait.ge [sflag:s23], $0x80  }
0x4b: {  	[sflag:s23] =	ssyncset.done $0x0  }
0x4c: {  	[sflag:s23] =	ssyncadd.s32 $0xFFFFFF80  }
0x4d: {  	_ =	swait.ge [sflag:s23], $0x80  }
0x4e: {  	[sflag:s23] =	ssyncset.done $0x0  }
0x4f: {  	[sflag:s23] =	ssyncadd.s32 $0xFFFFFF80  }
0x50: {  	[tilespmem:s24], [sflag:$0x2] =	stream.indirect.gather [hbm4b:s1+s16], $0x40, s2, s16, $0xb8;
	[tilespmem:$0x8400] =	vst v63  }
0x51: {  	_ = 	snop  }
0x52: {  	[tilespmem:s25], [sflag:$0x2] =	stream.indirect.gather [hbm4b:s1+s16], $0x40, s16, s16, $0xb8;
	[tilespmem:$0x8400] =	vst v63  }
0x53: {  	_ = 	snop  }
0x54: {  	[tilespmem:s26], [sflag:$0x2] =	stream.indirect.gather [hbm4b:s1+s16], $0x40, s17, s16, $0xb8;
	[tilespmem:$0x8400] =	vst v63  }
0x55: {  	_ = 	snop  }
0x56: {  	[tilespmem:s28], [sflag:$0x2] =	stream.indirect.gather [hbm4b:s1+s16], $0x40, s18, s16, $0xb8;
	[tilespmem:$0x8400] =	vst v63  }
0x57: {  	_ =	swait.ge [sflag:s29], $0x2000  }
0x58: {  	[sflag:s29] =	ssyncset.done $0x0  }
0x59: {  	[sflag:s29] =	ssyncadd.s32 $0xFFFFE000  }
0x5a: {  	_ =	swait.ge [sflag:s29], $0x2000  }
0x5b: {  	[sflag:s29] =	ssyncset.done $0x0  }
0x5c: {  	[sflag:s29] =	ssyncadd.s32 $0xFFFFE000  }
0x5d: {  	_ =	swait.ge [sflag:s29], $0x2000  }
0x5e: {  	[sflag:s29] =	ssyncset.done $0x0  }
0x5f: {  	[sflag:s29] =	ssyncadd.s32 $0xFFFFE000  }
0x60: {  	_ =	swait.ge [sflag:s29], $0x2000  }
0x61: {  	[sflag:s29] =	ssyncset.done $0x0  }
0x62: {  	[sflag:s29] =	ssyncadd.s32 $0xFFFFE000  }
0x63: {  	[tilespmem:s24], [sflag:$0x3] =	stream.indirect.gather.add.f32 [hbm:s4], $0x40, s19, s16, $0xb8;
	[tilespmem:$0x8400] =	vst v63  }
0x64: {  	_ = 	snop  }
0x65: {  	[tilespmem:s25], [sflag:$0x3] =	stream.indirect.gather.add.f32 [hbm:s4], $0x40, s20, s16, $0xb8;
	[tilespmem:$0x8400] =	vst v63  }
0x66: {  	_ = 	snop  }
0x67: {  	[tilespmem:s26], [sflag:$0x3] =	stream.indirect.gather.add.f32 [hbm:s4], $0x40, s21, s16, $0xb8;
	[tilespmem:$0x8400] =	vst v63  }
0x68: {  	_ = 	snop  }
0x69: {  	[tilespmem:s28], [sflag:$0x3] =	stream.indirect.gather.add.f32 [hbm:s4], $0x40, s22, s16, $0xb8;
	[tilespmem:$0x8400] =	vst v63  }
0x6a: {  	_ =	swait.ge [sflag:s30], $0x2000  }
0x6b: {  	[sflag:s30] =	ssyncset.done $0x0  }
0x6c: {  	[sflag:s30] =	ssyncadd.s32 $0xFFFFE000  }
0x6d: {  	_ =	swait.ge [sflag:s30], $0x2000  }
0x6e: {  	[sflag:s30] =	ssyncset.done $0x0  }
0x6f: {  	[sflag:s30] =	ssyncadd.s32 $0xFFFFE000  }
0x70: {  	_ =	swait.ge [sflag:s30], $0x2000  }
0x71: {  	[sflag:s30] =	ssyncset.done $0x0  }
0x72: {  	[sflag:s30] =	ssyncadd.s32 $0xFFFFE000  }
0x73: {  	_ =	swait.ge [sflag:s30], $0x2000  }
0x74: {  	[sflag:s30] =	ssyncset.done $0x0  }
0x75: {  	s3 =	sadd.s32 $0xFFFFF400, s6;
	[sflag:s30] =	ssyncadd.s32 $0xFFFFE000  }
0x76: {  	[hbm4b:s3+s2] =	stream.linear.scatter [tilespmem:s24], [sflag:$0x4], $0x2000, $0x38;
	[tilespmem:$0x8400] =	vst v63  }
0x77: {  	s3 =	sadd.s32 $0xFFFFF800, s6  }
0x78: {  	[hbm4b:s3+s2] =	stream.linear.scatter [tilespmem:s25], [sflag:$0x4], $0x2000, $0x38;
	[tilespmem:$0x8400] =	vst v63  }
0x79: {  	s3 =	sadd.s32 $0xFFFFFC00, s6  }
0x7a: {  	[hbm4b:s3+s2] =	stream.linear.scatter [tilespmem:s26], [sflag:$0x4], $0x2000, $0x38;
	[tilespmem:$0x8400] =	vst v63  }
0x7b: {  	_ = 	snop  }
0x7c: {  	[hbm4b:s6+s2] =	stream.linear.scatter [tilespmem:s28], [sflag:$0x4], $0x2000, $0x38;
	[tilespmem:$0x8400] =	vst v63  }
0x7d: {  	_ =	swait.ge [sflag:s31], $0x2000  }
0x7e: {  	[sflag:s31] =	ssyncset.done $0x0  }
0x7f: {  	[sflag:s31] =	ssyncadd.s32 $0xFFFFE000  }
0x80: {  	_ =	swait.ge [sflag:s31], $0x2000  }
0x81: {  	[sflag:s31] =	ssyncset.done $0x0  }
0x82: {  	[sflag:s31] =	ssyncadd.s32 $0xFFFFE000  }
0x83: {  	_ =	swait.ge [sflag:s31], $0x2000  }
.Ltmp5:
0x84: {  	[sflag:s31] =	ssyncset.done $0x0;
	(pc) =	sbr.rel .LBB2_4-.Ltmp5, $4  }
0x85: {  	[sflag:s31] =	ssyncadd.s32 $0xFFFFE000  }
0x86: {  	_ =	swait.ge [sflag:s31], $0x2000  }
0x87: {  	[sflag:s31] =	ssyncset.done $0x0  }
0x88: {  	[sflag:s31] =	ssyncadd.s32 $0xFFFFE000  }
.LBB2_6:
0x89: {  	_ =	sfence.sel $0x180000  }
0x8a: {  	[bflag:$0x0] =	sbarrier.arrive $0xFFFF  }
0x8b: {  	_ =	strace $0x9000004A  }
0x8c: {  	s0 =	stileid.u32;
	[bflag:$0x2] =	sbarrier.arrive $0xFFFF  }
0x8d: {  	p0 =	sne.s32 s0, $0x0;
	s0 =	rddreg [dreg:$0x4]  }
0x8e: {  	s0 =	sadd.s32 @!p0 $0x100000, s0  }
0x8f: {  	[sflag:s0] =	ssyncadd.tile.s32 @!p0 $0x1;
	_ =	shalt  }
.Lfunc_end2:
_tile_overlayer_lowered:
.L_overlay_start_2:
0x90: {  	(tag) =	ssettag $0x2  }
0x91: {  	s0 =	rddreg [dreg:$0x0];
	s2 =	stileid.u32  }
0x92: {  	s1 =	rddreg [dreg:$0x1];
	p0 =	sne.s32 s2, $0x0  }
0x93: {  	s3 =	rddreg [dreg:$0x2];
	[bflag:$0x3] =	sbarrier.arrive $0xFFFF;
	s2 =	simm.s32 @!p0 $0x1C05  }
0x94: {  	[timem:s3], [sflag:s2] =	dma.local @!p0 [hbm:s0], s1  }
0x95: {  	s0 =	simm.s32 @!p0 $0x5  }
0x96: {  	_ =	swait.ge @!p0 [sflag:s0], s1  }
0x97: {  	s1 =	ssub.s32 @!p0 $0x0, s1;
	[sflag:s0] =	ssyncset.done @!p0 $0x0  }
0x98: {  	[sflag:s0] =	ssyncadd.s32 @!p0 s1  }
0x99: {  	[bflag:$0x3] =	sbarrier.arrive $0xFFFF  }
0x9a: {  	_ =	shalt  }

// kernel: kernel.15.cloned.1.call-start
scs
__scs_entry_jumppad:
0x0: {  	(pc) =	sbr.rel $0x88, $3  }
0x1: {  	(tag) =	ssettag $0x0;
	lr =	simm.s32 $0x1  }
0x2: {  	[smem:$0x3F92] =	sst lr;
	_ =	strace $0xD0000000  }
0x3: {  	_ = 	snop  }
0x4: {  	_ = 	snop  }
0x5: {  	_ = 	snop  }
0x6: {  	_ = 	snop  }
0x7: {  	_ = 	snop  }
__scs_overlays_trampoline_lowered:
0x8: {  	[smem:$0x3FA1] =	sst s0  }
0x9: {  	[smem:$0x3FA2] =	sst s1  }
0xa: {  	[smem:$0x3FA3] =	sst s2  }
0xb: {  	[smem:$0x3FA4] =	sst s3  }
0xc: {  	[smem:$0x3FA5] =	sst s4  }
0xd: {  	[smem:$0x3FA6] =	sst s5  }
0xe: {  	[smem:$0x3FA7] =	sst s6  }
0xf: {  	[smem:$0x3FA8] =	sst s7  }
0x10: {  	[smem:$0x3FA9] =	sst s8  }
0x11: {  	[smem:$0x3FAA] =	sst s9;
	s0 =	simm.s32 @!p0 $0x0  }
0x12: {  	s1 =	sld [smem:$0x3F90];
	s0 =	simm.s32 @p0 $0x1  }
0x13: {  	[smem:$0x3FAB] =	sst s0;
	s0 =	simm.s32 @!p1 $0x0  }
0x14: {  	s2 =	sld [smem:$0x3F8F];
	s0 =	simm.s32 @p1 $0x1  }
0x15: {  	[smem:$0x3FAC] =	sst s0;
	s0 =	simm.s32 @!p2 $0x0  }
0x16: {  	s3 =	sld [smem:$0x3FDB];
	s0 =	simm.s32 @p2 $0x1  }
0x17: {  	s4 =	simm.s32 $0x1BF5;
	[smem:$0x3FAE] =	sst s0  }
0x18: {  	s0 =	sld [smem:$0x3F91];
	_ =	swait.ge [sflag:s4], $0x0  }
0x19: {  	s7 =	sld [smem:$0x3F92]  }
0x1a: {  	s8 =	sadd.s32 $0xFFFFE003, lr  }
0x1b: {  	s9 =	sadd.s32 $0xFFFFFEF7, lr;
	s5 =	simm.s32 $0xFFFFFFFF;
	p2 =	slt.u32 s8, $0xFFFFF086  }
0x1c: {  	p1 =	slt.u32 s9, $0xF7A;
	s5 =	simm.s32 @!p2 $0x0  }
0x1d: {  	s5 =	simm.s32 @p1 $0x1;
	p0 =	seq.s32 s7, s2  }
0x1e: {  	s7 =	smul.u32 @!p0 $0xF7A, s2;
	p2 =	seq.s32 @!p0 s5, $0x0  }
0x1f: {  	s9 =	smul.u32 $0xF7A, s1;
	s8 =	simm.s32 @!p0 $0x1BF5;
	p2 =	por !p2, p0  }
0x20: {  	[sflag:s8] =	ssyncset.s32 @!p0 $0xFFFFF086;
	s6 =	sadd.s32 @!p0 s3, s7;
	s7 =	simm.s32 @!p0 $0x108  }
0x21: {  	s3 =	sadd.s32 s3, s9;
	s6 =	sadd.s32 @!p0 $0x88, s6;
	s7 =	simm.s32 @p2 $0x1082  }
0x22: {  	[simem:s7], [sflag:s8] =	dma.local @!p0 [hbm:s6], $0xF7A  }
0x23: {  	s9 =	sor.u32 $0xD0000000, s2;
	s6 =	simm.s32 $0x108;
	_ =	swait.ge @!p0 [sflag:s8], $0x0  }
0x24: {  	s3 =	sadd.s32 $0x88, s3;
	s6 =	simm.s32 @!p1 $0x1082;
	[sflag:s4] =	ssyncset.s32 $0xFFFFF086  }
0x25: {  	[simem:s6], [sflag:s4] =	dma.local [hbm:s3], $0xF7A  }
0x26: {  	[smem:$0x3F92] =	sst s1;
	(tag) =	ssettag s2;
	_ =	strace s9  }
0x27: {  	s1 =	sld [smem:$0x3FA2]  }
0x28: {  	s2 =	sld [smem:$0x3FA3]  }
0x29: {  	s4 =	sld [smem:$0x3FA5]  }
0x2a: {  	p0 =	seq.s32 s5, $0x0;
	s5 =	sld [smem:$0x3FA6]  }
0x2b: {  	s6 =	sld [smem:$0x3FA7]  }
0x2c: {  	s7 =	sld [smem:$0x3FA8]  }
0x2d: {  	s3 =	simm.s32 $0x108;
	s8 =	sld [smem:$0x3FA9]  }
0x2e: {  	s3 =	simm.s32 @!p0 $0x1082;
	s9 =	sld [smem:$0x3FAA]  }
0x2f: {  	lr =	sadd.s32 s0, s3;
	s0 =	sld [smem:$0x3FA1]  }
0x30: {  	s3 =	sld [smem:$0x3FA4]  }
0x31: {  	[smem:$0x3FAD] =	sst s10  }
0x32: {  	s10 =	sld [smem:$0x3FAB];
	_ =	sdelay $0x3  }
0x33: {  	p0 =	seq.s32 s10, $0x1;
	s10 =	sld [smem:$0x3FAD];
	_ =	sdelay $0x3  }
0x34: {  	[smem:$0x3FAD] =	sst s10  }
0x35: {  	s10 =	sld [smem:$0x3FAC];
	_ =	sdelay $0x3  }
0x36: {  	p1 =	seq.s32 s10, $0x1;
	s10 =	sld [smem:$0x3FAD];
	_ =	sdelay $0x3  }
0x37: {  	[smem:$0x3FAD] =	sst s10  }
0x38: {  	s10 =	sld [smem:$0x3FAE]  }
0x39: {  	_ = 	snop;
	(pc) =	sbr.ind lr, $3  }
0x3a: {  	_ = 	snop  }
0x3b: {  	_ = 	snop  }
0x3c: {  	p2 =	seq.s32 s10, $0x1;
	s10 =	sld [smem:$0x3FAD]  }
0x3d: {  	_ =	shalt  }
0x3e: {  	_ =	shalt  }
0x3f: {  	_ =	shalt  }
0x40: {  	_ =	shalt  }
0x41: {  	_ =	shalt  }
0x42: {  	_ =	shalt  }
0x43: {  	_ =	shalt  }
0x44: {  	_ =	shalt  }
0x45: {  	_ =	shalt  }
0x46: {  	_ =	shalt  }
0x47: {  	_ =	shalt  }
0x48: {  	_ =	shalt  }
0x49: {  	_ =	shalt  }
0x4a: {  	_ =	shalt  }
0x4b: {  	_ =	shalt  }
0x4c: {  	_ =	shalt  }
0x4d: {  	_ =	shalt  }
0x4e: {  	_ =	shalt  }
0x4f: {  	_ =	shalt  }
0x50: {  	_ =	shalt  }
0x51: {  	_ =	shalt  }
0x52: {  	_ =	shalt  }
0x53: {  	_ =	shalt  }
0x54: {  	_ =	shalt  }
0x55: {  	_ =	shalt  }
0x56: {  	_ =	shalt  }
0x57: {  	_ =	shalt  }
0x58: {  	_ =	shalt  }
0x59: {  	_ =	shalt  }
0x5a: {  	_ =	shalt  }
0x5b: {  	_ =	shalt  }
0x5c: {  	_ =	shalt  }
0x5d: {  	_ =	shalt  }
0x5e: {  	_ =	shalt  }
0x5f: {  	_ =	shalt  }
0x60: {  	_ =	shalt  }
0x61: {  	_ =	shalt  }
0x62: {  	_ =	shalt  }
0x63: {  	_ =	shalt  }
0x64: {  	_ =	shalt  }
0x65: {  	_ =	shalt  }
0x66: {  	_ =	shalt  }
0x67: {  	_ =	shalt  }
0x68: {  	_ =	shalt  }
0x69: {  	_ =	shalt  }
0x6a: {  	_ =	shalt  }
0x6b: {  	_ =	shalt  }
0x6c: {  	_ =	shalt  }
0x6d: {  	_ =	shalt  }
0x6e: {  	_ =	shalt  }
0x6f: {  	_ =	shalt  }
0x70: {  	_ =	shalt  }
0x71: {  	_ =	shalt  }
0x72: {  	_ =	shalt  }
0x73: {  	_ =	shalt  }
0x74: {  	_ =	shalt  }
0x75: {  	_ =	shalt  }
0x76: {  	_ =	shalt  }
0x77: {  	_ =	shalt  }
0x78: {  	_ =	shalt  }
0x79: {  	_ =	shalt  }
0x7a: {  	_ =	shalt  }
0x7b: {  	_ =	shalt  }
0x7c: {  	_ =	shalt  }
0x7d: {  	_ =	shalt  }
0x7e: {  	_ =	shalt  }
0x7f: {  	_ =	shalt  }
0x80: {  	_ =	shalt  }
0x81: {  	_ =	shalt  }
0x82: {  	_ =	shalt  }
0x83: {  	_ =	shalt  }
0x84: {  	_ =	shalt  }
0x85: {  	_ =	shalt  }
0x86: {  	_ =	shalt  }
0x87: {  	_ =	shalt  }
.Lfunc_end0:
.L_simem_size_0:
called_computation.2_lowered:
.L_overlay_start_0:
0x88: {  	s2 =	sld [smem:$0x3FD9]  }
0x89: {  	s3 =	sld [smem:$0x3FFE];
	_ =	sdelay $0x1  }
0x8a: {  	s1 =	srdreg.scid  }
0x8b: {  	s0 =	sand.u32 $0x1, s1  }
0x8c: {  	s17 =	sshll.u32 s0, $0xA;
	s2 =	sadd.s32 s3, s2  }
0x8d: {  	s2 =	sadd.s32 s2, s17  }
0x8e: {  	[smem:$0x3FB9] =	sst s2  }
0x8f: {  	_ = 	snop  }
0x90: {  	s2 =	sld [smem:$0x3FC5];
	(tm) =	ssettm $0x1  }
0x91: {  	s18 =	sld [smem:$0x3FFB];
	_ =	sdelay $0x3  }
0x92: {  	_ =	strace s18  }
0x93: {  	s3 =	sld [smem:$0x3FFC];
	_ =	sdelay $0x3  }
0x94: {  	_ =	strace s3  }
0x95: {  	s3 =	sld [smem:$0x3FFD];
	_ =	sdelay $0x3  }
0x96: {  	_ =	strace s3  }
0x97: {  	_ =	strace $0x8FFFFFFF  }
0x98: {  	s19 =	sld [smem:$0x3FDB];
	_ =	sdelay $0x1  }
0x99: {  	s4 =	simm.s32 $_scs_section_size  }
0x9a: {  	s5 =	simm.s32 $_size__tile_overlayer_lowered;
	s6 =	simm.s32 $_tile_overlayer_lowered  }
0x9b: {  	s22 =	simm.s32 $0x1BFF;
	s21 =	sshll.u32 s6, $0x1;
	s3 =	sadd.s32 s4, s19  }
0x9c: {  	s7 =	simm.s32 $0x0;
	s20 =	sshll.u32 s5, $0x1;
	s5 =	sadd.s32 s21, s3  }
0x9d: {  	[timem:s7], [sflag:s22] =	dma.local [hbm:s5], s20  }
0x9e: {  	_ =	swait.ge [sflag:s22], s20  }
0x9f: {  	s4 =	ssub.s32 $0x0, s20;
	[sflag:s22] =	ssyncset.done $0x0  }
0xa0: {  	[sflag:s22] =	ssyncadd.s32 s4;
	_ =	sdelay $0x1  }
0xa1: {  	s23 =	simm.s32 $0x1B8B  }
0xa2: {  	_ =	swait.ge [sflag:s23], $0x1  }
0xa3: {  	[sflag:s23] =	ssyncset.done $0x0  }
0xa4: {  	s25 =	simm.s32 $0x1B8E;
	s24 =	sld [smem:$0x3FFE];
	[sflag:s23] =	ssyncadd.s32 $0xFFFFFFFF  }
0xa5: {  	s26 =	simm.s32 $execute0_lowered;
	[smem:$0x3FD2] =	sst s25  }
0xa6: {  	s5 =	sshll.u32 s26, $0x1;
	_ =	strace $0x8000004C;
	[dreg:$0x1] =	wrdreg $0xFFFFFFFF  }
0xa7: {  	s28 =	simm.s32 $_size_execute0_lowered;
	s3 =	sadd.s32 s3, s5;
	[dreg:$0x0] =	wrdreg $0x0  }
0xa8: {  	s5 =	sshll.u32 s28, $0x1;
	[dreg:$0x2] =	wrdreg s3  }
0xa9: {  	[dreg:$0x3] =	wrdreg s5  }
0xaa: {  	[dreg:$0x4] =	wrdreg $0xC0  }
0xab: {  	_ =	task [dreg:s7], $0x5FFFF  }
0xac: {  	[dreg:$0x1] =	wrdreg $0xFFFFFFFF  }
0xad: {  	[dreg:$0x0] =	wrdreg $0x60  }
0xae: {  	[dreg:$0x2] =	wrdreg s24  }
0xaf: {  	[dreg:$0x3] =	wrdreg s2  }
0xb0: {  	[dreg:$0x4] =	wrdreg $0x9  }
0xb1: {  	_ =	task.clear_ibuf [dreg:s7], $0x5FFFF;
	_ =	strace $0x9000004C  }
0xb2: {  	s29 =	simm.s32 $0x9;
	_ =	strace $0x8000004E  }
0xb3: {  	_ =	swait.ge [sflag:s29], $0x1  }
0xb4: {  	[sflag:s29] =	ssyncadd.s32 $0xFFFFFFFF  }
0xb5: {  	_ =	strace $0x9000004E  }
0xb6: {  	_ =	sfence  }
0xb7: {  	s30 =	sld [smem:$0x0];
	_ =	sdelay $0x2  }
0xb8: {  	s31 =	sshll.u32 s1, $0xD;
	s1 =	sshrl.u32 s1, $0x2  }
0xb9: {  	s3 =	sand.u32 $0x4000, s31;
	s1 =	sadd.s32 s1, s30  }
0xba: {  	s0 =	sor.u32 s3, s0;
	s1 =	sshll.u32 s1, $0x11  }
0xbb: {  	s0 =	sor.u32 s1, s0  }
0xbc: {  	s0 =	sadd.s32 $0x8F2B, s0  }
0xbd: {  	[sflag:s0] =	ssyncadd.remote.s32 $0x1  }
0xbe: {  	_ =	sfence.sel $0xFFFF  }
0xbf: {  	[dreg:$0x0] =	wrdreg $0xFFFFFFFF;
	(pc) =	sbr.abs _section_cstart, $3  }
0xc0: {  	[dreg:$0x1] =	wrdreg $0xFFFFFFFF  }
0xc1: {  	_ =	task.clear_ibuf [dreg:s7], $0x2FFFF;
	_ =	strace $0x9FFFFFFF  }
0xc2: {  	(tm) =	ssettm $0x7FFFFFFF  }
0xc3: {  	_ =	shalt  }
tec
execute0_lowered:
.L_overlay_start_1:
0x0: {  	(tag) =	ssettag $0x1  }
0x1: {  	s0 =	srdreg.scid;
	s2 =	stileid.u32  }
0x2: {  	s4 =	simm.s32 $0x1;
	s7 =	rddreg [dreg:$0x0];
	s26 =	simm.s32 $0x0  }
0x3: {  	s5 =	simm.s32 $0x1;
	s17 =	simm.s32 $0x320;
	s0 =	sand.u32 $0x1, s0  }
0x4: {  	s18 =	simm.s32 $0x640;
	s19 =	simm.s32 $0x960;
	s1 =	sshll.u32 s0, $0x4  }
0x5: {  	s20 =	simm.s32 $0xC80;
	s3 =	sand.u32 $0x7, s2;
	s1 =	sor.u32 s2, s1  }
0x6: {  	s21 =	simm.s32 $0xFA0;
	p0 =	sne.s32 s3, $0x0;
	p1 =	seq.s32 s1, $0x0  }
0x7: {  	s22 =	simm.s32 $0x12C0;
	s23 =	simm.s32 $0x15E0;
	p0 =	por !p0, !p1  }
0x8: {  	s24 =	simm.s32 $0x1900;
	s25 =	simm.s32 $0x2;
	p0 =	por !p0, !p0  }
0x9: {  	s28 =	simm.s32 $0x17BB0;
	s1 =	sshrl.u32 s1, $0x3;
	s4 =	simm.s32 @!p0 $0x0  }
0xa: {  	s29 =	simm.s32 $0x1C20;
	s8 =	smul.u32 $0x13880, s3;
	s1 =	ssub.s32 s1, s4  }
0xb: {  	[smem:$0x7FF] =	sst s26;
	s0 =	ssub.s32 $0x2, s0;
	s6 =	smul.u32 $0x9C400, s1  }
0xc: {  	s26 =	simm.s32 $0x154A0;
	s2 =	rddreg [dreg:$0x1];
	s11 =	sshrl.u32 s0, $0x1  }
0xd: {  	_ =	strace $0x8000004D;
	s0 =	ssub.s32 s0, s11;
	s6 =	sadd.s32 s8, s6  }
0xe: {  	s0 =	smax.u32 s0, $0x1;
	s8 =	sshrl.u32 s6, $0x3;
	s6 =	smul.u32 $0x271000, s3  }
.Ltmp0:
0xf: {  	[dreg:$0x4] =	wrdreg s0;
	s4 =	sadd.s32 $0x273600, s7;
	(pc) =	sbr.rel .LBB2_1-.Ltmp0, $4  }
0x10: {  	s30 =	sadd.s32 s8, s7;
	s7 =	smul.u32 $0x13880, s1;
	s8 =	sadd.s32 $0x4E200, s6  }
0x11: {  	s3 =	simm.s32 $0x0;
	s10 =	sadd.s32 $0x138800, s6;
	s11 =	sadd.s32 $0x186A00, s6  }
0x12: {  	v0 =	vimm.s32 $0xFFFFFFFF;
	v1 =	vlaneseq.u32;
	s9 =	sadd.s32 $0x9C400, s6;
	s12 =	sadd.s32 $0x1D4C00, s6;
	s31 =	sadd.s32 $0x2600, s30  }
0x13: {  	v2 =	vimm.f32 $0.0e+00;
	v3 =	vimm.s32 $0x0;
	v4 =	vor.u32 $0x80000000, v1;
	s13 =	sadd.s32 $0xEA600, s6;
	s14 =	sadd.s32 $0x222E00, s6;
	[dreg:$0x3] =	wrdreg s31  }
.LBB2_15:
0x14: {  	s0 =	simm.s32 $0x0;
	s1 =	rddreg [dreg:$0x3];
	s30 =	simm.s32 $0x3  }
0x15: {  	[hbm4b:s1+s0] =	stream.linear.scatter [tilespmem:s29], [sflag:$0x3], $0x13880, $0x38;
	[tilespmem:$0x17BE0] =	vst v63  }
0x16: {  	_ =	swait.ge [sflag:s30], $0x13880  }
0x17: {  	s3 =	rddreg [dreg:$0x5]  }
0x18: {  	s31 =	rddreg [dreg:$0x4];
	s3 =	sadd.s32 $0x1, s3  }
0x19: {  	p0 =	sne.s32 s3, s31  }
.Ltmp1:
0x1a: {  	_ = 	snop;
	(pc) =	sbr.rel @!p0 .LBB2_16-.Ltmp1, $3  }
0x1b: {  	_ =	sdelay $0x1  }
0x1c: {  	[sflag:s30] =	ssyncset.done $0x0  }
0x1d: {  	[sflag:s30] =	ssyncadd.s32 $0xFFFEC780  }
.LBB2_1:
0x1e: {  	[dreg:$0x5] =	wrdreg s3;
	[tilespmem:$0x17BC0] =	vst v0;
	s0 =	simm.s32 $0x40;
	s1 =	simm.s32 $0x0  }
.LBB2_2:
0x1f: {  	p0 =	sne.s32 s0, $0x4E1C0;
	[tilespmem:s1+$0x1C20] =	vst v2;
	s1 =	smov.u32 s0;
	s0 =	sadd.s32 $0x40, s0  }
.Ltmp2:
0x20: {  	(pc) =	sbr.rel @p0 .LBB2_2-.Ltmp2, $2  }
0x21: {  	_ =	sdelay $0x2  }
0x22: {  	s1 =	sshra.s32 s1, $0x2  }
.Ltmp3:
0x23: {  	(pc) =	sbr.rel .LBB2_4-.Ltmp3, $2  }
0x24: {  	_ =	sdelay $0x2  }
0x25: {  	[tilespmem:s1+$0x1C20] =	vst v2;
	s1 =	simm.s32 $0x0;
	s0 =	simm.s32 $0x0  }
.LBB2_14:
0x26: {  	s0 =	sadd.s32 $0x1, s0  }
0x27: {  	p0 =	sne.s32 s0, $0x64  }
.Ltmp4:
0x28: {  	_ = 	snop;
	(pc) =	sbr.rel @!p0 .LBB2_15-.Ltmp4, $1  }
0x29: {  	_ =	sdelay $0x3  }
.LBB2_4:
0x2a: {  	s3 =	smul.u32 $0x320, s0;
	_ =	sdelay $0x1  }
0x2b: {  	s3 =	sadd.s32 s7, s3  }
0x2c: {  	s15 =	sshrl.u32 s3, $0x3  }
0x2d: {  	s31 =	sadd.s32 s6, s3;
	s15 =	sadd.s32 s2, s15  }
0x2e: {  	[tilespmem:s1], [sflag:$0x1] =	stream.linear.gather [hbm4b:s15+s1], $0x320, $0x38;
	[tilespmem:$0x17BE0] =	vst v63  }
0x2f: {  	s15 =	sshrl.u32 s31, $0x3  }
0x30: {  	s16 =	sadd.s32 s8, s3;
	s15 =	sadd.s32 s4, s15  }
0x31: {  	[tilespmem:s17], [sflag:$0x2] =	stream.linear.gather [hbm4b:s15+s1], $0x320, $0x38;
	[tilespmem:$0x17BE0] =	vst v63  }
0x32: {  	s15 =	sshrl.u32 s16, $0x3  }
0x33: {  	s30 =	sadd.s32 s9, s3;
	s15 =	sadd.s32 s4, s15  }
0x34: {  	[tilespmem:s18], [sflag:$0x2] =	stream.linear.gather [hbm4b:s15+s1], $0x320, $0x38;
	[tilespmem:$0x17BE0] =	vst v63  }
0x35: {  	s15 =	sshrl.u32 s30, $0x3  }
0x36: {  	s31 =	sadd.s32 s13, s3;
	s15 =	sadd.s32 s4, s15  }
0x37: {  	[tilespmem:s19], [sflag:$0x2] =	stream.linear.gather [hbm4b:s15+s1], $0x320, $0x38;
	[tilespmem:$0x17BE0] =	vst v63  }
0x38: {  	s15 =	sshrl.u32 s31, $0x3  }
0x39: {  	s16 =	sadd.s32 s10, s3;
	s15 =	sadd.s32 s4, s15  }
0x3a: {  	[tilespmem:s20], [sflag:$0x2] =	stream.linear.gather [hbm4b:s15+s1], $0x320, $0x38;
	[tilespmem:$0x17BE0] =	vst v63  }
0x3b: {  	s15 =	sshrl.u32 s16, $0x3  }
0x3c: {  	s30 =	sadd.s32 s11, s3;
	s15 =	sadd.s32 s4, s15  }
0x3d: {  	[tilespmem:s21], [sflag:$0x2] =	stream.linear.gather [hbm4b:s15+s1], $0x320, $0x38;
	[tilespmem:$0x17BE0] =	vst v63  }
0x3e: {  	s15 =	sshrl.u32 s30, $0x3  }
0x3f: {  	s31 =	sadd.s32 s12, s3;
	s15 =	sadd.s32 s4, s15  }
0x40: {  	[tilespmem:s22], [sflag:$0x2] =	stream.linear.gather [hbm4b:s15+s1], $0x320, $0x38;
	[tilespmem:$0x17BE0] =	vst v63  }
0x41: {  	s3 =	sadd.s32 s14, s3;
	s15 =	sshrl.u32 s31, $0x3  }
0x42: {  	s3 =	sshrl.u32 s3, $0x3;
	s15 =	sadd.s32 s4, s15  }
0x43: {  	[tilespmem:s23], [sflag:$0x2] =	stream.linear.gather [hbm4b:s15+s1], $0x320, $0x38;
	[tilespmem:$0x17BE0] =	vst v63  }
0x44: {  	s3 =	sadd.s32 s4, s3  }
0x45: {  	[tilespmem:s24], [sflag:$0x2] =	stream.linear.gather [hbm4b:s3+s1], $0x320, $0x38;
	[tilespmem:$0x17BE0] =	vst v63  }
0x46: {  	_ =	swait.ge [sflag:s5], $0x320  }
0x47: {  	[sflag:s5] =	ssyncset.done $0x0  }
0x48: {  	[sflag:s5] =	ssyncadd.s32 $0xFFFFFCE0  }
0x49: {  	_ =	swait.ge [sflag:s25], $0x320  }
0x4a: {  	[sflag:s25] =	ssyncset.done $0x0  }
0x4b: {  	[sflag:s25] =	ssyncadd.s32 $0xFFFFFCE0  }
0x4c: {  	_ =	swait.ge [sflag:s25], $0x320  }
0x4d: {  	[sflag:s25] =	ssyncset.done $0x0  }
0x4e: {  	[sflag:s25] =	ssyncadd.s32 $0xFFFFFCE0  }
0x4f: {  	_ =	swait.ge [sflag:s25], $0x320  }
0x50: {  	[sflag:s25] =	ssyncset.done $0x0  }
0x51: {  	[sflag:s25] =	ssyncadd.s32 $0xFFFFFCE0  }
0x52: {  	_ =	swait.ge [sflag:s25], $0x320  }
0x53: {  	[sflag:s25] =	ssyncset.done $0x0  }
0x54: {  	[sflag:s25] =	ssyncadd.s32 $0xFFFFFCE0  }
0x55: {  	_ =	swait.ge [sflag:s25], $0x320  }
0x56: {  	[sflag:s25] =	ssyncset.done $0x0  }
0x57: {  	[sflag:s25] =	ssyncadd.s32 $0xFFFFFCE0  }
0x58: {  	_ =	swait.ge [sflag:s25], $0x320  }
0x59: {  	[sflag:s25] =	ssyncset.done $0x0  }
0x5a: {  	[sflag:s25] =	ssyncadd.s32 $0xFFFFFCE0  }
0x5b: {  	_ =	swait.ge [sflag:s25], $0x320  }
.Ltmp5:
0x5c: {  	[sflag:s25] =	ssyncset.done $0x0;
	(pc) =	sbr.rel .LBB2_5-.Ltmp5, $4  }
0x5d: {  	[sflag:s25] =	ssyncadd.s32 $0xFFFFFCE0  }
0x5e: {  	_ =	swait.ge [sflag:s25], $0x320  }
0x5f: {  	[sflag:s25] =	ssyncset.done $0x0  }
0x60: {  	s3 =	simm.s32 $0x0;
	[sflag:s25] =	ssyncadd.s32 $0xFFFFFCE0  }
.LBB2_12:
0x61: {  	_ =	sdelay $0x2  }
0x62: {  	v6 =	vld [tilespmem:s15+$0x320]  }
0x63: {  	v7 =	vld.idx.msk [tilespmem:v5+s29+$0x0], $0xffff;
	_ =	sdelay $0x2  }
0x64: {  	v8 =	vadd.s32 $0x2710, v5;
	_ =	sdelay $0x1  }
0x65: {  	v6 =	vmax.f32 v7, v6  }
0x66: {  	[tilespmem:v5+s29+$0x0] =	vst.idx.msk $0xffff, v6  }
0x67: {  	v6 =	vld [tilespmem:s15+$0x640]  }
0x68: {  	v7 =	vld.idx.msk [tilespmem:v8+s29+$0x0], $0xffff;
	_ =	sdelay $0x2  }
0x69: {  	v9 =	vadd.s32 $0x4E20, v5;
	_ =	sdelay $0x1  }
0x6a: {  	v6 =	vmax.f32 v7, v6  }
0x6b: {  	[tilespmem:v8+s29+$0x0] =	vst.idx.msk $0xffff, v6  }
0x6c: {  	v6 =	vld [tilespmem:s15+$0x960]  }
0x6d: {  	v7 =	vld.idx.msk [tilespmem:v9+s29+$0x0], $0xffff;
	_ =	sdelay $0x2  }
0x6e: {  	v60 =	vadd.s32 $0x7530, v5;
	_ =	sdelay $0x1  }
0x6f: {  	v6 =	vmax.f32 v7, v6  }
0x70: {  	[tilespmem:v9+s29+$0x0] =	vst.idx.msk $0xffff, v6  }
0x71: {  	v6 =	vld [tilespmem:s15+$0xC80]  }
0x72: {  	v7 =	vld.idx.msk [tilespmem:v60+s29+$0x0], $0xffff;
	_ =	sdelay $0x2  }
0x73: {  	v61 =	vadd.s32 $0x9C40, v5;
	_ =	sdelay $0x1  }
0x74: {  	v6 =	vmax.f32 v7, v6  }
0x75: {  	[tilespmem:v60+s29+$0x0] =	vst.idx.msk $0xffff, v6  }
0x76: {  	v6 =	vld [tilespmem:s15+$0xFA0]  }
0x77: {  	v7 =	vld.idx.msk [tilespmem:v61+s29+$0x0], $0xffff;
	_ =	sdelay $0x2  }
0x78: {  	v62 =	vadd.s32 $0xC350, v5;
	_ =	sdelay $0x1  }
0x79: {  	v6 =	vmax.f32 v7, v6  }
0x7a: {  	[tilespmem:v61+s29+$0x0] =	vst.idx.msk $0xffff, v6  }
0x7b: {  	v6 =	vld [tilespmem:s15+$0x12C0]  }
0x7c: {  	v7 =	vld.idx.msk [tilespmem:v62+s29+$0x0], $0xffff;
	_ =	sdelay $0x2  }
0x7d: {  	v63 =	vadd.s32 $0xEA60, v5;
	_ =	sdelay $0x1  }
0x7e: {  	v6 =	vmax.f32 v7, v6  }
0x7f: {  	[tilespmem:v62+s29+$0x0] =	vst.idx.msk $0xffff, v6  }
0x80: {  	v6 =	vld [tilespmem:s15+$0x15E0]  }
0x81: {  	v7 =	vld.idx.msk [tilespmem:v63+s29+$0x0], $0xffff;
	_ =	sdelay $0x2  }
0x82: {  	v5 =	vadd.s32 $0x11170, v5;
	_ =	sdelay $0x1  }
0x83: {  	v6 =	vmax.f32 v7, v6  }
0x84: {  	[tilespmem:v63+s29+$0x0] =	vst.idx.msk $0xffff, v6  }
0x85: {  	v6 =	vld [tilespmem:s15+$0x1900]  }
0x86: {  	v7 =	vld.idx.msk [tilespmem:v5+s29+$0x0], $0xffff;
	_ =	sdelay $0x4  }
0x87: {  	v6 =	vmax.f32 v7, v6  }
0x88: {  	[tilespmem:v5+s29+$0x0] =	vst.idx.msk $0xffff, v6  }
.LBB2_13:
0x89: {  	s3 =	sadd.s32 $0x1, s3  }
0x8a: {  	p0 =	sne.s32 s3, $0x32  }
.Ltmp6:
0x8b: {  	_ = 	snop;
	(pc) =	sbr.rel @!p0 .LBB2_14-.Ltmp6, $1  }
0x8c: {  	_ =	sdelay $0x3  }
.LBB2_5:
0x8d: {  	s15 =	sshll.u32 s3, $0x4  }
0x8e: {  	v5 =	vld [tilespmem:s15+$0x0];
	_ =	sdelay $0x7  }
0x8f: {  	[tilespmem:v5+s26+$0x0] =	vst.idx.msk $0xffff, v1  }
0x90: {  	v6 =	vld.idx.msk [tilespmem:v5+s26+$0x0], $0xffff;
	_ =	sdelay $0x4  }
0x91: {  	vm0 =	vne.s32 v6, v1  }
0x92: {  	v6 =	vsel vm0, $0x1, v3  }
0x93: {  	v6 =	vor.u32 $0x80000000, v6  }
0x94: {  	(xrf0) =	vmax.scan.msk.u32 $0xffff, v6;
	_ =	sdelay $0x5  }
0x95: {  	v6, _, _ =	vpop (xrf0)  }
0x96: {  	(v2sf) =	vpush v6, $0xF;
	_ =	sdelay $0xe  }
0x97: {  	s16 =	spop (v2sf)  }
0x98: {  	p0 =	slt.u32 s16, $0x80000001  }
.Ltmp7:
0x99: {  	_ = 	snop;
	(pc) =	sbr.rel @p0 .LBB2_12-.Ltmp7, $1  }
0x9a: {  	_ =	sdelay $0x3  }
0x9b: {  	v6 =	vxor.u32 $0x80000000, v5  }
0x9c: {  	(xrf1) =	vsort.ascd.msk.u32 $0xffff, v6, v1;
	_ =	sdelay $0xd  }
0x9d: {  	v6, v7, _ =	vpop (xrf1)  }
0x9e: {  	v6 =	vxor.u32 $0x80000000, v6  }
0x9f: {  	[tilespmem:$0x17BC1] =	vst v6  }
0xa0: {  	v8 =	vld [tilespmem:$0x17BC0];
	_ =	sdelay $0x4  }
0xa1: {  	vm0 =	veq.s32 v6, v8  }
0xa2: {  	v6 =	vsel vm0, $0x80000000, v4  }
0xa3: {  	(xrf0) =	vmax.scan.msk.u32 $0xffff, v6;
	_ =	sdelay $0x5  }
0xa4: {  	v6, _, _ =	vpop (xrf0)  }
0xa5: {  	v6 =	vxor.u32 $0x80000000, v6  }
0xa6: {  	v6 =	vsub.s32 v1, v6  }
0xa7: {  	v63 =	vxor.u32 $0x80000000, v6  }
0xa8: {  	(xrf0) =	vmax.scan.msk.u32 $0xffff, v63;
	_ =	sdelay $0x5  }
0xa9: {  	v8, _, _ =	vpop (xrf0)  }
0xaa: {  	(v2sf) =	vpush v8, $0xF;
	_ =	sdelay $0xe  }
0xab: {  	s16 =	spop (v2sf)  }
0xac: {  	p0 =	sgt.s32 s16, $0xFFFFFFFE  }
.Ltmp8:
0xad: {  	_ = 	snop;
	(pc) =	sbr.rel @p0 .LBB2_13-.Ltmp8, $3  }
0xae: {  	_ =	sdelay $0x1  }
0xaf: {  	[tilespmem:v7+s28+$0x0] =	vst.idx.msk $0xffff, v6  }
0xb0: {  	v13 =	vld [tilespmem:$0x17BB0]  }
0xb1: {  	s16 =	sand.u32 $0x7FFFFFFF, s16  }
0xb2: {  	s16 =	sadd.s32 $0x1, s16  }
0xb3: {  	p1 =	seq.s32 s16, $0x1  }
.Ltmp9:
0xb4: {  	v6 =	vadd.s32 $0x11170, v5;
	(pc) =	sbr.rel @p1 .LBB2_8-.Ltmp9, $4  }
0xb5: {  	_ = 	snop  }
0xb6: {  	v12 =	vadd.s32 $0x2710, v5  }
0xb7: {  	v11 =	vadd.s32 $0x4E20, v5;
	v10 =	vadd.s32 $0x7530, v5;
	v9 =	vadd.s32 $0x9C40, v5;
	s30 =	simm.s32 $0x0  }
0xb8: {  	v8 =	vadd.s32 $0xC350, v5;
	v7 =	vadd.s32 $0xEA60, v5;
	s31 =	simm.s32 $0x1;
	p0 =	por $0x0, $0x0;
	vm1 =	veq.s32 v13, s30  }
0xb9: {  	_ =	sdelay $0x4  }
0xba: {  	v14 =	vld.idx.msk [tilespmem:v5+s29+$0x0], vm1  }
0xbb: {  	v15 =	vld [tilespmem:s15+$0x320];
	_ =	sdelay $0x4  }
0xbc: {  	v14 =	vmax.f32 v14, v15  }
0xbd: {  	[tilespmem:v5+s29+$0x0] =	vst.idx.msk vm1, v14  }
0xbe: {  	v14 =	vld.idx.msk [tilespmem:v12+s29+$0x0], vm1  }
0xbf: {  	v15 =	vld [tilespmem:s15+$0x640];
	_ =	sdelay $0x4  }
0xc0: {  	v14 =	vmax.f32 v14, v15  }
0xc1: {  	[tilespmem:v12+s29+$0x0] =	vst.idx.msk vm1, v14  }
0xc2: {  	v14 =	vld.idx.msk [tilespmem:v11+s29+$0x0], vm1  }
0xc3: {  	v15 =	vld [tilespmem:s15+$0x960];
	_ =	sdelay $0x4  }
0xc4: {  	v14 =	vmax.f32 v14, v15  }
0xc5: {  	[tilespmem:v11+s29+$0x0] =	vst.idx.msk vm1, v14  }
0xc6: {  	v14 =	vld.idx.msk [tilespmem:v10+s29+$0x0], vm1  }
0xc7: {  	v15 =	vld [tilespmem:s15+$0xC80];
	_ =	sdelay $0x4  }
0xc8: {  	v14 =	vmax.f32 v14, v15  }
0xc9: {  	[tilespmem:v10+s29+$0x0] =	vst.idx.msk vm1, v14  }
0xca: {  	v14 =	vld.idx.msk [tilespmem:v9+s29+$0x0], vm1  }
0xcb: {  	v15 =	vld [tilespmem:s15+$0xFA0];
	_ =	sdelay $0x4  }
0xcc: {  	v14 =	vmax.f32 v14, v15  }
0xcd: {  	[tilespmem:v9+s29+$0x0] =	vst.idx.msk vm1, v14  }
0xce: {  	v14 =	vld.idx.msk [tilespmem:v8+s29+$0x0], vm1  }
0xcf: {  	v15 =	vld [tilespmem:s15+$0x12C0];
	_ =	sdelay $0x4  }
0xd0: {  	v14 =	vmax.f32 v14, v15  }
0xd1: {  	[tilespmem:v8+s29+$0x0] =	vst.idx.msk vm1, v14  }
0xd2: {  	v14 =	vld.idx.msk [tilespmem:v7+s29+$0x0], vm1  }
0xd3: {  	v15 =	vld [tilespmem:s15+$0x15E0];
	_ =	sdelay $0x4  }
0xd4: {  	v14 =	vmax.f32 v14, v15  }
0xd5: {  	[tilespmem:v7+s29+$0x0] =	vst.idx.msk vm1, v14  }
0xd6: {  	v14 =	vld.idx.msk [tilespmem:v6+s29+$0x0], vm1  }
0xd7: {  	vm0 =	vmmov vm1;
	p1 =	seq.s32 s16, $0x2;
	v15 =	vld [tilespmem:s15+$0x1900]  }
.Ltmp10:
0xd8: {  	_ = 	snop;
	(pc) =	sbr.rel @p1 .LBB2_11-.Ltmp10, $2  }
0xd9: {  	_ =	sdelay $0x2  }
0xda: {  	s30 =	simm.s32 $0x2;
	p0 =	por $0x1, $0x1;
	vm1 =	veq.s32 v13, s31;
	v14 =	vmax.f32 v14, v15  }
.LBB2_10:
0xdb: {  	[tilespmem:v6+s29+$0x0] =	vst.idx.msk vm0, v14;
	vm0 =	vmmov vm1;
	s31 =	smov.u32 s30;
	s30 =	sadd.s32 $0x1, s30  }
0xdc: {  	p1 =	seq.s32 s16, s30;
	v14 =	vld.idx.msk [tilespmem:v5+s29+$0x0], vm1  }
0xdd: {  	v15 =	vld [tilespmem:s15+$0x320];
	_ =	sdelay $0x4  }
0xde: {  	v14 =	vmax.f32 v14, v15  }
0xdf: {  	[tilespmem:v5+s29+$0x0] =	vst.idx.msk vm1, v14  }
0xe0: {  	v14 =	vld.idx.msk [tilespmem:v12+s29+$0x0], vm1  }
0xe1: {  	v15 =	vld [tilespmem:s15+$0x640];
	_ =	sdelay $0x4  }
0xe2: {  	v14 =	vmax.f32 v14, v15  }
0xe3: {  	[tilespmem:v12+s29+$0x0] =	vst.idx.msk vm1, v14  }
0xe4: {  	v14 =	vld.idx.msk [tilespmem:v11+s29+$0x0], vm1  }
0xe5: {  	v15 =	vld [tilespmem:s15+$0x960];
	_ =	sdelay $0x4  }
0xe6: {  	v14 =	vmax.f32 v14, v15  }
0xe7: {  	[tilespmem:v11+s29+$0x0] =	vst.idx.msk vm1, v14  }
0xe8: {  	v14 =	vld.idx.msk [tilespmem:v10+s29+$0x0], vm1  }
0xe9: {  	v15 =	vld [tilespmem:s15+$0xC80];
	_ =	sdelay $0x4  }
0xea: {  	v14 =	vmax.f32 v14, v15  }
0xeb: {  	[tilespmem:v10+s29+$0x0] =	vst.idx.msk vm1, v14  }
0xec: {  	v14 =	vld.idx.msk [tilespmem:v9+s29+$0x0], vm0  }
0xed: {  	v15 =	vld [tilespmem:s15+$0xFA0];
	_ =	sdelay $0x4  }
0xee: {  	v14 =	vmax.f32 v14, v15  }
0xef: {  	[tilespmem:v9+s29+$0x0] =	vst.idx.msk vm0, v14  }
0xf0: {  	v14 =	vld.idx.msk [tilespmem:v8+s29+$0x0], vm0  }
0xf1: {  	v15 =	vld [tilespmem:s15+$0x12C0];
	_ =	sdelay $0x4  }
0xf2: {  	v14 =	vmax.f32 v14, v15  }
0xf3: {  	[tilespmem:v8+s29+$0x0] =	vst.idx.msk vm0, v14  }
0xf4: {  	v14 =	vld.idx.msk [tilespmem:v7+s29+$0x0], vm0  }
0xf5: {  	v15 =	vld [tilespmem:s15+$0x15E0];
	_ =	sdelay $0x4  }
0xf6: {  	v14 =	vmax.f32 v14, v15  }
0xf7: {  	[tilespmem:v7+s29+$0x0] =	vst.idx.msk vm0, v14  }
0xf8: {  	v14 =	vld.idx.msk [tilespmem:v6+s29+$0x0], vm0  }
0xf9: {  	v15 =	vld [tilespmem:s15+$0x1900]  }
.Ltmp11:
0xfa: {  	vm1 =	veq.s32 v13, s31;
	(pc) =	sbr.rel @!p1 .LBB2_10-.Ltmp11, $2  }
0xfb: {  	_ =	sdelay $0x2  }
0xfc: {  	v14 =	vmax.f32 v14, v15  }
.LBB2_11:
0xfd: {  	_ =	sdelay $0x4  }
0xfe: {  	[tilespmem:v6+s29+$0x0] =	vst.idx.msk @p0 vm0, v14  }
0xff: {  	v13 =	vld.idx.msk [tilespmem:v5+s29+$0x0], vm1  }
0x100: {  	v14 =	vld [tilespmem:s15+$0x320];
	_ =	sdelay $0x4  }
0x101: {  	v13 =	vmax.f32 v13, v14  }
0x102: {  	[tilespmem:v5+s29+$0x0] =	vst.idx.msk vm1, v13  }
0x103: {  	v5 =	vld.idx.msk [tilespmem:v12+s29+$0x0], vm1  }
0x104: {  	v13 =	vld [tilespmem:s15+$0x640];
	_ =	sdelay $0x4  }
0x105: {  	v5 =	vmax.f32 v5, v13  }
0x106: {  	[tilespmem:v12+s29+$0x0] =	vst.idx.msk vm1, v5  }
0x107: {  	v5 =	vld.idx.msk [tilespmem:v11+s29+$0x0], vm1  }
0x108: {  	v12 =	vld [tilespmem:s15+$0x960];
	_ =	sdelay $0x4  }
0x109: {  	v5 =	vmax.f32 v5, v12  }
0x10a: {  	[tilespmem:v11+s29+$0x0] =	vst.idx.msk vm1, v5  }
0x10b: {  	v5 =	vld.idx.msk [tilespmem:v10+s29+$0x0], vm1  }
0x10c: {  	v11 =	vld [tilespmem:s15+$0xC80];
	_ =	sdelay $0x4  }
0x10d: {  	v5 =	vmax.f32 v5, v11  }
0x10e: {  	[tilespmem:v10+s29+$0x0] =	vst.idx.msk vm1, v5  }
0x10f: {  	v5 =	vld.idx.msk [tilespmem:v9+s29+$0x0], vm1  }
0x110: {  	v10 =	vld [tilespmem:s15+$0xFA0];
	_ =	sdelay $0x4  }
0x111: {  	v5 =	vmax.f32 v5, v10  }
0x112: {  	[tilespmem:v9+s29+$0x0] =	vst.idx.msk vm1, v5  }
0x113: {  	v5 =	vld.idx.msk [tilespmem:v8+s29+$0x0], vm1  }
0x114: {  	v9 =	vld [tilespmem:s15+$0x12C0];
	_ =	sdelay $0x4  }
0x115: {  	v5 =	vmax.f32 v5, v9  }
0x116: {  	[tilespmem:v8+s29+$0x0] =	vst.idx.msk vm1, v5  }
0x117: {  	v5 =	vld.idx.msk [tilespmem:v7+s29+$0x0], vm1  }
0x118: {  	v8 =	vld [tilespmem:s15+$0x15E0];
	_ =	sdelay $0x4  }
0x119: {  	v5 =	vmax.f32 v5, v8  }
0x11a: {  	[tilespmem:v7+s29+$0x0] =	vst.idx.msk vm1, v5  }
0x11b: {  	v5 =	vld.idx.msk [tilespmem:v6+s29+$0x0], vm1  }
0x11c: {  	v7 =	vld [tilespmem:s15+$0x1900];
	_ =	sdelay $0x1  }
.Ltmp12:
0x11d: {  	_ = 	snop;
	(pc) =	sbr.rel .LBB2_13-.Ltmp12, $3  }
0x11e: {  	_ =	sdelay $0x1  }
0x11f: {  	v5 =	vmax.f32 v5, v7  }
0x120: {  	vm15 =	vmmov vm1;
	[tilespmem:v6+s29+$0x0] =	vst.idx.msk vm1, v5  }
.LBB2_8:
.Ltmp13:
0x121: {  	(pc) =	sbr.rel .LBB2_11-.Ltmp13, $2  }
0x122: {  	_ =	sdelay $0x2  }
0x123: {  	_ = 	snop  }
.LBB2_16:
0x124: {  	_ =	sfence.sel $0x180000  }
0x125: {  	[bflag:$0x0] =	sbarrier.arrive $0xFFFF  }
0x126: {  	_ =	strace $0x9000004D  }
0x127: {  	s0 =	stileid.u32;
	[bflag:$0x2] =	sbarrier.arrive $0xFFFF  }
0x128: {  	p0 =	sne.s32 s0, $0x0;
	s0 =	rddreg [dreg:$0x2]  }
0x129: {  	s0 =	sadd.s32 @!p0 $0x100000, s0  }
0x12a: {  	[sflag:s0] =	ssyncadd.tile.s32 @!p0 $0x1;
	_ =	shalt  }
.Lfunc_end2:
_tile_overlayer_lowered:
.L_overlay_start_2:
0x12b: {  	(tag) =	ssettag $0x2  }
0x12c: {  	s0 =	rddreg [dreg:$0x0];
	s2 =	stileid.u32  }
0x12d: {  	s1 =	rddreg [dreg:$0x1];
	p0 =	sne.s32 s2, $0x0  }
0x12e: {  	s3 =	rddreg [dreg:$0x2];
	[bflag:$0x3] =	sbarrier.arrive $0xFFFF;
	s2 =	simm.s32 @!p0 $0x1C03  }
0x12f: {  	[timem:s3], [sflag:s2] =	dma.local @!p0 [hbm:s0], s1  }
0x130: {  	s0 =	simm.s32 @!p0 $0x3  }
0x131: {  	_ =	swait.ge @!p0 [sflag:s0], s1  }
0x132: {  	s1 =	ssub.s32 @!p0 $0x0, s1;
	[sflag:s0] =	ssyncset.done @!p0 $0x0  }
0x133: {  	[sflag:s0] =	ssyncadd.s32 @!p0 s1  }
0x134: {  	[bflag:$0x3] =	sbarrier.arrive $0xFFFF  }
0x135: {  	_ =	shalt  }

// kernel: kernel.9.cloned.1.call-start
scs
__scs_entry_jumppad:
0x0: {  	(pc) =	sbr.rel $0x88, $3  }
0x1: {  	(tag) =	ssettag $0x0;
	lr =	simm.s32 $0x1  }
0x2: {  	[smem:$0x3F92] =	sst lr;
	_ =	strace $0xD0000000  }
0x3: {  	_ = 	snop  }
0x4: {  	_ = 	snop  }
0x5: {  	_ = 	snop  }
0x6: {  	_ = 	snop  }
0x7: {  	_ = 	snop  }
__scs_overlays_trampoline_lowered:
0x8: {  	[smem:$0x3FA1] =	sst s0  }
0x9: {  	[smem:$0x3FA2] =	sst s1  }
0xa: {  	[smem:$0x3FA3] =	sst s2  }
0xb: {  	[smem:$0x3FA4] =	sst s3  }
0xc: {  	[smem:$0x3FA5] =	sst s4  }
0xd: {  	[smem:$0x3FA6] =	sst s5  }
0xe: {  	[smem:$0x3FA7] =	sst s6  }
0xf: {  	[smem:$0x3FA8] =	sst s7  }
0x10: {  	[smem:$0x3FA9] =	sst s8  }
0x11: {  	[smem:$0x3FAA] =	sst s9;
	s0 =	simm.s32 @!p0 $0x0  }
0x12: {  	s1 =	sld [smem:$0x3F90];
	s0 =	simm.s32 @p0 $0x1  }
0x13: {  	[smem:$0x3FAB] =	sst s0;
	s0 =	simm.s32 @!p1 $0x0  }
0x14: {  	s2 =	sld [smem:$0x3F8F];
	s0 =	simm.s32 @p1 $0x1  }
0x15: {  	[smem:$0x3FAC] =	sst s0;
	s0 =	simm.s32 @!p2 $0x0  }
0x16: {  	s3 =	sld [smem:$0x3FDB];
	s0 =	simm.s32 @p2 $0x1  }
0x17: {  	s4 =	simm.s32 $0x1BF5;
	[smem:$0x3FAE] =	sst s0  }
0x18: {  	s0 =	sld [smem:$0x3F91];
	_ =	swait.ge [sflag:s4], $0x0  }
0x19: {  	s7 =	sld [smem:$0x3F92]  }
0x1a: {  	s8 =	sadd.s32 $0xFFFFE003, lr  }
0x1b: {  	s9 =	sadd.s32 $0xFFFFFEF7, lr;
	s5 =	simm.s32 $0xFFFFFFFF;
	p2 =	slt.u32 s8, $0xFFFFF086  }
0x1c: {  	p1 =	slt.u32 s9, $0xF7A;
	s5 =	simm.s32 @!p2 $0x0  }
0x1d: {  	s5 =	simm.s32 @p1 $0x1;
	p0 =	seq.s32 s7, s2  }
0x1e: {  	s7 =	smul.u32 @!p0 $0xF7A, s2;
	p2 =	seq.s32 @!p0 s5, $0x0  }
0x1f: {  	s9 =	smul.u32 $0xF7A, s1;
	s8 =	simm.s32 @!p0 $0x1BF5;
	p2 =	por !p2, p0  }
0x20: {  	[sflag:s8] =	ssyncset.s32 @!p0 $0xFFFFF086;
	s6 =	sadd.s32 @!p0 s3, s7;
	s7 =	simm.s32 @!p0 $0x108  }
0x21: {  	s3 =	sadd.s32 s3, s9;
	s6 =	sadd.s32 @!p0 $0x88, s6;
	s7 =	simm.s32 @p2 $0x1082  }
0x22: {  	[simem:s7], [sflag:s8] =	dma.local @!p0 [hbm:s6], $0xF7A  }
0x23: {  	s9 =	sor.u32 $0xD0000000, s2;
	s6 =	simm.s32 $0x108;
	_ =	swait.ge @!p0 [sflag:s8], $0x0  }
0x24: {  	s3 =	sadd.s32 $0x88, s3;
	s6 =	simm.s32 @!p1 $0x1082;
	[sflag:s4] =	ssyncset.s32 $0xFFFFF086  }
0x25: {  	[simem:s6], [sflag:s4] =	dma.local [hbm:s3], $0xF7A  }
0x26: {  	[smem:$0x3F92] =	sst s1;
	(tag) =	ssettag s2;
	_ =	strace s9  }
0x27: {  	s1 =	sld [smem:$0x3FA2]  }
0x28: {  	s2 =	sld [smem:$0x3FA3]  }
0x29: {  	s4 =	sld [smem:$0x3FA5]  }
0x2a: {  	p0 =	seq.s32 s5, $0x0;
	s5 =	sld [smem:$0x3FA6]  }
0x2b: {  	s6 =	sld [smem:$0x3FA7]  }
0x2c: {  	s7 =	sld [smem:$0x3FA8]  }
0x2d: {  	s3 =	simm.s32 $0x108;
	s8 =	sld [smem:$0x3FA9]  }
0x2e: {  	s3 =	simm.s32 @!p0 $0x1082;
	s9 =	sld [smem:$0x3FAA]  }
0x2f: {  	lr =	sadd.s32 s0, s3;
	s0 =	sld [smem:$0x3FA1]  }
0x30: {  	s3 =	sld [smem:$0x3FA4]  }
0x31: {  	[smem:$0x3FAD] =	sst s10  }
0x32: {  	s10 =	sld [smem:$0x3FAB];
	_ =	sdelay $0x3  }
0x33: {  	p0 =	seq.s32 s10, $0x1;
	s10 =	sld [smem:$0x3FAD];
	_ =	sdelay $0x3  }
0x34: {  	[smem:$0x3FAD] =	sst s10  }
0x35: {  	s10 =	sld [smem:$0x3FAC];
	_ =	sdelay $0x3  }
0x36: {  	p1 =	seq.s32 s10, $0x1;
	s10 =	sld [smem:$0x3FAD];
	_ =	sdelay $0x3  }
0x37: {  	[smem:$0x3FAD] =	sst s10  }
0x38: {  	s10 =	sld [smem:$0x3FAE]  }
0x39: {  	_ = 	snop;
	(pc) =	sbr.ind lr, $3  }
0x3a: {  	_ = 	snop  }
0x3b: {  	_ = 	snop  }
0x3c: {  	p2 =	seq.s32 s10, $0x1;
	s10 =	sld [smem:$0x3FAD]  }
0x3d: {  	_ =	shalt  }
0x3e: {  	_ =	shalt  }
0x3f: {  	_ =	shalt  }
0x40: {  	_ =	shalt  }
0x41: {  	_ =	shalt  }
0x42: {  	_ =	shalt  }
0x43: {  	_ =	shalt  }
0x44: {  	_ =	shalt  }
0x45: {  	_ =	shalt  }
0x46: {  	_ =	shalt  }
0x47: {  	_ =	shalt  }
0x48: {  	_ =	shalt  }
0x49: {  	_ =	shalt  }
0x4a: {  	_ =	shalt  }
0x4b: {  	_ =	shalt  }
0x4c: {  	_ =	shalt  }
0x4d: {  	_ =	shalt  }
0x4e: {  	_ =	shalt  }
0x4f: {  	_ =	shalt  }
0x50: {  	_ =	shalt  }
0x51: {  	_ =	shalt  }
0x52: {  	_ =	shalt  }
0x53: {  	_ =	shalt  }
0x54: {  	_ =	shalt  }
0x55: {  	_ =	shalt  }
0x56: {  	_ =	shalt  }
0x57: {  	_ =	shalt  }
0x58: {  	_ =	shalt  }
0x59: {  	_ =	shalt  }
0x5a: {  	_ =	shalt  }
0x5b: {  	_ =	shalt  }
0x5c: {  	_ =	shalt  }
0x5d: {  	_ =	shalt  }
0x5e: {  	_ =	shalt  }
0x5f: {  	_ =	shalt  }
0x60: {  	_ =	shalt  }
0x61: {  	_ =	shalt  }
0x62: {  	_ =	shalt  }
0x63: {  	_ =	shalt  }
0x64: {  	_ =	shalt  }
0x65: {  	_ =	shalt  }
0x66: {  	_ =	shalt  }
0x67: {  	_ =	shalt  }
0x68: {  	_ =	shalt  }
0x69: {  	_ =	shalt  }
0x6a: {  	_ =	shalt  }
0x6b: {  	_ =	shalt  }
0x6c: {  	_ =	shalt  }
0x6d: {  	_ =	shalt  }
0x6e: {  	_ =	shalt  }
0x6f: {  	_ =	shalt  }
0x70: {  	_ =	shalt  }
0x71: {  	_ =	shalt  }
0x72: {  	_ =	shalt  }
0x73: {  	_ =	shalt  }
0x74: {  	_ =	shalt  }
0x75: {  	_ =	shalt  }
0x76: {  	_ =	shalt  }
0x77: {  	_ =	shalt  }
0x78: {  	_ =	shalt  }
0x79: {  	_ =	shalt  }
0x7a: {  	_ =	shalt  }
0x7b: {  	_ =	shalt  }
0x7c: {  	_ =	shalt  }
0x7d: {  	_ =	shalt  }
0x7e: {  	_ =	shalt  }
0x7f: {  	_ =	shalt  }
0x80: {  	_ =	shalt  }
0x81: {  	_ =	shalt  }
0x82: {  	_ =	shalt  }
0x83: {  	_ =	shalt  }
0x84: {  	_ =	shalt  }
0x85: {  	_ =	shalt  }
0x86: {  	_ =	shalt  }
0x87: {  	_ =	shalt  }
.Lfunc_end0:
.L_simem_size_0:
called_computation_lowered:
.L_overlay_start_0:
0x88: {  	s2 =	sld [smem:$0x3FD9]  }
0x89: {  	s3 =	sld [smem:$0x3FFE];
	_ =	sdelay $0x1  }
0x8a: {  	s1 =	srdreg.scid  }
0x8b: {  	s0 =	sand.u32 $0x1, s1  }
0x8c: {  	s17 =	sshll.u32 s0, $0xA;
	s2 =	sadd.s32 s3, s2  }
0x8d: {  	s2 =	sadd.s32 s2, s17  }
0x8e: {  	[smem:$0x3FB9] =	sst s2  }
0x8f: {  	_ = 	snop  }
0x90: {  	s2 =	sld [smem:$0x3FC6]  }
0x91: {  	s18 =	sld [smem:$0x3FC5]  }
0x92: {  	s4 =	sld [smem:$0x3FD0];
	(tm) =	ssettm $0x1  }
0x93: {  	s5 =	sld [smem:$0x3FFB];
	_ =	sdelay $0x3  }
0x94: {  	_ =	strace s5  }
0x95: {  	s5 =	sld [smem:$0x3FFC];
	_ =	sdelay $0x3  }
0x96: {  	_ =	strace s5  }
0x97: {  	s5 =	sld [smem:$0x3FFD];
	_ =	sdelay $0x3  }
0x98: {  	_ =	strace s5  }
0x99: {  	_ =	strace $0x8FFFFFFF  }
0x9a: {  	s19 =	sld [smem:$0x3FDB];
	_ =	sdelay $0x1  }
0x9b: {  	s6 =	simm.s32 $_scs_section_size  }
0x9c: {  	s7 =	simm.s32 $_size__tile_overlayer_lowered;
	s8 =	simm.s32 $_tile_overlayer_lowered  }
0x9d: {  	s22 =	simm.s32 $0x1BFF;
	s21 =	sshll.u32 s8, $0x1;
	s5 =	sadd.s32 s6, s19  }
0x9e: {  	s9 =	simm.s32 $0x0;
	s20 =	sshll.u32 s7, $0x1;
	s7 =	sadd.s32 s21, s5  }
0x9f: {  	[timem:s9], [sflag:s22] =	dma.local [hbm:s7], s20  }
0xa0: {  	_ =	swait.ge [sflag:s22], s20  }
0xa1: {  	s6 =	ssub.s32 $0x0, s20;
	[sflag:s22] =	ssyncset.done $0x0  }
0xa2: {  	[sflag:s22] =	ssyncadd.s32 s6;
	_ =	sdelay $0x1  }
0xa3: {  	s23 =	simm.s32 $0x1B8B  }
0xa4: {  	_ =	swait.ge [sflag:s23], $0x1  }
0xa5: {  	[sflag:s23] =	ssyncset.done $0x0  }
0xa6: {  	s25 =	simm.s32 $0x1B8E;
	s24 =	sld [smem:$0x3FFE];
	[sflag:s23] =	ssyncadd.s32 $0xFFFFFFFF  }
0xa7: {  	s26 =	simm.s32 $execute0_lowered;
	[smem:$0x3FD2] =	sst s25  }
0xa8: {  	s7 =	sshll.u32 s26, $0x1;
	_ =	strace $0x80000046;
	[dreg:$0x1] =	wrdreg $0xFFFFFFFF  }
0xa9: {  	s28 =	simm.s32 $_size_execute0_lowered;
	s5 =	sadd.s32 s5, s7;
	[dreg:$0x0] =	wrdreg $0x0  }
0xaa: {  	s7 =	sshll.u32 s28, $0x1;
	[dreg:$0x2] =	wrdreg s5  }
0xab: {  	[dreg:$0x3] =	wrdreg s7  }
0xac: {  	[dreg:$0x4] =	wrdreg $0xC0  }
0xad: {  	_ =	task [dreg:s9], $0x5FFFF  }
0xae: {  	[dreg:$0x1] =	wrdreg $0xFFFFFFFF  }
0xaf: {  	[dreg:$0x0] =	wrdreg $0x60  }
0xb0: {  	[dreg:$0x2] =	wrdreg s4  }
0xb1: {  	[dreg:$0x3] =	wrdreg s24  }
0xb2: {  	[dreg:$0x4] =	wrdreg s2  }
0xb3: {  	[dreg:$0x5] =	wrdreg s18  }
0xb4: {  	[dreg:$0x6] =	wrdreg $0x9  }
0xb5: {  	_ =	task.clear_ibuf [dreg:s9], $0x7FFFF;
	_ =	strace $0x90000046  }
0xb6: {  	s29 =	simm.s32 $0x9;
	_ =	strace $0x80000048  }
0xb7: {  	_ =	swait.ge [sflag:s29], $0x1  }
0xb8: {  	[sflag:s29] =	ssyncadd.s32 $0xFFFFFFFF  }
0xb9: {  	_ =	strace $0x90000048  }
0xba: {  	_ =	sfence  }
0xbb: {  	s30 =	sld [smem:$0x0];
	_ =	sdelay $0x2  }
0xbc: {  	s31 =	sshll.u32 s1, $0xD;
	s1 =	sshrl.u32 s1, $0x2  }
0xbd: {  	s3 =	sand.u32 $0x4000, s31;
	s1 =	sadd.s32 s1, s30  }
0xbe: {  	s0 =	sor.u32 s3, s0;
	s1 =	sshll.u32 s1, $0x11  }
0xbf: {  	s0 =	sor.u32 s1, s0  }
0xc0: {  	s0 =	sadd.s32 $0x8F2B, s0  }
0xc1: {  	[sflag:s0] =	ssyncadd.remote.s32 $0x1  }
0xc2: {  	_ =	sfence.sel $0xFFFF  }
0xc3: {  	[dreg:$0x0] =	wrdreg $0xFFFFFFFF;
	(pc) =	sbr.abs _section_cstart, $3  }
0xc4: {  	[dreg:$0x1] =	wrdreg $0xFFFFFFFF  }
0xc5: {  	_ =	task.clear_ibuf [dreg:s9], $0x2FFFF;
	_ =	strace $0x9FFFFFFF  }
0xc6: {  	(tm) =	ssettm $0x7FFFFFFF  }
0xc7: {  	_ =	shalt  }
tec
execute0_lowered:
.L_overlay_start_1:
0x0: {  	(tag) =	ssettag $0x1  }
0x1: {  	s0 =	rddreg [dreg:$0x0]  }
0x2: {  	s7 =	rddreg [dreg:$0x1]  }
0x3: {  	s1 =	srdreg.scid;
	s3 =	rddreg [dreg:$0x2]  }
0x4: {  	s4 =	rddreg [dreg:$0x3];
	s2 =	stileid.u32;
	s5 =	simm.s32 $0x0  }
0x5: {  	s11 =	simm.s32 $0x1;
	s12 =	simm.s32 $0x2;
	s13 =	simm.s32 $0x13880  }
0x6: {  	s14 =	simm.s32 $0x3;
	s15 =	simm.s32 $0x14050;
	s6 =	sand.u32 $0x1, s1  }
0x7: {  	s16 =	simm.s32 $0x14820;
	s17 =	simm.s32 $0x0;
	s8 =	sshll.u32 s6, $0x4  }
0x8: {  	s21 =	simm.s32 $0x0;
	s1 =	rddreg [dreg:$0x4];
	s8 =	sor.u32 s2, s8  }
0x9: {  	[smem:$0x7FF] =	sst s5;
	s10 =	ssub.s32 $0x2, s6;
	s9 =	smul.u32 $0x12, s8  }
0xa: {  	_ =	strace $0x80000047;
	s6 =	sadd.s32 $0x2600, s7;
	s31 =	sshrl.u32 s10, $0x1  }
0xb: {  	s10 =	ssub.s32 s10, s31;
	s9 =	sadd.s32 s9, s7;
	s7 =	smul.u32 $0x2710, s8  }
0xc: {  	s8 =	sadd.s32 $0x3A00, s9;
	s9 =	smax.u32 s10, $0x1;
	s10 =	simm.s32 $0x9C40  }
.LBB2_1:
0xd: {  	[tilespmem:s5], [sflag:$0x1] =	stream.linear.gather [hbm4b:s0+s5], $0x9C40, $0x38;
	[tilespmem:$0x148B0] =	vst v63  }
0xe: {  	_ = 	snop  }
0xf: {  	[tilespmem:s10], [sflag:$0x2] =	stream.linear.gather [hbm4b:s6+s5], $0x9C40, $0x38;
	[tilespmem:$0x148B0] =	vst v63  }
0x10: {  	_ =	swait.ge [sflag:s11], $0x9C40  }
0x11: {  	[sflag:s11] =	ssyncset.done $0x0  }
0x12: {  	[sflag:s11] =	ssyncadd.s32 $0xFFFF63C0  }
0x13: {  	v2 =	vimm.f32 $0.0e+00;
	v1 =	vimm.f32 $0.0e+00;
	v0 =	vimm.f32 $0.0e+00;
	_ =	swait.ge [sflag:s12], $0x9C40  }
0x14: {  	v4 =	vimm.f32 $0.0e+00;
	v3 =	vimm.f32 $0.0e+00;
	v5 =	vimm.f32 $0.0e+00;
	[sflag:s12] =	ssyncset.done $0x0  }
0x15: {  	v7 =	vimm.f32 $0.0e+00;
	v6 =	vimm.f32 $0.0e+00;
	v8 =	vimm.f32 $0.0e+00;
	s18 =	simm.s32 $0x0;
	[sflag:s12] =	ssyncadd.s32 $0xFFFF63C0  }
.LBB2_2:
0x16: {  	s19 =	smul.u32 $0x7D0, s18;
	_ =	sdelay $0x1  }
0x17: {  	s19 =	sadd.s32 s7, s19  }
0x18: {  	s19 =	sshrl.u32 s19, $0x3  }
0x19: {  	s20 =	sadd.s32 s3, s19  }
0x1a: {  	[tilespmem:s13], [sflag:$0x3] =	stream.linear.gather [hbm4b:s20+s21], $0x7D0, $0x38;
	[tilespmem:$0x148B0] =	vst v63  }
0x1b: {  	_ =	swait.ge [sflag:s14], $0x7D0  }
0x1c: {  	[sflag:s14] =	ssyncset.done $0x0  }
0x1d: {  	s19 =	sadd.s32 s4, s19;
	[sflag:s14] =	ssyncadd.s32 $0xFFFFF830  }
0x1e: {  	[tilespmem:s15], [sflag:$0x3] =	stream.linear.gather [hbm4b:s19+s21], $0x7D0, $0x38;
	[tilespmem:$0x148B0] =	vst v63  }
0x1f: {  	_ =	swait.ge [sflag:s14], $0x7D0  }
0x20: {  	[sflag:s14] =	ssyncset.done $0x0  }
0x21: {  	s28 =	simm.s32 $0x0;
	[sflag:s14] =	ssyncadd.s32 $0xFFFFF830  }
0x22: {  	v9 =	vld [tilespmem:s28+$0x14050];
	_ =	sdelay $0x2  }
0x23: {  	v10 =	vld [tilespmem:s28+$0x13880];
	_ =	sdelay $0x1  }
0x24: {  	v9 =	vshll.u32 v9, $0x2  }
0x25: {  	s29 =	simm.s32 $0x10;
	v11 =	vor.u32 $0x1, v9  }
0x26: {  	v14 =	vld [tilespmem:s29+$0x14050];
	v12 =	vor.u32 $0x3, v9  }
0x27: {  	s30 =	simm.s32 $0x20;
	v16 =	vld [tilespmem:s29+$0x13880];
	v10 =	vshll.u32 v10, $0x2;
	v9 =	vor.u32 $0x2, v9  }
0x28: {  	v19 =	vld [tilespmem:s30+$0x14050];
	v13 =	vor.u32 $0x3, v10  }
0x29: {  	v22 =	vld [tilespmem:s30+$0x13880];
	v15 =	vor.u32 $0x1, v10  }
0x2a: {  	v10 =	vor.u32 $0x2, v10;
	v11 =	vld.idx.msk [tilespmem:v11+s10+$0x0], $0xffff  }
0x2b: {  	v12 =	vld.idx.msk [tilespmem:v12+s10+$0x0], $0xffff  }
0x2c: {  	v14 =	vshll.u32 v14, $0x2;
	v9 =	vld.idx.msk [tilespmem:v9+s10+$0x0], $0xffff  }
0x2d: {  	v17 =	vor.u32 $0x1, v14;
	v13 =	vld.idx.msk [tilespmem:v13+s5+$0x0], $0xffff  }
0x2e: {  	v16 =	vshll.u32 v16, $0x2;
	v18 =	vor.u32 $0x3, v14;
	v15 =	vld.idx.msk [tilespmem:v15+s5+$0x0], $0xffff  }
0x2f: {  	v20 =	vor.u32 $0x3, v16;
	v10 =	vld.idx.msk [tilespmem:v10+s5+$0x0], $0xffff  }
0x30: {  	s31 =	simm.s32 $0x30;
	v14 =	vor.u32 $0x2, v14  }
0x31: {  	v29 =	vld [tilespmem:s31+$0x14050];
	v21 =	vor.u32 $0x1, v16  }
0x32: {  	v16 =	vor.u32 $0x2, v16;
	v17 =	vld.idx.msk [tilespmem:v17+s10+$0x0], $0xffff  }
0x33: {  	v18 =	vld.idx.msk [tilespmem:v18+s10+$0x0], $0xffff;
	v12 =	vsub.f32 v13, v12;
	v11 =	vsub.f32 v15, v11  }
0x34: {  	v10 =	vsub.f32 v10, v9;
	v9 =	vshll.u32 v19, $0x2;
	v15 =	vld.idx.msk [tilespmem:v20+s5+$0x0], $0xffff;
	v20 =	vshll.u32 v22, $0x2  }
0x35: {  	v23 =	vld.idx.msk [tilespmem:v14+s10+$0x0], $0xffff;
	v13 =	vor.u32 $0x1, v9;
	v24 =	vor.u32 $0x2, v9;
	v26 =	vor.u32 $0x2, v20  }
0x36: {  	v21 =	vld.idx.msk [tilespmem:v21+s5+$0x0], $0xffff;
	v27 =	vor.u32 $0x3, v20;
	v14 =	vmul.f32 v12, v12;
	v19 =	vadd.f32 v12, v7  }
0x37: {  	v16 =	vld.idx.msk [tilespmem:v16+s5+$0x0], $0xffff;
	v7 =	vmul.f32 v11, v11;
	v22 =	vadd.f32 v11, v8;
	v25 =	vmul.f32 v12, v11  }
0x38: {  	v30 =	vld [tilespmem:s31+$0x13880];
	v8 =	vor.u32 $0x3, v9;
	v28 =	vmul.f32 v10, v10;
	v6 =	vadd.f32 v10, v6  }
0x39: {  	v20 =	vor.u32 $0x1, v20;
	v9 =	vadd.f32 v7, v5;
	v5 =	vadd.f32 v25, v2  }
0x3a: {  	v4 =	vadd.f32 v14, v4;
	v14 =	vmul.f32 v10, v11;
	v3 =	vadd.f32 v28, v3;
	v13 =	vld.idx.msk [tilespmem:v13+s10+$0x0], $0xffff  }
0x3b: {  	v25 =	vshll.u32 v29, $0x2;
	v2 =	vsub.f32 v15, v18;
	v18 =	vmul.f32 v12, v10;
	v7 =	vld.idx.msk [tilespmem:v24+s10+$0x0], $0xffff  }
0x3c: {  	v15 =	vsub.f32 v21, v17;
	v12 =	vsub.f32 v16, v23;
	v21 =	vor.u32 $0x1, v25;
	v17 =	vld.idx.msk [tilespmem:v27+s5+$0x0], $0xffff  }
0x3d: {  	v24 =	vshll.u32 v30, $0x2;
	v10 =	vld.idx.msk [tilespmem:v8+s10+$0x0], $0xffff;
	v16 =	vmul.f32 v2, v2;
	v1 =	vadd.f32 v18, v1  }
0x3e: {  	v8 =	vadd.f32 v2, v19;
	v23 =	vmul.f32 v15, v15;
	v18 =	vld.idx.msk [tilespmem:v20+s5+$0x0], $0xffff;
	v11 =	vadd.f32 v15, v22  }
0x3f: {  	s19 =	simm.s32 $0x100;
	v20 =	vor.u32 $0x2, v25;
	v22 =	vor.u32 $0x3, v25;
	v19 =	vld.idx.msk [tilespmem:v26+s5+$0x0], $0xffff;
	v25 =	vmul.f32 v2, v15  }
.LBB2_3:
0x40: {  	s20 =	sshra.s32 s19, $0x2;
	p0 =	sne.s32 s19, $0x1F00;
	s19 =	sadd.s32 $0x40, s19;
	v26 =	vor.u32 $0x2, v24;
	v27 =	vor.u32 $0x3, v24;
	v28 =	vmul.f32 v12, v12;
	v29 =	vmovc v13  }
0x41: {  	v31 =	vor.u32 $0x1, v24;
	v9 =	vadd.f32 v23, v9;
	v0 =	vadd.f32 v14, v0;
	v30 =	vld [tilespmem:s20+$0x14050]  }
0x42: {  	v6 =	vadd.f32 v12, v6;
	v14 =	vmul.f32 v12, v15;
	v5 =	vadd.f32 v25, v5;
	v24 =	vld [tilespmem:s20+$0x13880]  }
0x43: {  	v4 =	vadd.f32 v16, v4;
	v13 =	vld.idx.msk [tilespmem:v21+s10+$0x0], $0xffff;
	v21 =	vmul.f32 v2, v12;
	v2 =	vsub.f32 v17, v10  }
.Ltmp0:
0x44: {  	v3 =	vadd.f32 v28, v3;
	v15 =	vsub.f32 v18, v29;
	v10 =	vld.idx.msk [tilespmem:v22+s10+$0x0], $0xffff;
	(pc) =	sbr.rel @p0 .LBB2_3-.Ltmp0, $4  }
0x45: {  	v12 =	vsub.f32 v19, v7;
	v7 =	vld.idx.msk [tilespmem:v20+s10+$0x0], $0xffff;
	v16 =	vmul.f32 v2, v2;
	v1 =	vadd.f32 v21, v1  }
0x46: {  	v8 =	vadd.f32 v2, v8;
	v23 =	vmul.f32 v15, v15;
	v19 =	vshll.u32 v30, $0x2;
	v17 =	vld.idx.msk [tilespmem:v27+s5+$0x0], $0xffff  }
0x47: {  	v11 =	vadd.f32 v15, v11;
	v24 =	vshll.u32 v24, $0x2;
	v21 =	vor.u32 $0x1, v19;
	v18 =	vld.idx.msk [tilespmem:v31+s5+$0x0], $0xffff  }
0x48: {  	v25 =	vmul.f32 v2, v15;
	v20 =	vor.u32 $0x2, v19;
	v22 =	vor.u32 $0x3, v19;
	v19 =	vld.idx.msk [tilespmem:v26+s5+$0x0], $0xffff  }
0x49: {  	_ = 	snop  }
0x4a: {  	v26 =	vor.u32 $0x1, v24  }
0x4b: {  	v27 =	vor.u32 $0x3, v24;
	v51 =	vor.u32 $0x2, v24;
	v9 =	vadd.f32 v23, v9  }
0x4c: {  	v52 =	vmul.f32 v12, v12;
	v0 =	vadd.f32 v14, v0;
	v6 =	vadd.f32 v12, v6  }
0x4d: {  	v21 =	vld.idx.msk [tilespmem:v21+s10+$0x0], $0xffff;
	v4 =	vadd.f32 v16, v4;
	v2 =	vmul.f32 v2, v12;
	v5 =	vadd.f32 v25, v5  }
0x4e: {  	v53 =	vld.idx.msk [tilespmem:v22+s10+$0x0], $0xffff;
	v15 =	vmul.f32 v12, v15;
	v10 =	vsub.f32 v17, v10;
	v3 =	vadd.f32 v52, v3  }
0x4f: {  	v1 =	vadd.f32 v2, v1;
	v13 =	vsub.f32 v18, v13;
	v55 =	vld.idx.msk [tilespmem:v26+s5+$0x0], $0xffff  }
0x50: {  	v0 =	vadd.f32 v15, v0;
	v7 =	vsub.f32 v19, v7;
	v58 =	vmul.f32 v10, v10;
	v56 =	vld.idx.msk [tilespmem:v27+s5+$0x0], $0xffff  }
0x51: {  	v54 =	vld.idx.msk [tilespmem:v20+s10+$0x0], $0xffff;
	v2 =	vadd.f32 v10, v8;
	v57 =	vmul.f32 v13, v13;
	v11 =	vadd.f32 v13, v11  }
0x52: {  	v8 =	vld.idx.msk [tilespmem:v51+s5+$0x0], $0xffff;
	v59 =	vmul.f32 v10, v13;
	v60 =	vmul.f32 v7, v7;
	v6 =	vadd.f32 v7, v6  }
0x53: {  	v13 =	vmul.f32 v7, v13;
	v4 =	vadd.f32 v58, v4;
	v9 =	vadd.f32 v57, v9  }
0x54: {  	v61 =	vadd.f32 v59, v5;
	v5 =	vmul.f32 v10, v7;
	v3 =	vadd.f32 v60, v3  }
0x55: {  	v12 =	vsub.f32 v55, v21;
	v14 =	vsub.f32 v56, v53  }
0x56: {  	s18 =	sadd.s32 $0x1, s18;
	v0 =	vadd.f32 v13, v0;
	v1 =	vadd.f32 v5, v1  }
0x57: {  	p0 =	sne.s32 s18, $0x5;
	v10 =	vsub.f32 v8, v54;
	v62 =	vmul.f32 v12, v12;
	v63 =	vmul.f32 v14, v14  }
.Ltmp1:
0x58: {  	v7 =	vadd.f32 v14, v2;
	v8 =	vadd.f32 v12, v11;
	v2 =	vmul.f32 v14, v12;
	(pc) =	sbr.rel @p0 .LBB2_2-.Ltmp1, $4  }
0x59: {  	v6 =	vadd.f32 v10, v6;
	v11 =	vmul.f32 v10, v12;
	v5 =	vadd.f32 v62, v9  }
0x5a: {  	v9 =	vmul.f32 v10, v10;
	v2 =	vadd.f32 v2, v61;
	v10 =	vmul.f32 v14, v10  }
0x5b: {  	v4 =	vadd.f32 v63, v4;
	v0 =	vadd.f32 v11, v0  }
0x5c: {  	v3 =	vadd.f32 v9, v3;
	v1 =	vadd.f32 v10, v1  }
0x5d: {  	[tilespmem:$0x14820] =	vst v8  }
0x5e: {  	[tilespmem:$0x14830] =	vst v6  }
0x5f: {  	[tilespmem:$0x14840] =	vst v7  }
0x60: {  	[tilespmem:$0x14850] =	vst v5  }
0x61: {  	[tilespmem:$0x14870] =	vst v4  }
0x62: {  	[tilespmem:$0x14880] =	vst v0  }
0x63: {  	[tilespmem:$0x148A0] =	vst v2;
	s17 =	sadd.s32 $0x1, s17  }
0x64: {  	[tilespmem:$0x14860] =	vst v3;
	p0 =	sne.s32 s17, s9  }
.Ltmp2:
0x65: {  	[tilespmem:$0x14890] =	vst v1;
	(pc) =	sbr.rel @p0 .LBB2_1-.Ltmp2, $4  }
0x66: {  	[hbm4b:s8+s5] =	stream.linear.scatter [tilespmem:s16], [sflag:$0x3], $0x90, $0x38;
	[tilespmem:$0x148B0] =	vst v63  }
0x67: {  	_ =	swait.ge [sflag:s14], $0x90  }
0x68: {  	[sflag:s14] =	ssyncset.done $0x0  }
0x69: {  	[sflag:s14] =	ssyncadd.s32 $0xFFFFFF70  }
0x6a: {  	_ =	sfence.sel $0x180000  }
0x6b: {  	[bflag:$0x0] =	sbarrier.arrive $0xFFFF  }
0x6c: {  	p0 =	sne.s32 s2, $0x0;
	_ =	strace $0x90000047  }
0x6d: {  	s0 =	sadd.s32 @!p0 $0x100000, s1;
	[bflag:$0x2] =	sbarrier.arrive $0xFFFF  }
0x6e: {  	[sflag:s0] =	ssyncadd.tile.s32 @!p0 $0x1;
	_ =	shalt  }
.Lfunc_end2:
_tile_overlayer_lowered:
.L_overlay_start_2:
0x6f: {  	(tag) =	ssettag $0x2  }
0x70: {  	s0 =	rddreg [dreg:$0x0];
	s2 =	stileid.u32  }
0x71: {  	s1 =	rddreg [dreg:$0x1];
	p0 =	sne.s32 s2, $0x0  }
0x72: {  	s3 =	rddreg [dreg:$0x2];
	[bflag:$0x3] =	sbarrier.arrive $0xFFFF;
	s2 =	simm.s32 @!p0 $0x1C03  }
0x73: {  	[timem:s3], [sflag:s2] =	dma.local @!p0 [hbm:s0], s1  }
0x74: {  	s0 =	simm.s32 @!p0 $0x3  }
0x75: {  	_ =	swait.ge @!p0 [sflag:s0], s1  }
0x76: {  	s1 =	ssub.s32 @!p0 $0x0, s1;
	[sflag:s0] =	ssyncset.done @!p0 $0x0  }
0x77: {  	[sflag:s0] =	ssyncadd.s32 @!p0 s1  }
0x78: {  	[bflag:$0x3] =	sbarrier.arrive $0xFFFF  }
0x79: {  	_ =	shalt  }

</sc_bundles>
